<compile_context>
chip_gen: v7x
topology: tpu7x:2x2x1
jax: 0.10.2.dev20260603
libtpu: 0.0.44.dev20260713+nightly
codegen_flags: <defaults>
</compile_context>

<pallas_src>
import functools

import jax
import jax.numpy as jnp
from jax import lax
from jax.experimental import pallas as pl
from jax.experimental.pallas import tpu as pltpu
from jax.experimental.pallas import tpu_sc as plsc

N_NODES = 10000
N_PAD = 10240
ROWS_PER_TEC = 640
E = 320000
CHUNK = 80
N_TECS = 32
EDGES_PER_TEC = E // N_TECS
CHUNKS_PER_TEC = EDGES_PER_TEC // CHUNK
PHASES = (64, 61)
IDX_WORDS = max(PHASES) * CHUNK
D = 128


def _sc_aggregate(ei_flat, table, with_deg):
    mesh = plsc.VectorSubcoreMesh(core_axis_name="c", subcore_axis_name="s")

    out_type = [jax.ShapeDtypeStruct((N_PAD, D), jnp.float32),
                jax.ShapeDtypeStruct((N_PAD, D), jnp.float32)]
    scratch = [
        pltpu.VMEM((IDX_WORDS,), jnp.int32),
        pltpu.VMEM((IDX_WORDS,), jnp.int32),
        pltpu.VMEM((CHUNK,), jnp.int32),
        pltpu.VMEM((CHUNK,), jnp.int32),
        pltpu.VMEM((CHUNK, D), jnp.float32),
        pltpu.VMEM((CHUNK, D), jnp.float32),
        pltpu.VMEM((16, D), jnp.float32),
        pltpu.VMEM_SHARED((N_PAD, D), jnp.float32),
        pltpu.SemaphoreType.DMA,
        pltpu.SemaphoreType.DMA,
        pltpu.SemaphoreType.DMA,
        pltpu.SemaphoreType.DMA,
    ]
    if with_deg:
        out_type.append(jax.ShapeDtypeStruct((N_PAD,), jnp.float32))
        out_type.append(jax.ShapeDtypeStruct((N_PAD,), jnp.float32))
        scratch += [
            pltpu.VMEM((CHUNK,), jnp.float32),
            pltpu.VMEM_SHARED((N_PAD,), jnp.float32),
            pltpu.SemaphoreType.DMA,
            pltpu.SemaphoreType.DMA,
        ]

    @functools.partial(pl.kernel, mesh=mesh, out_type=tuple(out_type),
                       scratch_types=scratch)
    def agg_kernel(ei_hbm, tab_hbm, agga_hbm, aggb_hbm, *rest):
        if with_deg:
            (dega_hbm, degb_hbm, src_v, dst_v, di0, di1, buf0, buf1,
             ztile_v, acc_sh, g0, g1, s0, s1, ones_v, dacc_sh, d0, d1) = rest
        else:
            (src_v, dst_v, di0, di1, buf0, buf1, ztile_v, acc_sh,
             g0, g1, s0, s1) = rest
        c = lax.axis_index("c")
        s = lax.axis_index("s")
        wid = c * 16 + s
        row0 = s * ROWS_PER_TEC
        ebase = wid * EDGES_PER_TEC
        bufs = (buf0, buf1)
        dis = (di0, di1)
        gsems = (g0, g1)
        ssems = (s0, s1)

        zeros16 = jnp.zeros((16,), jnp.float32)

        def _zt(r, carry):
            for k in range(D // 16):
                ztile_v[r, pl.ds(k * 16, 16)] = zeros16
            return carry
        lax.fori_loop(0, 16, _zt, 0)

        def _zacc(j, carry):
            pltpu.sync_copy(ztile_v, acc_sh.at[pl.ds(row0 + j * 16, 16)])
            return carry
        lax.fori_loop(0, ROWS_PER_TEC // 16, _zacc, 0)

        if with_deg:
            ones16 = jnp.ones((16,), jnp.float32)
            for k in range(CHUNK // 16):
                ones_v[pl.ds(k * 16, 16)] = ones16
            for k in range(ROWS_PER_TEC // D):
                pltpu.sync_copy(ztile_v.at[0],
                                dacc_sh.at[pl.ds(row0 + k * D, D)])

        plsc.subcore_barrier()

        def _gidx(cc):
            return src_v.at[pl.ds(cc * CHUNK, CHUNK)]

        def _stage_di(cc, b):
            for k in range(CHUNK // 16):
                dis[b][pl.ds(k * 16, 16)] = dst_v[pl.ds(cc * CHUNK + k * 16,
                                                        16)]

        def _gwait(b):
            pltpu.make_async_copy(tab_hbm.at[_gidx(0)], bufs[b],
                                  gsems[b]).wait()

        def _swait(b):
            pltpu.make_async_copy(bufs[b], acc_sh.at[dis[b]],
                                  ssems[b]).wait()

        if with_deg:
            dsems = (d0, d1)

            def _dwait(b):
                pltpu.make_async_copy(ones_v, dacc_sh.at[dis[b]],
                                      dsems[b]).wait()

        def _deg_wait_prev(p, b):
            pl.when(p > 0)(lambda: _dwait(b))

        def _deg_issue(b):
            pltpu.async_copy(ones_v, dacc_sh.at[dis[b]], dsems[b], add=True)

        def _phase(off, n):
            even = n % 2 == 0
            np_ = (n - 2) // 2 if even else (n - 1) // 2
            pltpu.sync_copy(ei_hbm.at[pl.ds(ebase + off * CHUNK, n * CHUNK)],
                            src_v.at[pl.ds(0, n * CHUNK)])
            pltpu.sync_copy(ei_hbm.at[pl.ds(E + ebase + off * CHUNK,
                                            n * CHUNK)],
                            dst_v.at[pl.ds(0, n * CHUNK)])
            pltpu.async_copy(tab_hbm.at[_gidx(0)], buf0, g0)
            pltpu.async_copy(tab_hbm.at[_gidx(1)], buf1, g1)

            def _pair(p, carry):
                ca = 2 * p
                if with_deg:
                    _deg_wait_prev(p, 0)
                _stage_di(ca, 0)
                _gwait(0)
                pltpu.async_copy(bufs[0], acc_sh.at[di0], s0, add=True)
                if with_deg:
                    _deg_issue(0)
                if with_deg:
                    _deg_wait_prev(p, 1)
                _stage_di(ca + 1, 1)
                _gwait(1)
                _swait(0)
                nxt_e = jnp.minimum(ca + 2, n - 1)
                pltpu.async_copy(tab_hbm.at[_gidx(nxt_e)], buf0, g0)
                pltpu.async_copy(bufs[1], acc_sh.at[di1], s1, add=True)
                if with_deg:
                    _deg_issue(1)
                _swait(1)
                nxt_o = jnp.minimum(ca + 3, n - 1)

                def _prefetch_odd():
                    pltpu.async_copy(tab_hbm.at[_gidx(nxt_o)], buf1, g1)
                if even:
                    _prefetch_odd()
                else:
                    pl.when(p < np_ - 1)(_prefetch_odd)
                return carry
            lax.fori_loop(0, np_, _pair, 0)

            if with_deg:
                _dwait(0)
            _stage_di(n - 2 if even else n - 1, 0)
            _gwait(0)
            pltpu.async_copy(bufs[0], acc_sh.at[di0], s0, add=True)
            if with_deg:
                pltpu.sync_copy(ones_v, dacc_sh.at[di0], add=True)
            if even:
                if with_deg:
                    _dwait(1)
                _stage_di(n - 1, 1)
                _gwait(1)
                _swait(0)
                pltpu.async_copy(bufs[1], acc_sh.at[di1], s1, add=True)
                if with_deg:
                    pltpu.sync_copy(ones_v, dacc_sh.at[di1], add=True)
                _swait(1)
            else:
                if with_deg:
                    _dwait(1)
                _swait(0)

        off = 0
        for n in PHASES:
            _phase(off, n)
            off += n

        plsc.subcore_barrier()

        pl.when(c == 0)(
            lambda: pltpu.sync_copy(acc_sh.at[pl.ds(row0, ROWS_PER_TEC)],
                                    agga_hbm.at[pl.ds(row0, ROWS_PER_TEC)]))
        pl.when(c == 1)(
            lambda: pltpu.sync_copy(acc_sh.at[pl.ds(row0, ROWS_PER_TEC)],
                                    aggb_hbm.at[pl.ds(row0, ROWS_PER_TEC)]))
        if with_deg:
            pl.when((s == 0) & (c == 0))(
                lambda: pltpu.sync_copy(dacc_sh, dega_hbm))
            pl.when((s == 0) & (c == 1))(
                lambda: pltpu.sync_copy(dacc_sh, degb_hbm))

    return agg_kernel(ei_flat, table)


def _tc_dense(agga, aggb, dega, degb, xin, W_l, b, W_r, relu):
    B = 2000

    def body(agga_ref, aggb_ref, dega_ref, degb_ref, x_ref, wl_ref, wr_ref,
             b_ref, o_ref):
        ssum = agga_ref[...] + aggb_ref[...]
        dsum = dega_ref[...] + degb_ref[...]
        mean = ssum / jnp.maximum(dsum, 1.0)
        acc = (jnp.dot(mean, wl_ref[...], preferred_element_type=jnp.float32)
               + jnp.dot(x_ref[...], wr_ref[...], preferred_element_type=jnp.float32)
               + b_ref[...])
        o_ref[...] = jnp.maximum(acc, 0.0) if relu else acc

    return pl.pallas_call(
        body,
        grid=(N_NODES // B,),
        in_specs=[
            pl.BlockSpec((B, D), lambda i: (i, 0)),
            pl.BlockSpec((B, D), lambda i: (i, 0)),
            pl.BlockSpec((B, 1), lambda i: (i, 0)),
            pl.BlockSpec((B, 1), lambda i: (i, 0)),
            pl.BlockSpec((B, D), lambda i: (i, 0)),
            pl.BlockSpec((D, D), lambda i: (0, 0)),
            pl.BlockSpec((D, D), lambda i: (0, 0)),
            pl.BlockSpec((1, D), lambda i: (0, 0)),
        ],
        out_specs=pl.BlockSpec((B, D), lambda i: (i, 0)),
        out_shape=jax.ShapeDtypeStruct((N_NODES, D), jnp.float32),
    )(agga, aggb, dega, degb, xin, W_l, W_r, b)


def kernel(x, edge_index, W1_l, b1, W1_r, W2_l, b2, W2_r):
    ei_flat = edge_index.astype(jnp.int32).reshape(2 * E)
    b1r = b1.reshape(1, D)
    b2r = b2.reshape(1, D)

    agg1a, agg1b, dega, degb = _sc_aggregate(ei_flat, x, with_deg=True)
    dega = dega.reshape(N_PAD, 1)
    degb = degb.reshape(N_PAD, 1)
    h = _tc_dense(agg1a, agg1b, dega, degb, x, W1_l, b1r, W1_r, relu=True)
    agg2a, agg2b = _sc_aggregate(ei_flat, h, with_deg=False)
    out = _tc_dense(agg2a, agg2b, dega, degb, h, W2_l, b2r, W2_r, relu=False)
    return out

# --- scband reference (transcript-rebuilt; emitter-appended) ---
"""Pipeline reference for scband-sage-17428977287481 (READ-ONLY COPY).

The authoritative reference and input builder live on the scoring server;
editing this copy changes nothing except your own understanding.
"""

import jax, jax.numpy as jnp
import numpy as np

N_NODES = 10000
N_EDGES = 320000
D_IN = 128
D_HID = 128
D_OUT = 128


def setup_inputs(seed: int = 0) -> dict:
    key = jax.random.key(seed)
    ks = jax.random.split(key, 8)
    x = jax.random.normal(ks[0], (N_NODES, D_IN), dtype=jnp.float32)
    edge_index = jax.random.randint(ks[1], (2, N_EDGES), 0, N_NODES, dtype=jnp.int64)
    s1 = 1.0 / np.sqrt(D_IN)
    s2 = 1.0 / np.sqrt(D_HID)
    W1_l = jax.random.uniform(ks[2], (D_IN, D_HID), minval=-s1, maxval=s1, dtype=jnp.float32)
    b1 = jnp.zeros((D_HID,), dtype=jnp.float32)
    W1_r = jax.random.uniform(ks[3], (D_IN, D_HID), minval=-s1, maxval=s1, dtype=jnp.float32)
    W2_l = jax.random.uniform(ks[4], (D_HID, D_OUT), minval=-s2, maxval=s2, dtype=jnp.float32)
    b2 = jnp.zeros((D_OUT,), dtype=jnp.float32)
    W2_r = jax.random.uniform(ks[5], (D_HID, D_OUT), minval=-s2, maxval=s2, dtype=jnp.float32)
    return {"x": x, "edge_index": edge_index, "W1_l": W1_l, "b1": b1, "W1_r": W1_r,
            "W2_l": W2_l, "b2": b2, "W2_r": W2_r}


def _sage_conv(x, edge_index, W_l, b_l, W_r):
    # PyG SAGEConv with mean aggregation:
    #   out = lin_l(mean_{j in N(i)} x_j) + lin_r(x_i)
    src = edge_index[0]
    dst = edge_index[1]
    msgs = jnp.take(x, src, axis=0)                      # gather  [E, d]
    agg = jax.ops.segment_sum(msgs, dst, num_segments=N_NODES)   # scatter-add
    deg = jax.ops.segment_sum(jnp.ones((msgs.shape[0],), dtype=x.dtype), dst,
                              num_segments=N_NODES)
    mean = agg / jnp.clip(deg, 1.0)[:, None]
    return mean @ W_l + b_l + x @ W_r


def reference(x, edge_index, W1_l, b1, W1_r, W2_l, b2, W2_r):
    # layer 1 + relu (dropout p=0.0 / eval mode -> identity)
    h = _sage_conv(x, edge_index, W1_l, b1, W1_r)
    h = jax.nn.relu(h)
    # final layer (no activation)
    out = _sage_conv(h, edge_index, W2_l, b2, W2_r)
    return out

if __name__ == "__main__":
    import jax
    _d = setup_inputs()
    print(jax.jit(kernel)(*tuple(_d.values())))

</pallas_src>

<mosaic_0001>
#map = affine_map<(d0, d1) -> (0)>
#map1 = affine_map<(d0, d1) -> (0, 0)>
module attributes {stable_mosaic.version = 14 : i64} {
  func.func @agg_kernel(%arg0: i32, %arg1: i32, %arg2: memref<640000xi32, #tpu.memory_space<hbm>>, %arg3: memref<10000x128xf32, #tpu.memory_space<hbm>>, %arg4: memref<10240x128xf32, #tpu.memory_space<hbm>>, %arg5: memref<10240x128xf32, #tpu.memory_space<hbm>>, %arg6: memref<5120xi32, #tpu.memory_space<vmem>>, %arg7: memref<5120xi32, #tpu.memory_space<vmem>>, %arg8: memref<80xi32, #tpu.memory_space<vmem>>, %arg9: memref<80xi32, #tpu.memory_space<vmem>>, %arg10: memref<80x128xf32, #tpu.memory_space<vmem>>, %arg11: memref<80x128xf32, #tpu.memory_space<vmem>>, %arg12: memref<16x128xf32, #tpu.memory_space<vmem>>, %arg13: memref<10240x128xf32, #tpu.memory_space<vmem_shared>>, %arg14: memref<!tpu.dma_semaphore, #tpu.memory_space<semaphore_mem>>, %arg15: memref<!tpu.dma_semaphore, #tpu.memory_space<semaphore_mem>>, %arg16: memref<!tpu.dma_semaphore, #tpu.memory_space<semaphore_mem>>, %arg17: memref<!tpu.dma_semaphore, #tpu.memory_space<semaphore_mem>>) attributes {dimension_semantics = [#tpu.dimension_semantics<core_parallel>, #tpu.dimension_semantics<subcore_parallel>], iteration_bounds = array<i64: 2, 16>, scalar_prefetch = 0 : i64, scratch_operands = 12 : i64, tpu.core_type = #tpu.core_type<sc_vector_subcore>, window_params = [{transform_indices = #map}, {transform_indices = #map1}, {transform_indices = #map1}, {transform_indices = #map1}]} {
    %mul3A = arith.constant 16 : i32
    %mul3A_0 = arith.muli %arg0, %mul3A : i32
    %add3A = arith.addi %mul3A_0, %arg1 : i32
    %mul3A_1 = arith.constant 640 : i32
    %mul3A_2 = arith.muli %arg1, %mul3A_1 : i32
    %mul3A_3 = arith.constant 10000 : i32
    %mul3A_4 = arith.muli %add3A, %mul3A_3 : i32
    %broadcast_in_dim3A = arith.constant 0.000000e+00 : f32
    %broadcast_in_dim3A_5 = vector.broadcast %broadcast_in_dim3A : f32 to vector<16xf32>
    %scan3A = arith.constant 0 : i32
    %scan3A_6 = arith.constant 0 : i32
    %scan3A_7 = arith.constant 16 : i32
    %scan3A_8 = arith.addi %scan3A_6, %scan3A_7 : i32
    %scan3A_9 = arith.constant 1 : i32
    scf.for %scan3A_203 = %scan3A_6 to %scan3A_8 step %scan3A_9  : i32 {
      %swap3A_204 = arith.index_cast %scan3A_203 : i32 to index
      %swap3A_205 = arith.constant 0 : index
      %swap3A_206 = tpu.vector_load %arg12[%swap3A_204, %swap3A_205] {strides = array<i32>} : memref<16x128xf32, #tpu.memory_space<vmem>>, vector<1x16xf32>,
      %swap3A_207 = vector.shape_cast %swap3A_206 : vector<1x16xf32> to vector<16xf32>
      %swap3A_208 = vector.shape_cast %broadcast_in_dim3A_5 : vector<16xf32> to vector<1x16xf32>
      tpu.vector_store %arg12[%swap3A_204, %swap3A_205], %swap3A_208 {strides = array<i32>} : memref<16x128xf32, #tpu.memory_space<vmem>>, vector<1x16xf32>,
      %swap3A_209 = arith.index_cast %scan3A_203 : i32 to index
      %swap3A_210 = arith.constant 16 : index
      %swap3A_211 = tpu.vector_load %arg12[%swap3A_209, %swap3A_210] {strides = array<i32>} : memref<16x128xf32, #tpu.memory_space<vmem>>, vector<1x16xf32>,
      %swap3A_212 = vector.shape_cast %swap3A_211 : vector<1x16xf32> to vector<16xf32>
      %swap3A_213 = vector.shape_cast %broadcast_in_dim3A_5 : vector<16xf32> to vector<1x16xf32>
      tpu.vector_store %arg12[%swap3A_209, %swap3A_210], %swap3A_213 {strides = array<i32>} : memref<16x128xf32, #tpu.memory_space<vmem>>, vector<1x16xf32>,
      %swap3A_214 = arith.index_cast %scan3A_203 : i32 to index
      %swap3A_215 = arith.constant 32 : index
      %swap3A_216 = tpu.vector_load %arg12[%swap3A_214, %swap3A_215] {strides = array<i32>} : memref<16x128xf32, #tpu.memory_space<vmem>>, vector<1x16xf32>,
      %swap3A_217 = vector.shape_cast %swap3A_216 : vector<1x16xf32> to vector<16xf32>
      %swap3A_218 = vector.shape_cast %broadcast_in_dim3A_5 : vector<16xf32> to vector<1x16xf32>
      tpu.vector_store %arg12[%swap3A_214, %swap3A_215], %swap3A_218 {strides = array<i32>} : memref<16x128xf32, #tpu.memory_space<vmem>>, vector<1x16xf32>,
      %swap3A_219 = arith.index_cast %scan3A_203 : i32 to index
      %swap3A_220 = arith.constant 48 : index
      %swap3A_221 = tpu.vector_load %arg12[%swap3A_219, %swap3A_220] {strides = array<i32>} : memref<16x128xf32, #tpu.memory_space<vmem>>, vector<1x16xf32>,
      %swap3A_222 = vector.shape_cast %swap3A_221 : vector<1x16xf32> to vector<16xf32>
      %swap3A_223 = vector.shape_cast %broadcast_in_dim3A_5 : vector<16xf32> to vector<1x16xf32>
      tpu.vector_store %arg12[%swap3A_219, %swap3A_220], %swap3A_223 {strides = array<i32>} : memref<16x128xf32, #tpu.memory_space<vmem>>, vector<1x16xf32>,
      %swap3A_224 = arith.index_cast %scan3A_203 : i32 to index
      %swap3A_225 = arith.constant 64 : index
      %swap3A_226 = tpu.vector_load %arg12[%swap3A_224, %swap3A_225] {strides = array<i32>} : memref<16x128xf32, #tpu.memory_space<vmem>>, vector<1x16xf32>,
      %swap3A_227 = vector.shape_cast %swap3A_226 : vector<1x16xf32> to vector<16xf32>
      %swap3A_228 = vector.shape_cast %broadcast_in_dim3A_5 : vector<16xf32> to vector<1x16xf32>
      tpu.vector_store %arg12[%swap3A_224, %swap3A_225], %swap3A_228 {strides = array<i32>} : memref<16x128xf32, #tpu.memory_space<vmem>>, vector<1x16xf32>,
      %swap3A_229 = arith.index_cast %scan3A_203 : i32 to index
      %swap3A_230 = arith.constant 80 : index
      %swap3A_231 = tpu.vector_load %arg12[%swap3A_229, %swap3A_230] {strides = array<i32>} : memref<16x128xf32, #tpu.memory_space<vmem>>, vector<1x16xf32>,
      %swap3A_232 = vector.shape_cast %swap3A_231 : vector<1x16xf32> to vector<16xf32>
      %swap3A_233 = vector.shape_cast %broadcast_in_dim3A_5 : vector<16xf32> to vector<1x16xf32>
      tpu.vector_store %arg12[%swap3A_229, %swap3A_230], %swap3A_233 {strides = array<i32>} : memref<16x128xf32, #tpu.memory_space<vmem>>, vector<1x16xf32>,
      %swap3A_234 = arith.index_cast %scan3A_203 : i32 to index
      %swap3A_235 = arith.constant 96 : index
      %swap3A_236 = tpu.vector_load %arg12[%swap3A_234, %swap3A_235] {strides = array<i32>} : memref<16x128xf32, #tpu.memory_space<vmem>>, vector<1x16xf32>,
      %swap3A_237 = vector.shape_cast %swap3A_236 : vector<1x16xf32> to vector<16xf32>
      %swap3A_238 = vector.shape_cast %broadcast_in_dim3A_5 : vector<16xf32> to vector<1x16xf32>
      tpu.vector_store %arg12[%swap3A_234, %swap3A_235], %swap3A_238 {strides = array<i32>} : memref<16x128xf32, #tpu.memory_space<vmem>>, vector<1x16xf32>,
      %swap3A_239 = arith.index_cast %scan3A_203 : i32 to index
      %swap3A_240 = arith.constant 112 : index
      %swap3A_241 = tpu.vector_load %arg12[%swap3A_239, %swap3A_240] {strides = array<i32>} : memref<16x128xf32, #tpu.memory_space<vmem>>, vector<1x16xf32>,
      %swap3A_242 = vector.shape_cast %swap3A_241 : vector<1x16xf32> to vector<16xf32>
      %swap3A_243 = vector.shape_cast %broadcast_in_dim3A_5 : vector<16xf32> to vector<1x16xf32>
      tpu.vector_store %arg12[%swap3A_239, %swap3A_240], %swap3A_243 {strides = array<i32>} : memref<16x128xf32, #tpu.memory_space<vmem>>, vector<1x16xf32>,
    }
    %scan3A_10 = arith.constant 16 : i32
    %scan3A_11 = arith.constant 0 : i32
    %scan3A_12 = arith.constant 0 : i32
    %scan3A_13 = arith.constant 40 : i32
    %scan3A_14 = arith.addi %scan3A_12, %scan3A_13 : i32
    %scan3A_15 = arith.constant 1 : i32
    scf.for %scan3A_203 = %scan3A_12 to %scan3A_14 step %scan3A_15  : i32 {
      %mul3A_204 = arith.constant 16 : i32
      %mul3A_205 = arith.muli %scan3A_203, %mul3A_204 : i32
      %add3A_206 = arith.addi %mul3A_2, %mul3A_205 : i32
      "tpu.region"() ({
        %run_scoped3A = tpu.sem_alloc : memref<!tpu.dma_semaphore, #tpu.memory_space<semaphore_mem>>
        %dma_start3A_207 = arith.constant 0 : i32
        %dma_start3A_208 = tpu.memref_slice %arg13[%add3A_206, %dma_start3A_207] : memref<10240x128xf32, #tpu.memory_space<vmem_shared>> -> memref<16x128xf32, #tpu.memory_space<vmem_shared>>
        %dma_start3A_209 = arith.constant 0 : i32
        %dma_start3A_210 = tpu.memref_slice %arg13[%add3A_206, %dma_start3A_209] : memref<10240x128xf32, #tpu.memory_space<vmem_shared>> -> memref<16x128xf32, #tpu.memory_space<vmem_shared>>
        tpu.enqueue_dma source(%arg12 : memref<16x128xf32, #tpu.memory_space<vmem>>) target(%dma_start3A_210 : memref<16x128xf32, #tpu.memory_space<vmem_shared>>) target_semaphore(%run_scoped3A : memref<!tpu.dma_semaphore, #tpu.memory_space<semaphore_mem>>)
        %dma_wait3A_211 = arith.constant 0 : i32
        %dma_wait3A_212 = tpu.memref_slice %arg13[%add3A_206, %dma_wait3A_211] : memref<10240x128xf32, #tpu.memory_space<vmem_shared>> -> memref<16x128xf32, #tpu.memory_space<vmem_shared>>
        %dma_wait3A_213 = arith.constant 0 : i32
        %dma_wait3A_214 = tpu.memref_slice %arg13[%add3A_206, %dma_wait3A_213] : memref<10240x128xf32, #tpu.memory_space<vmem_shared>> -> memref<16x128xf32, #tpu.memory_space<vmem_shared>>
        tpu.wait_dma2 semaphore(%run_scoped3A : memref<!tpu.dma_semaphore, #tpu.memory_space<semaphore_mem>>) src(%arg12 : memref<16x128xf32, #tpu.memory_space<vmem>>) dst(%dma_wait3A_214 : memref<16x128xf32, #tpu.memory_space<vmem_shared>>)
        tpu.yield
      }) : () -> ()
    }
    %scan3A_16 = arith.constant 40 : i32
    %barrier3A = arith.constant 0 : index
    tpu.barrier barrier_id(%barrier3A)
    %add3A_17 = arith.constant 0 : i32
    %add3A_18 = arith.addi %mul3A_4, %add3A_17 : i32
    "tpu.region"() ({
      %run_scoped3A = tpu.sem_alloc : memref<!tpu.dma_semaphore, #tpu.memory_space<semaphore_mem>>
      %dma_start3A_203 = arith.constant 0 : i32
      %dma_start3A_204 = tpu.memref_slice %arg6[%dma_start3A_203] : memref<5120xi32, #tpu.memory_space<vmem>> -> memref<5120xi32, #tpu.memory_space<vmem>>
      %dma_start3A_205 = tpu.memref_slice %arg2[%add3A_18] : memref<640000xi32, #tpu.memory_space<hbm>> -> memref<5120xi32, #tpu.memory_space<hbm>>
      %dma_start3A_206 = arith.constant 0 : i32
      %dma_start3A_207 = tpu.memref_slice %arg6[%dma_start3A_206] : memref<5120xi32, #tpu.memory_space<vmem>> -> memref<5120xi32, #tpu.memory_space<vmem>>
      %dma_start3A_208 = tpu.memref_slice %arg2[%add3A_18] : memref<640000xi32, #tpu.memory_space<hbm>> -> memref<5120xi32, #tpu.memory_space<hbm>>
      tpu.enqueue_dma source(%dma_start3A_208 : memref<5120xi32, #tpu.memory_space<hbm>>) target(%dma_start3A_207 : memref<5120xi32, #tpu.memory_space<vmem>>) target_semaphore(%run_scoped3A : memref<!tpu.dma_semaphore, #tpu.memory_space<semaphore_mem>>)
      %dma_wait3A_209 = arith.constant 0 : i32
      %dma_wait3A_210 = tpu.memref_slice %arg6[%dma_wait3A_209] : memref<5120xi32, #tpu.memory_space<vmem>> -> memref<5120xi32, #tpu.memory_space<vmem>>
      %dma_wait3A_211 = tpu.memref_slice %arg2[%add3A_18] : memref<640000xi32, #tpu.memory_space<hbm>> -> memref<5120xi32, #tpu.memory_space<hbm>>
      %dma_wait3A_212 = arith.constant 0 : i32
      %dma_wait3A_213 = tpu.memref_slice %arg6[%dma_wait3A_212] : memref<5120xi32, #tpu.memory_space<vmem>> -> memref<5120xi32, #tpu.memory_space<vmem>>
      %dma_wait3A_214 = tpu.memref_slice %arg2[%add3A_18] : memref<640000xi32, #tpu.memory_space<hbm>> -> memref<5120xi32, #tpu.memory_space<hbm>>
      tpu.wait_dma2 semaphore(%run_scoped3A : memref<!tpu.dma_semaphore, #tpu.memory_space<semaphore_mem>>) src(%dma_wait3A_214 : memref<5120xi32, #tpu.memory_space<hbm>>) dst(%dma_wait3A_213 : memref<5120xi32, #tpu.memory_space<vmem>>)
      tpu.yield
    }) : () -> ()
    %add3A_19 = arith.constant 320000 : i32
    %add3A_20 = arith.addi %add3A_19, %mul3A_4 : i32
    %add3A_21 = arith.constant 0 : i32
    %add3A_22 = arith.addi %add3A_20, %add3A_21 : i32
    "tpu.region"() ({
      %run_scoped3A = tpu.sem_alloc : memref<!tpu.dma_semaphore, #tpu.memory_space<semaphore_mem>>
      %dma_start3A_203 = arith.constant 0 : i32
      %dma_start3A_204 = tpu.memref_slice %arg7[%dma_start3A_203] : memref<5120xi32, #tpu.memory_space<vmem>> -> memref<5120xi32, #tpu.memory_space<vmem>>
      %dma_start3A_205 = tpu.memref_slice %arg2[%add3A_22] : memref<640000xi32, #tpu.memory_space<hbm>> -> memref<5120xi32, #tpu.memory_space<hbm>>
      %dma_start3A_206 = arith.constant 0 : i32
      %dma_start3A_207 = tpu.memref_slice %arg7[%dma_start3A_206] : memref<5120xi32, #tpu.memory_space<vmem>> -> memref<5120xi32, #tpu.memory_space<vmem>>
      %dma_start3A_208 = tpu.memref_slice %arg2[%add3A_22] : memref<640000xi32, #tpu.memory_space<hbm>> -> memref<5120xi32, #tpu.memory_space<hbm>>
      tpu.enqueue_dma source(%dma_start3A_208 : memref<5120xi32, #tpu.memory_space<hbm>>) target(%dma_start3A_207 : memref<5120xi32, #tpu.memory_space<vmem>>) target_semaphore(%run_scoped3A : memref<!tpu.dma_semaphore, #tpu.memory_space<semaphore_mem>>)
      %dma_wait3A_209 = arith.constant 0 : i32
      %dma_wait3A_210 = tpu.memref_slice %arg7[%dma_wait3A_209] : memref<5120xi32, #tpu.memory_space<vmem>> -> memref<5120xi32, #tpu.memory_space<vmem>>
      %dma_wait3A_211 = tpu.memref_slice %arg2[%add3A_22] : memref<640000xi32, #tpu.memory_space<hbm>> -> memref<5120xi32, #tpu.memory_space<hbm>>
      %dma_wait3A_212 = arith.constant 0 : i32
      %dma_wait3A_213 = tpu.memref_slice %arg7[%dma_wait3A_212] : memref<5120xi32, #tpu.memory_space<vmem>> -> memref<5120xi32, #tpu.memory_space<vmem>>
      %dma_wait3A_214 = tpu.memref_slice %arg2[%add3A_22] : memref<640000xi32, #tpu.memory_space<hbm>> -> memref<5120xi32, #tpu.memory_space<hbm>>
      tpu.wait_dma2 semaphore(%run_scoped3A : memref<!tpu.dma_semaphore, #tpu.memory_space<semaphore_mem>>) src(%dma_wait3A_214 : memref<5120xi32, #tpu.memory_space<hbm>>) dst(%dma_wait3A_213 : memref<5120xi32, #tpu.memory_space<vmem>>)
      tpu.yield
    }) : () -> ()
    %dma_start3A = arith.constant 0 : i32
    %dma_start3A_23 = tpu.memref_slice %arg6[%dma_start3A] : memref<5120xi32, #tpu.memory_space<vmem>> -> memref<80xi32, #tpu.memory_space<vmem>>
    %dma_start3A_24 = arith.constant 0 : i32
    %dma_start3A_25 = arith.constant 0 : i32
    %dma_start3A_26 = tpu.memref_slice %arg3[%dma_start3A_24, %dma_start3A_25] : memref<10000x128xf32, #tpu.memory_space<hbm>> -> memref<10000x128xf32, #tpu.memory_space<hbm>>
    tpu.enqueue_indirect_dma source(%dma_start3A_26 : memref<10000x128xf32, #tpu.memory_space<hbm>>) target(%arg10 : memref<80x128xf32, #tpu.memory_space<vmem>>) offsets(%dma_start3A_23 : memref<80xi32, #tpu.memory_space<vmem>>) semaphore(%arg14 : memref<!tpu.dma_semaphore, #tpu.memory_space<semaphore_mem>>)
    %dma_start3A_27 = arith.constant 80 : i32
    %dma_start3A_28 = tpu.memref_slice %arg6[%dma_start3A_27] : memref<5120xi32, #tpu.memory_space<vmem>> -> memref<80xi32, #tpu.memory_space<vmem>>
    %dma_start3A_29 = arith.constant 0 : i32
    %dma_start3A_30 = arith.constant 0 : i32
    %dma_start3A_31 = tpu.memref_slice %arg3[%dma_start3A_29, %dma_start3A_30] : memref<10000x128xf32, #tpu.memory_space<hbm>> -> memref<10000x128xf32, #tpu.memory_space<hbm>>
    tpu.enqueue_indirect_dma source(%dma_start3A_31 : memref<10000x128xf32, #tpu.memory_space<hbm>>) target(%arg11 : memref<80x128xf32, #tpu.memory_space<vmem>>) offsets(%dma_start3A_28 : memref<80xi32, #tpu.memory_space<vmem>>) semaphore(%arg15 : memref<!tpu.dma_semaphore, #tpu.memory_space<semaphore_mem>>)
    %scan3A_32 = arith.constant 0 : i32
    %scan3A_33 = arith.constant 0 : i32
    %scan3A_34 = arith.constant 31 : i32
    %scan3A_35 = arith.addi %scan3A_33, %scan3A_34 : i32
    %scan3A_36 = arith.constant 1 : i32
    scf.for %scan3A_203 = %scan3A_33 to %scan3A_35 step %scan3A_36  : i32 {
      %mul3A_204 = arith.constant 2 : i32
      %mul3A_205 = arith.muli %mul3A_204, %scan3A_203 : i32
      %mul3A_206 = arith.constant 80 : i32
      %mul3A_207 = arith.muli %mul3A_205, %mul3A_206 : i32
      %add3A_208 = arith.constant 0 : i32
      %add3A_209 = arith.addi %mul3A_207, %add3A_208 : i32
      %get3A_210 = arith.index_cast %add3A_209 : i32 to index
      %get3A_211 = tpu.vector_load %arg7[%get3A_210] {strides = array<i32>} : memref<5120xi32, #tpu.memory_space<vmem>>, vector<16xi32>,
      %get3A_212 = vector.shape_cast %get3A_211 : vector<16xi32> to vector<16xi32>
      %swap3A_213 = arith.constant 0 : index
      %swap3A_214 = tpu.vector_load %arg8[%swap3A_213] {strides = array<i32>} : memref<80xi32, #tpu.memory_space<vmem>>, vector<16xi32>,
      %swap3A_215 = vector.shape_cast %swap3A_214 : vector<16xi32> to vector<16xi32>
      %swap3A_216 = vector.shape_cast %get3A_212 : vector<16xi32> to vector<16xi32>
      tpu.vector_store %arg8[%swap3A_213], %swap3A_216 {strides = array<i32>} : memref<80xi32, #tpu.memory_space<vmem>>, vector<16xi32>,
      %mul3A_217 = arith.constant 80 : i32
      %mul3A_218 = arith.muli %mul3A_205, %mul3A_217 : i32
      %add3A_219 = arith.constant 16 : i32
      %add3A_220 = arith.addi %mul3A_218, %add3A_219 : i32
      %get3A_221 = arith.index_cast %add3A_220 : i32 to index
      %get3A_222 = tpu.vector_load %arg7[%get3A_221] {strides = array<i32>} : memref<5120xi32, #tpu.memory_space<vmem>>, vector<16xi32>,
      %get3A_223 = vector.shape_cast %get3A_222 : vector<16xi32> to vector<16xi32>
      %swap3A_224 = arith.constant 16 : index
      %swap3A_225 = tpu.vector_load %arg8[%swap3A_224] {strides = array<i32>} : memref<80xi32, #tpu.memory_space<vmem>>, vector<16xi32>,
      %swap3A_226 = vector.shape_cast %swap3A_225 : vector<16xi32> to vector<16xi32>
      %swap3A_227 = vector.shape_cast %get3A_223 : vector<16xi32> to vector<16xi32>
      tpu.vector_store %arg8[%swap3A_224], %swap3A_227 {strides = array<i32>} : memref<80xi32, #tpu.memory_space<vmem>>, vector<16xi32>,
      %mul3A_228 = arith.constant 80 : i32
      %mul3A_229 = arith.muli %mul3A_205, %mul3A_228 : i32
      %add3A_230 = arith.constant 32 : i32
      %add3A_231 = arith.addi %mul3A_229, %add3A_230 : i32
      %get3A_232 = arith.index_cast %add3A_231 : i32 to index
      %get3A_233 = tpu.vector_load %arg7[%get3A_232] {strides = array<i32>} : memref<5120xi32, #tpu.memory_space<vmem>>, vector<16xi32>,
      %get3A_234 = vector.shape_cast %get3A_233 : vector<16xi32> to vector<16xi32>
      %swap3A_235 = arith.constant 32 : index
      %swap3A_236 = tpu.vector_load %arg8[%swap3A_235] {strides = array<i32>} : memref<80xi32, #tpu.memory_space<vmem>>, vector<16xi32>,
      %swap3A_237 = vector.shape_cast %swap3A_236 : vector<16xi32> to vector<16xi32>
      %swap3A_238 = vector.shape_cast %get3A_234 : vector<16xi32> to vector<16xi32>
      tpu.vector_store %arg8[%swap3A_235], %swap3A_238 {strides = array<i32>} : memref<80xi32, #tpu.memory_space<vmem>>, vector<16xi32>,
      %mul3A_239 = arith.constant 80 : i32
      %mul3A_240 = arith.muli %mul3A_205, %mul3A_239 : i32
      %add3A_241 = arith.constant 48 : i32
      %add3A_242 = arith.addi %mul3A_240, %add3A_241 : i32
      %get3A_243 = arith.index_cast %add3A_242 : i32 to index
      %get3A_244 = tpu.vector_load %arg7[%get3A_243] {strides = array<i32>} : memref<5120xi32, #tpu.memory_space<vmem>>, vector<16xi32>,
      %get3A_245 = vector.shape_cast %get3A_244 : vector<16xi32> to vector<16xi32>
      %swap3A_246 = arith.constant 48 : index
      %swap3A_247 = tpu.vector_load %arg8[%swap3A_246] {strides = array<i32>} : memref<80xi32, #tpu.memory_space<vmem>>, vector<16xi32>,
      %swap3A_248 = vector.shape_cast %swap3A_247 : vector<16xi32> to vector<16xi32>
      %swap3A_249 = vector.shape_cast %get3A_245 : vector<16xi32> to vector<16xi32>
      tpu.vector_store %arg8[%swap3A_246], %swap3A_249 {strides = array<i32>} : memref<80xi32, #tpu.memory_space<vmem>>, vector<16xi32>,
      %mul3A_250 = arith.constant 80 : i32
      %mul3A_251 = arith.muli %mul3A_205, %mul3A_250 : i32
      %add3A_252 = arith.constant 64 : i32
      %add3A_253 = arith.addi %mul3A_251, %add3A_252 : i32
      %get3A_254 = arith.index_cast %add3A_253 : i32 to index
      %get3A_255 = tpu.vector_load %arg7[%get3A_254] {strides = array<i32>} : memref<5120xi32, #tpu.memory_space<vmem>>, vector<16xi32>,
      %get3A_256 = vector.shape_cast %get3A_255 : vector<16xi32> to vector<16xi32>
      %swap3A_257 = arith.constant 64 : index
      %swap3A_258 = tpu.vector_load %arg8[%swap3A_257] {strides = array<i32>} : memref<80xi32, #tpu.memory_space<vmem>>, vector<16xi32>,
      %swap3A_259 = vector.shape_cast %swap3A_258 : vector<16xi32> to vector<16xi32>
      %swap3A_260 = vector.shape_cast %get3A_256 : vector<16xi32> to vector<16xi32>
      tpu.vector_store %arg8[%swap3A_257], %swap3A_260 {strides = array<i32>} : memref<80xi32, #tpu.memory_space<vmem>>, vector<16xi32>,
      %dma_wait3A_261 = arith.constant 0 : i32
      %dma_wait3A_262 = tpu.memref_slice %arg6[%dma_wait3A_261] : memref<5120xi32, #tpu.memory_space<vmem>> -> memref<80xi32, #tpu.memory_space<vmem>>
      %dma_wait3A_263 = arith.constant 0 : i32
      %dma_wait3A_264 = arith.constant 0 : i32
      %dma_wait3A_265 = tpu.memref_slice %arg3[%dma_wait3A_263, %dma_wait3A_264] : memref<10000x128xf32, #tpu.memory_space<hbm>> -> memref<10000x128xf32, #tpu.memory_space<hbm>>
      tpu.wait_indirect_dma semaphore(%arg14 : memref<!tpu.dma_semaphore, #tpu.memory_space<semaphore_mem>>) src(%dma_wait3A_265 : memref<10000x128xf32, #tpu.memory_space<hbm>>) dst(%arg10 : memref<80x128xf32, #tpu.memory_space<vmem>>)
      %dma_start3A_266 = arith.constant 0 : i32
      %dma_start3A_267 = arith.constant 0 : i32
      %dma_start3A_268 = tpu.memref_slice %arg13[%dma_start3A_266, %dma_start3A_267] : memref<10240x128xf32, #tpu.memory_space<vmem_shared>> -> memref<10240x128xf32, #tpu.memory_space<vmem_shared>>
      tpu.enqueue_indirect_dma source(%arg10 : memref<80x128xf32, #tpu.memory_space<vmem>>) target(%dma_start3A_268 : memref<10240x128xf32, #tpu.memory_space<vmem_shared>>) offsets(%arg8 : memref<80xi32, #tpu.memory_space<vmem>>) semaphore(%arg16 : memref<!tpu.dma_semaphore, #tpu.memory_space<semaphore_mem>>) {add = true}
      %add3A_269 = arith.constant 1 : i32
      %add3A_270 = arith.addi %mul3A_205, %add3A_269 : i32
      %mul3A_271 = arith.constant 80 : i32
      %mul3A_272 = arith.muli %add3A_270, %mul3A_271 : i32
      %add3A_273 = arith.constant 0 : i32
      %add3A_274 = arith.addi %mul3A_272, %add3A_273 : i32
      %get3A_275 = arith.index_cast %add3A_274 : i32 to index
      %get3A_276 = tpu.vector_load %arg7[%get3A_275] {strides = array<i32>} : memref<5120xi32, #tpu.memory_space<vmem>>, vector<16xi32>,
      %get3A_277 = vector.shape_cast %get3A_276 : vector<16xi32> to vector<16xi32>
      %swap3A_278 = arith.constant 0 : index
      %swap3A_279 = tpu.vector_load %arg9[%swap3A_278] {strides = array<i32>} : memref<80xi32, #tpu.memory_space<vmem>>, vector<16xi32>,
      %swap3A_280 = vector.shape_cast %swap3A_279 : vector<16xi32> to vector<16xi32>
      %swap3A_281 = vector.shape_cast %get3A_277 : vector<16xi32> to vector<16xi32>
      tpu.vector_store %arg9[%swap3A_278], %swap3A_281 {strides = array<i32>} : memref<80xi32, #tpu.memory_space<vmem>>, vector<16xi32>,
      %mul3A_282 = arith.constant 80 : i32
      %mul3A_283 = arith.muli %add3A_270, %mul3A_282 : i32
      %add3A_284 = arith.constant 16 : i32
      %add3A_285 = arith.addi %mul3A_283, %add3A_284 : i32
      %get3A_286 = arith.index_cast %add3A_285 : i32 to index
      %get3A_287 = tpu.vector_load %arg7[%get3A_286] {strides = array<i32>} : memref<5120xi32, #tpu.memory_space<vmem>>, vector<16xi32>,
      %get3A_288 = vector.shape_cast %get3A_287 : vector<16xi32> to vector<16xi32>
      %swap3A_289 = arith.constant 16 : index
      %swap3A_290 = tpu.vector_load %arg9[%swap3A_289] {strides = array<i32>} : memref<80xi32, #tpu.memory_space<vmem>>, vector<16xi32>,
      %swap3A_291 = vector.shape_cast %swap3A_290 : vector<16xi32> to vector<16xi32>
      %swap3A_292 = vector.shape_cast %get3A_288 : vector<16xi32> to vector<16xi32>
      tpu.vector_store %arg9[%swap3A_289], %swap3A_292 {strides = array<i32>} : memref<80xi32, #tpu.memory_space<vmem>>, vector<16xi32>,
      %mul3A_293 = arith.constant 80 : i32
      %mul3A_294 = arith.muli %add3A_270, %mul3A_293 : i32
      %add3A_295 = arith.constant 32 : i32
      %add3A_296 = arith.addi %mul3A_294, %add3A_295 : i32
      %get3A_297 = arith.index_cast %add3A_296 : i32 to index
      %get3A_298 = tpu.vector_load %arg7[%get3A_297] {strides = array<i32>} : memref<5120xi32, #tpu.memory_space<vmem>>, vector<16xi32>,
      %get3A_299 = vector.shape_cast %get3A_298 : vector<16xi32> to vector<16xi32>
      %swap3A_300 = arith.constant 32 : index
      %swap3A_301 = tpu.vector_load %arg9[%swap3A_300] {strides = array<i32>} : memref<80xi32, #tpu.memory_space<vmem>>, vector<16xi32>,
      %swap3A_302 = vector.shape_cast %swap3A_301 : vector<16xi32> to vector<16xi32>
      %swap3A_303 = vector.shape_cast %get3A_299 : vector<16xi32> to vector<16xi32>
      tpu.vector_store %arg9[%swap3A_300], %swap3A_303 {strides = array<i32>} : memref<80xi32, #tpu.memory_space<vmem>>, vector<16xi32>,
      %mul3A_304 = arith.constant 80 : i32
      %mul3A_305 = arith.muli %add3A_270, %mul3A_304 : i32
      %add3A_306 = arith.constant 48 : i32
      %add3A_307 = arith.addi %mul3A_305, %add3A_306 : i32
      %get3A_308 = arith.index_cast %add3A_307 : i32 to index
      %get3A_309 = tpu.vector_load %arg7[%get3A_308] {strides = array<i32>} : memref<5120xi32, #tpu.memory_space<vmem>>, vector<16xi32>,
      %get3A_310 = vector.shape_cast %get3A_309 : vector<16xi32> to vector<16xi32>
      %swap3A_311 = arith.constant 48 : index
      %swap3A_312 = tpu.vector_load %arg9[%swap3A_311] {strides = array<i32>} : memref<80xi32, #tpu.memory_space<vmem>>, vector<16xi32>,
      %swap3A_313 = vector.shape_cast %swap3A_312 : vector<16xi32> to vector<16xi32>
      %swap3A_314 = vector.shape_cast %get3A_310 : vector<16xi32> to vector<16xi32>
      tpu.vector_store %arg9[%swap3A_311], %swap3A_314 {strides = array<i32>} : memref<80xi32, #tpu.memory_space<vmem>>, vector<16xi32>,
      %mul3A_315 = arith.constant 80 : i32
      %mul3A_316 = arith.muli %add3A_270, %mul3A_315 : i32
      %add3A_317 = arith.constant 64 : i32
      %add3A_318 = arith.addi %mul3A_316, %add3A_317 : i32
      %get3A_319 = arith.index_cast %add3A_318 : i32 to index
      %get3A_320 = tpu.vector_load %arg7[%get3A_319] {strides = array<i32>} : memref<5120xi32, #tpu.memory_space<vmem>>, vector<16xi32>,
      %get3A_321 = vector.shape_cast %get3A_320 : vector<16xi32> to vector<16xi32>
      %swap3A_322 = arith.constant 64 : index
      %swap3A_323 = tpu.vector_load %arg9[%swap3A_322] {strides = array<i32>} : memref<80xi32, #tpu.memory_space<vmem>>, vector<16xi32>,
      %swap3A_324 = vector.shape_cast %swap3A_323 : vector<16xi32> to vector<16xi32>
      %swap3A_325 = vector.shape_cast %get3A_321 : vector<16xi32> to vector<16xi32>
      tpu.vector_store %arg9[%swap3A_322], %swap3A_325 {strides = array<i32>} : memref<80xi32, #tpu.memory_space<vmem>>, vector<16xi32>,
      %dma_wait3A_326 = arith.constant 0 : i32
      %dma_wait3A_327 = tpu.memref_slice %arg6[%dma_wait3A_326] : memref<5120xi32, #tpu.memory_space<vmem>> -> memref<80xi32, #tpu.memory_space<vmem>>
      %dma_wait3A_328 = arith.constant 0 : i32
      %dma_wait3A_329 = arith.constant 0 : i32
      %dma_wait3A_330 = tpu.memref_slice %arg3[%dma_wait3A_328, %dma_wait3A_329] : memref<10000x128xf32, #tpu.memory_space<hbm>> -> memref<10000x128xf32, #tpu.memory_space<hbm>>
      tpu.wait_indirect_dma semaphore(%arg15 : memref<!tpu.dma_semaphore, #tpu.memory_space<semaphore_mem>>) src(%dma_wait3A_330 : memref<10000x128xf32, #tpu.memory_space<hbm>>) dst(%arg11 : memref<80x128xf32, #tpu.memory_space<vmem>>)
      %dma_wait3A_331 = arith.constant 0 : i32
      %dma_wait3A_332 = arith.constant 0 : i32
      %dma_wait3A_333 = tpu.memref_slice %arg13[%dma_wait3A_331, %dma_wait3A_332] : memref<10240x128xf32, #tpu.memory_space<vmem_shared>> -> memref<10240x128xf32, #tpu.memory_space<vmem_shared>>
      tpu.wait_indirect_dma semaphore(%arg16 : memref<!tpu.dma_semaphore, #tpu.memory_space<semaphore_mem>>) src(%arg10 : memref<80x128xf32, #tpu.memory_space<vmem>>) dst(%dma_wait3A_333 : memref<10240x128xf32, #tpu.memory_space<vmem_shared>>)
      %add3A_334 = arith.constant 2 : i32
      %add3A_335 = arith.addi %mul3A_205, %add3A_334 : i32
      %min3A = arith.constant 63 : i32
      %min3A_336 = arith.minsi %add3A_335, %min3A : i32
      %mul3A_337 = arith.constant 80 : i32
      %mul3A_338 = arith.muli %min3A_336, %mul3A_337 : i32
      %dma_start3A_339 = tpu.memref_slice %arg6[%mul3A_338] : memref<5120xi32, #tpu.memory_space<vmem>> -> memref<80xi32, #tpu.memory_space<vmem>>
      %dma_start3A_340 = arith.constant 0 : i32
      %dma_start3A_341 = arith.constant 0 : i32
      %dma_start3A_342 = tpu.memref_slice %arg3[%dma_start3A_340, %dma_start3A_341] : memref<10000x128xf32, #tpu.memory_space<hbm>> -> memref<10000x128xf32, #tpu.memory_space<hbm>>
      tpu.enqueue_indirect_dma source(%dma_start3A_342 : memref<10000x128xf32, #tpu.memory_space<hbm>>) target(%arg10 : memref<80x128xf32, #tpu.memory_space<vmem>>) offsets(%dma_start3A_339 : memref<80xi32, #tpu.memory_space<vmem>>) semaphore(%arg14 : memref<!tpu.dma_semaphore, #tpu.memory_space<semaphore_mem>>)
      %dma_start3A_343 = arith.constant 0 : i32
      %dma_start3A_344 = arith.constant 0 : i32
      %dma_start3A_345 = tpu.memref_slice %arg13[%dma_start3A_343, %dma_start3A_344] : memref<10240x128xf32, #tpu.memory_space<vmem_shared>> -> memref<10240x128xf32, #tpu.memory_space<vmem_shared>>
      tpu.enqueue_indirect_dma source(%arg11 : memref<80x128xf32, #tpu.memory_space<vmem>>) target(%dma_start3A_345 : memref<10240x128xf32, #tpu.memory_space<vmem_shared>>) offsets(%arg9 : memref<80xi32, #tpu.memory_space<vmem>>) semaphore(%arg17 : memref<!tpu.dma_semaphore, #tpu.memory_space<semaphore_mem>>) {add = true}
      %dma_wait3A_346 = arith.constant 0 : i32
      %dma_wait3A_347 = arith.constant 0 : i32
      %dma_wait3A_348 = tpu.memref_slice %arg13[%dma_wait3A_346, %dma_wait3A_347] : memref<10240x128xf32, #tpu.memory_space<vmem_shared>> -> memref<10240x128xf32, #tpu.memory_space<vmem_shared>>
      tpu.wait_indirect_dma semaphore(%arg17 : memref<!tpu.dma_semaphore, #tpu.memory_space<semaphore_mem>>) src(%arg11 : memref<80x128xf32, #tpu.memory_space<vmem>>) dst(%dma_wait3A_348 : memref<10240x128xf32, #tpu.memory_space<vmem_shared>>)
      %add3A_349 = arith.constant 3 : i32
      %add3A_350 = arith.addi %mul3A_205, %add3A_349 : i32
      %min3A_351 = arith.constant 63 : i32
      %min3A_352 = arith.minsi %add3A_350, %min3A_351 : i32
      %mul3A_353 = arith.constant 80 : i32
      %mul3A_354 = arith.muli %min3A_352, %mul3A_353 : i32
      %dma_start3A_355 = tpu.memref_slice %arg6[%mul3A_354] : memref<5120xi32, #tpu.memory_space<vmem>> -> memref<80xi32, #tpu.memory_space<vmem>>
      %dma_start3A_356 = arith.constant 0 : i32
      %dma_start3A_357 = arith.constant 0 : i32
      %dma_start3A_358 = tpu.memref_slice %arg3[%dma_start3A_356, %dma_start3A_357] : memref<10000x128xf32, #tpu.memory_space<hbm>> -> memref<10000x128xf32, #tpu.memory_space<hbm>>
      tpu.enqueue_indirect_dma source(%dma_start3A_358 : memref<10000x128xf32, #tpu.memory_space<hbm>>) target(%arg11 : memref<80x128xf32, #tpu.memory_space<vmem>>) offsets(%dma_start3A_355 : memref<80xi32, #tpu.memory_space<vmem>>) semaphore(%arg15 : memref<!tpu.dma_semaphore, #tpu.memory_space<semaphore_mem>>)
    }
    %scan3A_37 = arith.constant 31 : i32
    %get3A = arith.constant 4960 : index
    %get3A_38 = tpu.vector_load %arg7[%get3A] {strides = array<i32>} : memref<5120xi32, #tpu.memory_space<vmem>>, vector<16xi32>,
    %get3A_39 = vector.shape_cast %get3A_38 : vector<16xi32> to vector<16xi32>
    %swap3A = arith.constant 0 : index
    %swap3A_40 = tpu.vector_load %arg8[%swap3A] {strides = array<i32>} : memref<80xi32, #tpu.memory_space<vmem>>, vector<16xi32>,
    %swap3A_41 = vector.shape_cast %swap3A_40 : vector<16xi32> to vector<16xi32>
    %swap3A_42 = vector.shape_cast %get3A_39 : vector<16xi32> to vector<16xi32>
    tpu.vector_store %arg8[%swap3A], %swap3A_42 {strides = array<i32>} : memref<80xi32, #tpu.memory_space<vmem>>, vector<16xi32>,
    %get3A_43 = arith.constant 4976 : index
    %get3A_44 = tpu.vector_load %arg7[%get3A_43] {strides = array<i32>} : memref<5120xi32, #tpu.memory_space<vmem>>, vector<16xi32>,
    %get3A_45 = vector.shape_cast %get3A_44 : vector<16xi32> to vector<16xi32>
    %swap3A_46 = arith.constant 16 : index
    %swap3A_47 = tpu.vector_load %arg8[%swap3A_46] {strides = array<i32>} : memref<80xi32, #tpu.memory_space<vmem>>, vector<16xi32>,
    %swap3A_48 = vector.shape_cast %swap3A_47 : vector<16xi32> to vector<16xi32>
    %swap3A_49 = vector.shape_cast %get3A_45 : vector<16xi32> to vector<16xi32>
    tpu.vector_store %arg8[%swap3A_46], %swap3A_49 {strides = array<i32>} : memref<80xi32, #tpu.memory_space<vmem>>, vector<16xi32>,
    %get3A_50 = arith.constant 4992 : index
    %get3A_51 = tpu.vector_load %arg7[%get3A_50] {strides = array<i32>} : memref<5120xi32, #tpu.memory_space<vmem>>, vector<16xi32>,
    %get3A_52 = vector.shape_cast %get3A_51 : vector<16xi32> to vector<16xi32>
    %swap3A_53 = arith.constant 32 : index
    %swap3A_54 = tpu.vector_load %arg8[%swap3A_53] {strides = array<i32>} : memref<80xi32, #tpu.memory_space<vmem>>, vector<16xi32>,
    %swap3A_55 = vector.shape_cast %swap3A_54 : vector<16xi32> to vector<16xi32>
    %swap3A_56 = vector.shape_cast %get3A_52 : vector<16xi32> to vector<16xi32>
    tpu.vector_store %arg8[%swap3A_53], %swap3A_56 {strides = array<i32>} : memref<80xi32, #tpu.memory_space<vmem>>, vector<16xi32>,
    %get3A_57 = arith.constant 5008 : index
    %get3A_58 = tpu.vector_load %arg7[%get3A_57] {strides = array<i32>} : memref<5120xi32, #tpu.memory_space<vmem>>, vector<16xi32>,
    %get3A_59 = vector.shape_cast %get3A_58 : vector<16xi32> to vector<16xi32>
    %swap3A_60 = arith.constant 48 : index
    %swap3A_61 = tpu.vector_load %arg8[%swap3A_60] {strides = array<i32>} : memref<80xi32, #tpu.memory_space<vmem>>, vector<16xi32>,
    %swap3A_62 = vector.shape_cast %swap3A_61 : vector<16xi32> to vector<16xi32>
    %swap3A_63 = vector.shape_cast %get3A_59 : vector<16xi32> to vector<16xi32>
    tpu.vector_store %arg8[%swap3A_60], %swap3A_63 {strides = array<i32>} : memref<80xi32, #tpu.memory_space<vmem>>, vector<16xi32>,
    %get3A_64 = arith.constant 5024 : index
    %get3A_65 = tpu.vector_load %arg7[%get3A_64] {strides = array<i32>} : memref<5120xi32, #tpu.memory_space<vmem>>, vector<16xi32>,
    %get3A_66 = vector.shape_cast %get3A_65 : vector<16xi32> to vector<16xi32>
    %swap3A_67 = arith.constant 64 : index
    %swap3A_68 = tpu.vector_load %arg8[%swap3A_67] {strides = array<i32>} : memref<80xi32, #tpu.memory_space<vmem>>, vector<16xi32>,
    %swap3A_69 = vector.shape_cast %swap3A_68 : vector<16xi32> to vector<16xi32>
    %swap3A_70 = vector.shape_cast %get3A_66 : vector<16xi32> to vector<16xi32>
    tpu.vector_store %arg8[%swap3A_67], %swap3A_70 {strides = array<i32>} : memref<80xi32, #tpu.memory_space<vmem>>, vector<16xi32>,
    %dma_wait3A = arith.constant 0 : i32
    %dma_wait3A_71 = tpu.memref_slice %arg6[%dma_wait3A] : memref<5120xi32, #tpu.memory_space<vmem>> -> memref<80xi32, #tpu.memory_space<vmem>>
    %dma_wait3A_72 = arith.constant 0 : i32
    %dma_wait3A_73 = arith.constant 0 : i32
    %dma_wait3A_74 = tpu.memref_slice %arg3[%dma_wait3A_72, %dma_wait3A_73] : memref<10000x128xf32, #tpu.memory_space<hbm>> -> memref<10000x128xf32, #tpu.memory_space<hbm>>
    tpu.wait_indirect_dma semaphore(%arg14 : memref<!tpu.dma_semaphore, #tpu.memory_space<semaphore_mem>>) src(%dma_wait3A_74 : memref<10000x128xf32, #tpu.memory_space<hbm>>) dst(%arg10 : memref<80x128xf32, #tpu.memory_space<vmem>>)
    %dma_start3A_75 = arith.constant 0 : i32
    %dma_start3A_76 = arith.constant 0 : i32
    %dma_start3A_77 = tpu.memref_slice %arg13[%dma_start3A_75, %dma_start3A_76] : memref<10240x128xf32, #tpu.memory_space<vmem_shared>> -> memref<10240x128xf32, #tpu.memory_space<vmem_shared>>
    tpu.enqueue_indirect_dma source(%arg10 : memref<80x128xf32, #tpu.memory_space<vmem>>) target(%dma_start3A_77 : memref<10240x128xf32, #tpu.memory_space<vmem_shared>>) offsets(%arg8 : memref<80xi32, #tpu.memory_space<vmem>>) semaphore(%arg16 : memref<!tpu.dma_semaphore, #tpu.memory_space<semaphore_mem>>) {add = true}
    %get3A_78 = arith.constant 5040 : index
    %get3A_79 = tpu.vector_load %arg7[%get3A_78] {strides = array<i32>} : memref<5120xi32, #tpu.memory_space<vmem>>, vector<16xi32>,
    %get3A_80 = vector.shape_cast %get3A_79 : vector<16xi32> to vector<16xi32>
    %swap3A_81 = arith.constant 0 : index
    %swap3A_82 = tpu.vector_load %arg9[%swap3A_81] {strides = array<i32>} : memref<80xi32, #tpu.memory_space<vmem>>, vector<16xi32>,
    %swap3A_83 = vector.shape_cast %swap3A_82 : vector<16xi32> to vector<16xi32>
    %swap3A_84 = vector.shape_cast %get3A_80 : vector<16xi32> to vector<16xi32>
    tpu.vector_store %arg9[%swap3A_81], %swap3A_84 {strides = array<i32>} : memref<80xi32, #tpu.memory_space<vmem>>, vector<16xi32>,
    %get3A_85 = arith.constant 5056 : index
    %get3A_86 = tpu.vector_load %arg7[%get3A_85] {strides = array<i32>} : memref<5120xi32, #tpu.memory_space<vmem>>, vector<16xi32>,
    %get3A_87 = vector.shape_cast %get3A_86 : vector<16xi32> to vector<16xi32>
    %swap3A_88 = arith.constant 16 : index
    %swap3A_89 = tpu.vector_load %arg9[%swap3A_88] {strides = array<i32>} : memref<80xi32, #tpu.memory_space<vmem>>, vector<16xi32>,
    %swap3A_90 = vector.shape_cast %swap3A_89 : vector<16xi32> to vector<16xi32>
    %swap3A_91 = vector.shape_cast %get3A_87 : vector<16xi32> to vector<16xi32>
    tpu.vector_store %arg9[%swap3A_88], %swap3A_91 {strides = array<i32>} : memref<80xi32, #tpu.memory_space<vmem>>, vector<16xi32>,
    %get3A_92 = arith.constant 5072 : index
    %get3A_93 = tpu.vector_load %arg7[%get3A_92] {strides = array<i32>} : memref<5120xi32, #tpu.memory_space<vmem>>, vector<16xi32>,
    %get3A_94 = vector.shape_cast %get3A_93 : vector<16xi32> to vector<16xi32>
    %swap3A_95 = arith.constant 32 : index
    %swap3A_96 = tpu.vector_load %arg9[%swap3A_95] {strides = array<i32>} : memref<80xi32, #tpu.memory_space<vmem>>, vector<16xi32>,
    %swap3A_97 = vector.shape_cast %swap3A_96 : vector<16xi32> to vector<16xi32>
    %swap3A_98 = vector.shape_cast %get3A_94 : vector<16xi32> to vector<16xi32>
    tpu.vector_store %arg9[%swap3A_95], %swap3A_98 {strides = array<i32>} : memref<80xi32, #tpu.memory_space<vmem>>, vector<16xi32>,
    %get3A_99 = arith.constant 5088 : index
    %get3A_100 = tpu.vector_load %arg7[%get3A_99] {strides = array<i32>} : memref<5120xi32, #tpu.memory_space<vmem>>, vector<16xi32>,
    %get3A_101 = vector.shape_cast %get3A_100 : vector<16xi32> to vector<16xi32>
    %swap3A_102 = arith.constant 48 : index
    %swap3A_103 = tpu.vector_load %arg9[%swap3A_102] {strides = array<i32>} : memref<80xi32, #tpu.memory_space<vmem>>, vector<16xi32>,
    %swap3A_104 = vector.shape_cast %swap3A_103 : vector<16xi32> to vector<16xi32>
    %swap3A_105 = vector.shape_cast %get3A_101 : vector<16xi32> to vector<16xi32>
    tpu.vector_store %arg9[%swap3A_102], %swap3A_105 {strides = array<i32>} : memref<80xi32, #tpu.memory_space<vmem>>, vector<16xi32>,
    %get3A_106 = arith.constant 5104 : index
    %get3A_107 = tpu.vector_load %arg7[%get3A_106] {strides = array<i32>} : memref<5120xi32, #tpu.memory_space<vmem>>, vector<16xi32>,
    %get3A_108 = vector.shape_cast %get3A_107 : vector<16xi32> to vector<16xi32>
    %swap3A_109 = arith.constant 64 : index
    %swap3A_110 = tpu.vector_load %arg9[%swap3A_109] {strides = array<i32>} : memref<80xi32, #tpu.memory_space<vmem>>, vector<16xi32>,
    %swap3A_111 = vector.shape_cast %swap3A_110 : vector<16xi32> to vector<16xi32>
    %swap3A_112 = vector.shape_cast %get3A_108 : vector<16xi32> to vector<16xi32>
    tpu.vector_store %arg9[%swap3A_109], %swap3A_112 {strides = array<i32>} : memref<80xi32, #tpu.memory_space<vmem>>, vector<16xi32>,
    %dma_wait3A_113 = arith.constant 0 : i32
    %dma_wait3A_114 = tpu.memref_slice %arg6[%dma_wait3A_113] : memref<5120xi32, #tpu.memory_space<vmem>> -> memref<80xi32, #tpu.memory_space<vmem>>
    %dma_wait3A_115 = arith.constant 0 : i32
    %dma_wait3A_116 = arith.constant 0 : i32
    %dma_wait3A_117 = tpu.memref_slice %arg3[%dma_wait3A_115, %dma_wait3A_116] : memref<10000x128xf32, #tpu.memory_space<hbm>> -> memref<10000x128xf32, #tpu.memory_space<hbm>>
    tpu.wait_indirect_dma semaphore(%arg15 : memref<!tpu.dma_semaphore, #tpu.memory_space<semaphore_mem>>) src(%dma_wait3A_117 : memref<10000x128xf32, #tpu.memory_space<hbm>>) dst(%arg11 : memref<80x128xf32, #tpu.memory_space<vmem>>)
    %dma_wait3A_118 = arith.constant 0 : i32
    %dma_wait3A_119 = arith.constant 0 : i32
    %dma_wait3A_120 = tpu.memref_slice %arg13[%dma_wait3A_118, %dma_wait3A_119] : memref<10240x128xf32, #tpu.memory_space<vmem_shared>> -> memref<10240x128xf32, #tpu.memory_space<vmem_shared>>
    tpu.wait_indirect_dma semaphore(%arg16 : memref<!tpu.dma_semaphore, #tpu.memory_space<semaphore_mem>>) src(%arg10 : memref<80x128xf32, #tpu.memory_space<vmem>>) dst(%dma_wait3A_120 : memref<10240x128xf32, #tpu.memory_space<vmem_shared>>)
    %dma_start3A_121 = arith.constant 0 : i32
    %dma_start3A_122 = arith.constant 0 : i32
    %dma_start3A_123 = tpu.memref_slice %arg13[%dma_start3A_121, %dma_start3A_122] : memref<10240x128xf32, #tpu.memory_space<vmem_shared>> -> memref<10240x128xf32, #tpu.memory_space<vmem_shared>>
    tpu.enqueue_indirect_dma source(%arg11 : memref<80x128xf32, #tpu.memory_space<vmem>>) target(%dma_start3A_123 : memref<10240x128xf32, #tpu.memory_space<vmem_shared>>) offsets(%arg9 : memref<80xi32, #tpu.memory_space<vmem>>) semaphore(%arg17 : memref<!tpu.dma_semaphore, #tpu.memory_space<semaphore_mem>>) {add = true}
    %dma_wait3A_124 = arith.constant 0 : i32
    %dma_wait3A_125 = arith.constant 0 : i32
    %dma_wait3A_126 = tpu.memref_slice %arg13[%dma_wait3A_124, %dma_wait3A_125] : memref<10240x128xf32, #tpu.memory_space<vmem_shared>> -> memref<10240x128xf32, #tpu.memory_space<vmem_shared>>
    tpu.wait_indirect_dma semaphore(%arg17 : memref<!tpu.dma_semaphore, #tpu.memory_space<semaphore_mem>>) src(%arg11 : memref<80x128xf32, #tpu.memory_space<vmem>>) dst(%dma_wait3A_126 : memref<10240x128xf32, #tpu.memory_space<vmem_shared>>)
    %add3A_127 = arith.constant 5120 : i32
    %add3A_128 = arith.addi %mul3A_4, %add3A_127 : i32
    "tpu.region"() ({
      %run_scoped3A = tpu.sem_alloc : memref<!tpu.dma_semaphore, #tpu.memory_space<semaphore_mem>>
      %dma_start3A_203 = arith.constant 0 : i32
      %dma_start3A_204 = tpu.memref_slice %arg6[%dma_start3A_203] : memref<5120xi32, #tpu.memory_space<vmem>> -> memref<4880xi32, #tpu.memory_space<vmem>>
      %dma_start3A_205 = tpu.memref_slice %arg2[%add3A_128] : memref<640000xi32, #tpu.memory_space<hbm>> -> memref<4880xi32, #tpu.memory_space<hbm>>
      %dma_start3A_206 = arith.constant 0 : i32
      %dma_start3A_207 = tpu.memref_slice %arg6[%dma_start3A_206] : memref<5120xi32, #tpu.memory_space<vmem>> -> memref<4880xi32, #tpu.memory_space<vmem>>
      %dma_start3A_208 = tpu.memref_slice %arg2[%add3A_128] : memref<640000xi32, #tpu.memory_space<hbm>> -> memref<4880xi32, #tpu.memory_space<hbm>>
      tpu.enqueue_dma source(%dma_start3A_208 : memref<4880xi32, #tpu.memory_space<hbm>>) target(%dma_start3A_207 : memref<4880xi32, #tpu.memory_space<vmem>>) target_semaphore(%run_scoped3A : memref<!tpu.dma_semaphore, #tpu.memory_space<semaphore_mem>>)
      %dma_wait3A_209 = arith.constant 0 : i32
      %dma_wait3A_210 = tpu.memref_slice %arg6[%dma_wait3A_209] : memref<5120xi32, #tpu.memory_space<vmem>> -> memref<4880xi32, #tpu.memory_space<vmem>>
      %dma_wait3A_211 = tpu.memref_slice %arg2[%add3A_128] : memref<640000xi32, #tpu.memory_space<hbm>> -> memref<4880xi32, #tpu.memory_space<hbm>>
      %dma_wait3A_212 = arith.constant 0 : i32
      %dma_wait3A_213 = tpu.memref_slice %arg6[%dma_wait3A_212] : memref<5120xi32, #tpu.memory_space<vmem>> -> memref<4880xi32, #tpu.memory_space<vmem>>
      %dma_wait3A_214 = tpu.memref_slice %arg2[%add3A_128] : memref<640000xi32, #tpu.memory_space<hbm>> -> memref<4880xi32, #tpu.memory_space<hbm>>
      tpu.wait_dma2 semaphore(%run_scoped3A : memref<!tpu.dma_semaphore, #tpu.memory_space<semaphore_mem>>) src(%dma_wait3A_214 : memref<4880xi32, #tpu.memory_space<hbm>>) dst(%dma_wait3A_213 : memref<4880xi32, #tpu.memory_space<vmem>>)
      tpu.yield
    }) : () -> ()
    %add3A_129 = arith.constant 320000 : i32
    %add3A_130 = arith.addi %add3A_129, %mul3A_4 : i32
    %add3A_131 = arith.constant 5120 : i32
    %add3A_132 = arith.addi %add3A_130, %add3A_131 : i32
    "tpu.region"() ({
      %run_scoped3A = tpu.sem_alloc : memref<!tpu.dma_semaphore, #tpu.memory_space<semaphore_mem>>
      %dma_start3A_203 = arith.constant 0 : i32
      %dma_start3A_204 = tpu.memref_slice %arg7[%dma_start3A_203] : memref<5120xi32, #tpu.memory_space<vmem>> -> memref<4880xi32, #tpu.memory_space<vmem>>
      %dma_start3A_205 = tpu.memref_slice %arg2[%add3A_132] : memref<640000xi32, #tpu.memory_space<hbm>> -> memref<4880xi32, #tpu.memory_space<hbm>>
      %dma_start3A_206 = arith.constant 0 : i32
      %dma_start3A_207 = tpu.memref_slice %arg7[%dma_start3A_206] : memref<5120xi32, #tpu.memory_space<vmem>> -> memref<4880xi32, #tpu.memory_space<vmem>>
      %dma_start3A_208 = tpu.memref_slice %arg2[%add3A_132] : memref<640000xi32, #tpu.memory_space<hbm>> -> memref<4880xi32, #tpu.memory_space<hbm>>
      tpu.enqueue_dma source(%dma_start3A_208 : memref<4880xi32, #tpu.memory_space<hbm>>) target(%dma_start3A_207 : memref<4880xi32, #tpu.memory_space<vmem>>) target_semaphore(%run_scoped3A : memref<!tpu.dma_semaphore, #tpu.memory_space<semaphore_mem>>)
      %dma_wait3A_209 = arith.constant 0 : i32
      %dma_wait3A_210 = tpu.memref_slice %arg7[%dma_wait3A_209] : memref<5120xi32, #tpu.memory_space<vmem>> -> memref<4880xi32, #tpu.memory_space<vmem>>
      %dma_wait3A_211 = tpu.memref_slice %arg2[%add3A_132] : memref<640000xi32, #tpu.memory_space<hbm>> -> memref<4880xi32, #tpu.memory_space<hbm>>
      %dma_wait3A_212 = arith.constant 0 : i32
      %dma_wait3A_213 = tpu.memref_slice %arg7[%dma_wait3A_212] : memref<5120xi32, #tpu.memory_space<vmem>> -> memref<4880xi32, #tpu.memory_space<vmem>>
      %dma_wait3A_214 = tpu.memref_slice %arg2[%add3A_132] : memref<640000xi32, #tpu.memory_space<hbm>> -> memref<4880xi32, #tpu.memory_space<hbm>>
      tpu.wait_dma2 semaphore(%run_scoped3A : memref<!tpu.dma_semaphore, #tpu.memory_space<semaphore_mem>>) src(%dma_wait3A_214 : memref<4880xi32, #tpu.memory_space<hbm>>) dst(%dma_wait3A_213 : memref<4880xi32, #tpu.memory_space<vmem>>)
      tpu.yield
    }) : () -> ()
    %dma_start3A_133 = arith.constant 0 : i32
    %dma_start3A_134 = tpu.memref_slice %arg6[%dma_start3A_133] : memref<5120xi32, #tpu.memory_space<vmem>> -> memref<80xi32, #tpu.memory_space<vmem>>
    %dma_start3A_135 = arith.constant 0 : i32
    %dma_start3A_136 = arith.constant 0 : i32
    %dma_start3A_137 = tpu.memref_slice %arg3[%dma_start3A_135, %dma_start3A_136] : memref<10000x128xf32, #tpu.memory_space<hbm>> -> memref<10000x128xf32, #tpu.memory_space<hbm>>
    tpu.enqueue_indirect_dma source(%dma_start3A_137 : memref<10000x128xf32, #tpu.memory_space<hbm>>) target(%arg10 : memref<80x128xf32, #tpu.memory_space<vmem>>) offsets(%dma_start3A_134 : memref<80xi32, #tpu.memory_space<vmem>>) semaphore(%arg14 : memref<!tpu.dma_semaphore, #tpu.memory_space<semaphore_mem>>)
    %dma_start3A_138 = arith.constant 80 : i32
    %dma_start3A_139 = tpu.memref_slice %arg6[%dma_start3A_138] : memref<5120xi32, #tpu.memory_space<vmem>> -> memref<80xi32, #tpu.memory_space<vmem>>
    %dma_start3A_140 = arith.constant 0 : i32
    %dma_start3A_141 = arith.constant 0 : i32
    %dma_start3A_142 = tpu.memref_slice %arg3[%dma_start3A_140, %dma_start3A_141] : memref<10000x128xf32, #tpu.memory_space<hbm>> -> memref<10000x128xf32, #tpu.memory_space<hbm>>
    tpu.enqueue_indirect_dma source(%dma_start3A_142 : memref<10000x128xf32, #tpu.memory_space<hbm>>) target(%arg11 : memref<80x128xf32, #tpu.memory_space<vmem>>) offsets(%dma_start3A_139 : memref<80xi32, #tpu.memory_space<vmem>>) semaphore(%arg15 : memref<!tpu.dma_semaphore, #tpu.memory_space<semaphore_mem>>)
    %scan3A_143 = arith.constant 0 : i32
    %scan3A_144 = arith.constant 0 : i32
    %scan3A_145 = arith.constant 30 : i32
    %scan3A_146 = arith.addi %scan3A_144, %scan3A_145 : i32
    %scan3A_147 = arith.constant 1 : i32
    scf.for %scan3A_203 = %scan3A_144 to %scan3A_146 step %scan3A_147  : i32 {
      %mul3A_204 = arith.constant 2 : i32
      %mul3A_205 = arith.muli %mul3A_204, %scan3A_203 : i32
      %mul3A_206 = arith.constant 80 : i32
      %mul3A_207 = arith.muli %mul3A_205, %mul3A_206 : i32
      %add3A_208 = arith.constant 0 : i32
      %add3A_209 = arith.addi %mul3A_207, %add3A_208 : i32
      %get3A_210 = arith.index_cast %add3A_209 : i32 to index
      %get3A_211 = tpu.vector_load %arg7[%get3A_210] {strides = array<i32>} : memref<5120xi32, #tpu.memory_space<vmem>>, vector<16xi32>,
      %get3A_212 = vector.shape_cast %get3A_211 : vector<16xi32> to vector<16xi32>
      %swap3A_213 = arith.constant 0 : index
      %swap3A_214 = tpu.vector_load %arg8[%swap3A_213] {strides = array<i32>} : memref<80xi32, #tpu.memory_space<vmem>>, vector<16xi32>,
      %swap3A_215 = vector.shape_cast %swap3A_214 : vector<16xi32> to vector<16xi32>
      %swap3A_216 = vector.shape_cast %get3A_212 : vector<16xi32> to vector<16xi32>
      tpu.vector_store %arg8[%swap3A_213], %swap3A_216 {strides = array<i32>} : memref<80xi32, #tpu.memory_space<vmem>>, vector<16xi32>,
      %mul3A_217 = arith.constant 80 : i32
      %mul3A_218 = arith.muli %mul3A_205, %mul3A_217 : i32
      %add3A_219 = arith.constant 16 : i32
      %add3A_220 = arith.addi %mul3A_218, %add3A_219 : i32
      %get3A_221 = arith.index_cast %add3A_220 : i32 to index
      %get3A_222 = tpu.vector_load %arg7[%get3A_221] {strides = array<i32>} : memref<5120xi32, #tpu.memory_space<vmem>>, vector<16xi32>,
      %get3A_223 = vector.shape_cast %get3A_222 : vector<16xi32> to vector<16xi32>
      %swap3A_224 = arith.constant 16 : index
      %swap3A_225 = tpu.vector_load %arg8[%swap3A_224] {strides = array<i32>} : memref<80xi32, #tpu.memory_space<vmem>>, vector<16xi32>,
      %swap3A_226 = vector.shape_cast %swap3A_225 : vector<16xi32> to vector<16xi32>
      %swap3A_227 = vector.shape_cast %get3A_223 : vector<16xi32> to vector<16xi32>
      tpu.vector_store %arg8[%swap3A_224], %swap3A_227 {strides = array<i32>} : memref<80xi32, #tpu.memory_space<vmem>>, vector<16xi32>,
      %mul3A_228 = arith.constant 80 : i32
      %mul3A_229 = arith.muli %mul3A_205, %mul3A_228 : i32
      %add3A_230 = arith.constant 32 : i32
      %add3A_231 = arith.addi %mul3A_229, %add3A_230 : i32
      %get3A_232 = arith.index_cast %add3A_231 : i32 to index
      %get3A_233 = tpu.vector_load %arg7[%get3A_232] {strides = array<i32>} : memref<5120xi32, #tpu.memory_space<vmem>>, vector<16xi32>,
      %get3A_234 = vector.shape_cast %get3A_233 : vector<16xi32> to vector<16xi32>
      %swap3A_235 = arith.constant 32 : index
      %swap3A_236 = tpu.vector_load %arg8[%swap3A_235] {strides = array<i32>} : memref<80xi32, #tpu.memory_space<vmem>>, vector<16xi32>,
      %swap3A_237 = vector.shape_cast %swap3A_236 : vector<16xi32> to vector<16xi32>
      %swap3A_238 = vector.shape_cast %get3A_234 : vector<16xi32> to vector<16xi32>
      tpu.vector_store %arg8[%swap3A_235], %swap3A_238 {strides = array<i32>} : memref<80xi32, #tpu.memory_space<vmem>>, vector<16xi32>,
      %mul3A_239 = arith.constant 80 : i32
      %mul3A_240 = arith.muli %mul3A_205, %mul3A_239 : i32
      %add3A_241 = arith.constant 48 : i32
      %add3A_242 = arith.addi %mul3A_240, %add3A_241 : i32
      %get3A_243 = arith.index_cast %add3A_242 : i32 to index
      %get3A_244 = tpu.vector_load %arg7[%get3A_243] {strides = array<i32>} : memref<5120xi32, #tpu.memory_space<vmem>>, vector<16xi32>,
      %get3A_245 = vector.shape_cast %get3A_244 : vector<16xi32> to vector<16xi32>
      %swap3A_246 = arith.constant 48 : index
      %swap3A_247 = tpu.vector_load %arg8[%swap3A_246] {strides = array<i32>} : memref<80xi32, #tpu.memory_space<vmem>>, vector<16xi32>,
      %swap3A_248 = vector.shape_cast %swap3A_247 : vector<16xi32> to vector<16xi32>
      %swap3A_249 = vector.shape_cast %get3A_245 : vector<16xi32> to vector<16xi32>
      tpu.vector_store %arg8[%swap3A_246], %swap3A_249 {strides = array<i32>} : memref<80xi32, #tpu.memory_space<vmem>>, vector<16xi32>,
      %mul3A_250 = arith.constant 80 : i32
      %mul3A_251 = arith.muli %mul3A_205, %mul3A_250 : i32
      %add3A_252 = arith.constant 64 : i32
      %add3A_253 = arith.addi %mul3A_251, %add3A_252 : i32
      %get3A_254 = arith.index_cast %add3A_253 : i32 to index
      %get3A_255 = tpu.vector_load %arg7[%get3A_254] {strides = array<i32>} : memref<5120xi32, #tpu.memory_space<vmem>>, vector<16xi32>,
      %get3A_256 = vector.shape_cast %get3A_255 : vector<16xi32> to vector<16xi32>
      %swap3A_257 = arith.constant 64 : index
      %swap3A_258 = tpu.vector_load %arg8[%swap3A_257] {strides = array<i32>} : memref<80xi32, #tpu.memory_space<vmem>>, vector<16xi32>,
      %swap3A_259 = vector.shape_cast %swap3A_258 : vector<16xi32> to vector<16xi32>
      %swap3A_260 = vector.shape_cast %get3A_256 : vector<16xi32> to vector<16xi32>
      tpu.vector_store %arg8[%swap3A_257], %swap3A_260 {strides = array<i32>} : memref<80xi32, #tpu.memory_space<vmem>>, vector<16xi32>,
      %dma_wait3A_261 = arith.constant 0 : i32
      %dma_wait3A_262 = tpu.memref_slice %arg6[%dma_wait3A_261] : memref<5120xi32, #tpu.memory_space<vmem>> -> memref<80xi32, #tpu.memory_space<vmem>>
      %dma_wait3A_263 = arith.constant 0 : i32
      %dma_wait3A_264 = arith.constant 0 : i32
      %dma_wait3A_265 = tpu.memref_slice %arg3[%dma_wait3A_263, %dma_wait3A_264] : memref<10000x128xf32, #tpu.memory_space<hbm>> -> memref<10000x128xf32, #tpu.memory_space<hbm>>
      tpu.wait_indirect_dma semaphore(%arg14 : memref<!tpu.dma_semaphore, #tpu.memory_space<semaphore_mem>>) src(%dma_wait3A_265 : memref<10000x128xf32, #tpu.memory_space<hbm>>) dst(%arg10 : memref<80x128xf32, #tpu.memory_space<vmem>>)
      %dma_start3A_266 = arith.constant 0 : i32
      %dma_start3A_267 = arith.constant 0 : i32
      %dma_start3A_268 = tpu.memref_slice %arg13[%dma_start3A_266, %dma_start3A_267] : memref<10240x128xf32, #tpu.memory_space<vmem_shared>> -> memref<10240x128xf32, #tpu.memory_space<vmem_shared>>
      tpu.enqueue_indirect_dma source(%arg10 : memref<80x128xf32, #tpu.memory_space<vmem>>) target(%dma_start3A_268 : memref<10240x128xf32, #tpu.memory_space<vmem_shared>>) offsets(%arg8 : memref<80xi32, #tpu.memory_space<vmem>>) semaphore(%arg16 : memref<!tpu.dma_semaphore, #tpu.memory_space<semaphore_mem>>) {add = true}
      %add3A_269 = arith.constant 1 : i32
      %add3A_270 = arith.addi %mul3A_205, %add3A_269 : i32
      %mul3A_271 = arith.constant 80 : i32
      %mul3A_272 = arith.muli %add3A_270, %mul3A_271 : i32
      %add3A_273 = arith.constant 0 : i32
      %add3A_274 = arith.addi %mul3A_272, %add3A_273 : i32
      %get3A_275 = arith.index_cast %add3A_274 : i32 to index
      %get3A_276 = tpu.vector_load %arg7[%get3A_275] {strides = array<i32>} : memref<5120xi32, #tpu.memory_space<vmem>>, vector<16xi32>,
      %get3A_277 = vector.shape_cast %get3A_276 : vector<16xi32> to vector<16xi32>
      %swap3A_278 = arith.constant 0 : index
      %swap3A_279 = tpu.vector_load %arg9[%swap3A_278] {strides = array<i32>} : memref<80xi32, #tpu.memory_space<vmem>>, vector<16xi32>,
      %swap3A_280 = vector.shape_cast %swap3A_279 : vector<16xi32> to vector<16xi32>
      %swap3A_281 = vector.shape_cast %get3A_277 : vector<16xi32> to vector<16xi32>
      tpu.vector_store %arg9[%swap3A_278], %swap3A_281 {strides = array<i32>} : memref<80xi32, #tpu.memory_space<vmem>>, vector<16xi32>,
      %mul3A_282 = arith.constant 80 : i32
      %mul3A_283 = arith.muli %add3A_270, %mul3A_282 : i32
      %add3A_284 = arith.constant 16 : i32
      %add3A_285 = arith.addi %mul3A_283, %add3A_284 : i32
      %get3A_286 = arith.index_cast %add3A_285 : i32 to index
      %get3A_287 = tpu.vector_load %arg7[%get3A_286] {strides = array<i32>} : memref<5120xi32, #tpu.memory_space<vmem>>, vector<16xi32>,
      %get3A_288 = vector.shape_cast %get3A_287 : vector<16xi32> to vector<16xi32>
      %swap3A_289 = arith.constant 16 : index
      %swap3A_290 = tpu.vector_load %arg9[%swap3A_289] {strides = array<i32>} : memref<80xi32, #tpu.memory_space<vmem>>, vector<16xi32>,
      %swap3A_291 = vector.shape_cast %swap3A_290 : vector<16xi32> to vector<16xi32>
      %swap3A_292 = vector.shape_cast %get3A_288 : vector<16xi32> to vector<16xi32>
      tpu.vector_store %arg9[%swap3A_289], %swap3A_292 {strides = array<i32>} : memref<80xi32, #tpu.memory_space<vmem>>, vector<16xi32>,
      %mul3A_293 = arith.constant 80 : i32
      %mul3A_294 = arith.muli %add3A_270, %mul3A_293 : i32
      %add3A_295 = arith.constant 32 : i32
      %add3A_296 = arith.addi %mul3A_294, %add3A_295 : i32
      %get3A_297 = arith.index_cast %add3A_296 : i32 to index
      %get3A_298 = tpu.vector_load %arg7[%get3A_297] {strides = array<i32>} : memref<5120xi32, #tpu.memory_space<vmem>>, vector<16xi32>,
      %get3A_299 = vector.shape_cast %get3A_298 : vector<16xi32> to vector<16xi32>
      %swap3A_300 = arith.constant 32 : index
      %swap3A_301 = tpu.vector_load %arg9[%swap3A_300] {strides = array<i32>} : memref<80xi32, #tpu.memory_space<vmem>>, vector<16xi32>,
      %swap3A_302 = vector.shape_cast %swap3A_301 : vector<16xi32> to vector<16xi32>
      %swap3A_303 = vector.shape_cast %get3A_299 : vector<16xi32> to vector<16xi32>
      tpu.vector_store %arg9[%swap3A_300], %swap3A_303 {strides = array<i32>} : memref<80xi32, #tpu.memory_space<vmem>>, vector<16xi32>,
      %mul3A_304 = arith.constant 80 : i32
      %mul3A_305 = arith.muli %add3A_270, %mul3A_304 : i32
      %add3A_306 = arith.constant 48 : i32
      %add3A_307 = arith.addi %mul3A_305, %add3A_306 : i32
      %get3A_308 = arith.index_cast %add3A_307 : i32 to index
      %get3A_309 = tpu.vector_load %arg7[%get3A_308] {strides = array<i32>} : memref<5120xi32, #tpu.memory_space<vmem>>, vector<16xi32>,
      %get3A_310 = vector.shape_cast %get3A_309 : vector<16xi32> to vector<16xi32>
      %swap3A_311 = arith.constant 48 : index
      %swap3A_312 = tpu.vector_load %arg9[%swap3A_311] {strides = array<i32>} : memref<80xi32, #tpu.memory_space<vmem>>, vector<16xi32>,
      %swap3A_313 = vector.shape_cast %swap3A_312 : vector<16xi32> to vector<16xi32>
      %swap3A_314 = vector.shape_cast %get3A_310 : vector<16xi32> to vector<16xi32>
      tpu.vector_store %arg9[%swap3A_311], %swap3A_314 {strides = array<i32>} : memref<80xi32, #tpu.memory_space<vmem>>, vector<16xi32>,
      %mul3A_315 = arith.constant 80 : i32
      %mul3A_316 = arith.muli %add3A_270, %mul3A_315 : i32
      %add3A_317 = arith.constant 64 : i32
      %add3A_318 = arith.addi %mul3A_316, %add3A_317 : i32
      %get3A_319 = arith.index_cast %add3A_318 : i32 to index
      %get3A_320 = tpu.vector_load %arg7[%get3A_319] {strides = array<i32>} : memref<5120xi32, #tpu.memory_space<vmem>>, vector<16xi32>,
      %get3A_321 = vector.shape_cast %get3A_320 : vector<16xi32> to vector<16xi32>
      %swap3A_322 = arith.constant 64 : index
      %swap3A_323 = tpu.vector_load %arg9[%swap3A_322] {strides = array<i32>} : memref<80xi32, #tpu.memory_space<vmem>>, vector<16xi32>,
      %swap3A_324 = vector.shape_cast %swap3A_323 : vector<16xi32> to vector<16xi32>
      %swap3A_325 = vector.shape_cast %get3A_321 : vector<16xi32> to vector<16xi32>
      tpu.vector_store %arg9[%swap3A_322], %swap3A_325 {strides = array<i32>} : memref<80xi32, #tpu.memory_space<vmem>>, vector<16xi32>,
      %dma_wait3A_326 = arith.constant 0 : i32
      %dma_wait3A_327 = tpu.memref_slice %arg6[%dma_wait3A_326] : memref<5120xi32, #tpu.memory_space<vmem>> -> memref<80xi32, #tpu.memory_space<vmem>>
      %dma_wait3A_328 = arith.constant 0 : i32
      %dma_wait3A_329 = arith.constant 0 : i32
      %dma_wait3A_330 = tpu.memref_slice %arg3[%dma_wait3A_328, %dma_wait3A_329] : memref<10000x128xf32, #tpu.memory_space<hbm>> -> memref<10000x128xf32, #tpu.memory_space<hbm>>
      tpu.wait_indirect_dma semaphore(%arg15 : memref<!tpu.dma_semaphore, #tpu.memory_space<semaphore_mem>>) src(%dma_wait3A_330 : memref<10000x128xf32, #tpu.memory_space<hbm>>) dst(%arg11 : memref<80x128xf32, #tpu.memory_space<vmem>>)
      %dma_wait3A_331 = arith.constant 0 : i32
      %dma_wait3A_332 = arith.constant 0 : i32
      %dma_wait3A_333 = tpu.memref_slice %arg13[%dma_wait3A_331, %dma_wait3A_332] : memref<10240x128xf32, #tpu.memory_space<vmem_shared>> -> memref<10240x128xf32, #tpu.memory_space<vmem_shared>>
      tpu.wait_indirect_dma semaphore(%arg16 : memref<!tpu.dma_semaphore, #tpu.memory_space<semaphore_mem>>) src(%arg10 : memref<80x128xf32, #tpu.memory_space<vmem>>) dst(%dma_wait3A_333 : memref<10240x128xf32, #tpu.memory_space<vmem_shared>>)
      %add3A_334 = arith.constant 2 : i32
      %add3A_335 = arith.addi %mul3A_205, %add3A_334 : i32
      %min3A = arith.constant 60 : i32
      %min3A_336 = arith.minsi %add3A_335, %min3A : i32
      %mul3A_337 = arith.constant 80 : i32
      %mul3A_338 = arith.muli %min3A_336, %mul3A_337 : i32
      %dma_start3A_339 = tpu.memref_slice %arg6[%mul3A_338] : memref<5120xi32, #tpu.memory_space<vmem>> -> memref<80xi32, #tpu.memory_space<vmem>>
      %dma_start3A_340 = arith.constant 0 : i32
      %dma_start3A_341 = arith.constant 0 : i32
      %dma_start3A_342 = tpu.memref_slice %arg3[%dma_start3A_340, %dma_start3A_341] : memref<10000x128xf32, #tpu.memory_space<hbm>> -> memref<10000x128xf32, #tpu.memory_space<hbm>>
      tpu.enqueue_indirect_dma source(%dma_start3A_342 : memref<10000x128xf32, #tpu.memory_space<hbm>>) target(%arg10 : memref<80x128xf32, #tpu.memory_space<vmem>>) offsets(%dma_start3A_339 : memref<80xi32, #tpu.memory_space<vmem>>) semaphore(%arg14 : memref<!tpu.dma_semaphore, #tpu.memory_space<semaphore_mem>>)
      %dma_start3A_343 = arith.constant 0 : i32
      %dma_start3A_344 = arith.constant 0 : i32
      %dma_start3A_345 = tpu.memref_slice %arg13[%dma_start3A_343, %dma_start3A_344] : memref<10240x128xf32, #tpu.memory_space<vmem_shared>> -> memref<10240x128xf32, #tpu.memory_space<vmem_shared>>
      tpu.enqueue_indirect_dma source(%arg11 : memref<80x128xf32, #tpu.memory_space<vmem>>) target(%dma_start3A_345 : memref<10240x128xf32, #tpu.memory_space<vmem_shared>>) offsets(%arg9 : memref<80xi32, #tpu.memory_space<vmem>>) semaphore(%arg17 : memref<!tpu.dma_semaphore, #tpu.memory_space<semaphore_mem>>) {add = true}
      %dma_wait3A_346 = arith.constant 0 : i32
      %dma_wait3A_347 = arith.constant 0 : i32
      %dma_wait3A_348 = tpu.memref_slice %arg13[%dma_wait3A_346, %dma_wait3A_347] : memref<10240x128xf32, #tpu.memory_space<vmem_shared>> -> memref<10240x128xf32, #tpu.memory_space<vmem_shared>>
      tpu.wait_indirect_dma semaphore(%arg17 : memref<!tpu.dma_semaphore, #tpu.memory_space<semaphore_mem>>) src(%arg11 : memref<80x128xf32, #tpu.memory_space<vmem>>) dst(%dma_wait3A_348 : memref<10240x128xf32, #tpu.memory_space<vmem_shared>>)
      %add3A_349 = arith.constant 3 : i32
      %add3A_350 = arith.addi %mul3A_205, %add3A_349 : i32
      %min3A_351 = arith.constant 60 : i32
      %min3A_352 = arith.minsi %add3A_350, %min3A_351 : i32
      %lt3A = arith.constant 29 : i32
      %lt3A_353 = arith.cmpi slt, %scan3A_203, %lt3A : i32
      %convert_element_type3A_354 = arith.extui %lt3A_353 : i1 to i32
      %cond3A_355 = arith.constant 0 : i32
      %cond3A_356 = arith.cmpi ne, %convert_element_type3A_354, %cond3A_355 : i32
      scf.if %cond3A_356 {
        %mul3A_357 = arith.constant 80 : i32
        %mul3A_358 = arith.muli %min3A_352, %mul3A_357 : i32
        %dma_start3A_359 = tpu.memref_slice %arg6[%mul3A_358] : memref<5120xi32, #tpu.memory_space<vmem>> -> memref<80xi32, #tpu.memory_space<vmem>>
        %dma_start3A_360 = arith.constant 0 : i32
        %dma_start3A_361 = arith.constant 0 : i32
        %dma_start3A_362 = tpu.memref_slice %arg3[%dma_start3A_360, %dma_start3A_361] : memref<10000x128xf32, #tpu.memory_space<hbm>> -> memref<10000x128xf32, #tpu.memory_space<hbm>>
        tpu.enqueue_indirect_dma source(%dma_start3A_362 : memref<10000x128xf32, #tpu.memory_space<hbm>>) target(%arg11 : memref<80x128xf32, #tpu.memory_space<vmem>>) offsets(%dma_start3A_359 : memref<80xi32, #tpu.memory_space<vmem>>) semaphore(%arg15 : memref<!tpu.dma_semaphore, #tpu.memory_space<semaphore_mem>>)
      } else {
      }
    }
    %scan3A_148 = arith.constant 30 : i32
    %get3A_149 = arith.constant 4800 : index
    %get3A_150 = tpu.vector_load %arg7[%get3A_149] {strides = array<i32>} : memref<5120xi32, #tpu.memory_space<vmem>>, vector<16xi32>,
    %get3A_151 = vector.shape_cast %get3A_150 : vector<16xi32> to vector<16xi32>
    %swap3A_152 = arith.constant 0 : index
    %swap3A_153 = tpu.vector_load %arg8[%swap3A_152] {strides = array<i32>} : memref<80xi32, #tpu.memory_space<vmem>>, vector<16xi32>,
    %swap3A_154 = vector.shape_cast %swap3A_153 : vector<16xi32> to vector<16xi32>
    %swap3A_155 = vector.shape_cast %get3A_151 : vector<16xi32> to vector<16xi32>
    tpu.vector_store %arg8[%swap3A_152], %swap3A_155 {strides = array<i32>} : memref<80xi32, #tpu.memory_space<vmem>>, vector<16xi32>,
    %get3A_156 = arith.constant 4816 : index
    %get3A_157 = tpu.vector_load %arg7[%get3A_156] {strides = array<i32>} : memref<5120xi32, #tpu.memory_space<vmem>>, vector<16xi32>,
    %get3A_158 = vector.shape_cast %get3A_157 : vector<16xi32> to vector<16xi32>
    %swap3A_159 = arith.constant 16 : index
    %swap3A_160 = tpu.vector_load %arg8[%swap3A_159] {strides = array<i32>} : memref<80xi32, #tpu.memory_space<vmem>>, vector<16xi32>,
    %swap3A_161 = vector.shape_cast %swap3A_160 : vector<16xi32> to vector<16xi32>
    %swap3A_162 = vector.shape_cast %get3A_158 : vector<16xi32> to vector<16xi32>
    tpu.vector_store %arg8[%swap3A_159], %swap3A_162 {strides = array<i32>} : memref<80xi32, #tpu.memory_space<vmem>>, vector<16xi32>,
    %get3A_163 = arith.constant 4832 : index
    %get3A_164 = tpu.vector_load %arg7[%get3A_163] {strides = array<i32>} : memref<5120xi32, #tpu.memory_space<vmem>>, vector<16xi32>,
    %get3A_165 = vector.shape_cast %get3A_164 : vector<16xi32> to vector<16xi32>
    %swap3A_166 = arith.constant 32 : index
    %swap3A_167 = tpu.vector_load %arg8[%swap3A_166] {strides = array<i32>} : memref<80xi32, #tpu.memory_space<vmem>>, vector<16xi32>,
    %swap3A_168 = vector.shape_cast %swap3A_167 : vector<16xi32> to vector<16xi32>
    %swap3A_169 = vector.shape_cast %get3A_165 : vector<16xi32> to vector<16xi32>
    tpu.vector_store %arg8[%swap3A_166], %swap3A_169 {strides = array<i32>} : memref<80xi32, #tpu.memory_space<vmem>>, vector<16xi32>,
    %get3A_170 = arith.constant 4848 : index
    %get3A_171 = tpu.vector_load %arg7[%get3A_170] {strides = array<i32>} : memref<5120xi32, #tpu.memory_space<vmem>>, vector<16xi32>,
    %get3A_172 = vector.shape_cast %get3A_171 : vector<16xi32> to vector<16xi32>
    %swap3A_173 = arith.constant 48 : index
    %swap3A_174 = tpu.vector_load %arg8[%swap3A_173] {strides = array<i32>} : memref<80xi32, #tpu.memory_space<vmem>>, vector<16xi32>,
    %swap3A_175 = vector.shape_cast %swap3A_174 : vector<16xi32> to vector<16xi32>
    %swap3A_176 = vector.shape_cast %get3A_172 : vector<16xi32> to vector<16xi32>
    tpu.vector_store %arg8[%swap3A_173], %swap3A_176 {strides = array<i32>} : memref<80xi32, #tpu.memory_space<vmem>>, vector<16xi32>,
    %get3A_177 = arith.constant 4864 : index
    %get3A_178 = tpu.vector_load %arg7[%get3A_177] {strides = array<i32>} : memref<5120xi32, #tpu.memory_space<vmem>>, vector<16xi32>,
    %get3A_179 = vector.shape_cast %get3A_178 : vector<16xi32> to vector<16xi32>
    %swap3A_180 = arith.constant 64 : index
    %swap3A_181 = tpu.vector_load %arg8[%swap3A_180] {strides = array<i32>} : memref<80xi32, #tpu.memory_space<vmem>>, vector<16xi32>,
    %swap3A_182 = vector.shape_cast %swap3A_181 : vector<16xi32> to vector<16xi32>
    %swap3A_183 = vector.shape_cast %get3A_179 : vector<16xi32> to vector<16xi32>
    tpu.vector_store %arg8[%swap3A_180], %swap3A_183 {strides = array<i32>} : memref<80xi32, #tpu.memory_space<vmem>>, vector<16xi32>,
    %dma_wait3A_184 = arith.constant 0 : i32
    %dma_wait3A_185 = tpu.memref_slice %arg6[%dma_wait3A_184] : memref<5120xi32, #tpu.memory_space<vmem>> -> memref<80xi32, #tpu.memory_space<vmem>>
    %dma_wait3A_186 = arith.constant 0 : i32
    %dma_wait3A_187 = arith.constant 0 : i32
    %dma_wait3A_188 = tpu.memref_slice %arg3[%dma_wait3A_186, %dma_wait3A_187] : memref<10000x128xf32, #tpu.memory_space<hbm>> -> memref<10000x128xf32, #tpu.memory_space<hbm>>
    tpu.wait_indirect_dma semaphore(%arg14 : memref<!tpu.dma_semaphore, #tpu.memory_space<semaphore_mem>>) src(%dma_wait3A_188 : memref<10000x128xf32, #tpu.memory_space<hbm>>) dst(%arg10 : memref<80x128xf32, #tpu.memory_space<vmem>>)
    %dma_start3A_189 = arith.constant 0 : i32
    %dma_start3A_190 = arith.constant 0 : i32
    %dma_start3A_191 = tpu.memref_slice %arg13[%dma_start3A_189, %dma_start3A_190] : memref<10240x128xf32, #tpu.memory_space<vmem_shared>> -> memref<10240x128xf32, #tpu.memory_space<vmem_shared>>
    tpu.enqueue_indirect_dma source(%arg10 : memref<80x128xf32, #tpu.memory_space<vmem>>) target(%dma_start3A_191 : memref<10240x128xf32, #tpu.memory_space<vmem_shared>>) offsets(%arg8 : memref<80xi32, #tpu.memory_space<vmem>>) semaphore(%arg16 : memref<!tpu.dma_semaphore, #tpu.memory_space<semaphore_mem>>) {add = true}
    %dma_wait3A_192 = arith.constant 0 : i32
    %dma_wait3A_193 = arith.constant 0 : i32
    %dma_wait3A_194 = tpu.memref_slice %arg13[%dma_wait3A_192, %dma_wait3A_193] : memref<10240x128xf32, #tpu.memory_space<vmem_shared>> -> memref<10240x128xf32, #tpu.memory_space<vmem_shared>>
    tpu.wait_indirect_dma semaphore(%arg16 : memref<!tpu.dma_semaphore, #tpu.memory_space<semaphore_mem>>) src(%arg10 : memref<80x128xf32, #tpu.memory_space<vmem>>) dst(%dma_wait3A_194 : memref<10240x128xf32, #tpu.memory_space<vmem_shared>>)
    %barrier3A_195 = arith.constant 0 : index
    tpu.barrier barrier_id(%barrier3A_195)
    %eq3A = arith.constant 0 : i32
    %eq3A_196 = arith.cmpi eq, %arg0, %eq3A : i32
    %convert_element_type3A = arith.extui %eq3A_196 : i1 to i32
    %cond3A = arith.constant 0 : i32
    %cond3A_197 = arith.cmpi ne, %convert_element_type3A, %cond3A : i32
    scf.if %cond3A_197 {
      "tpu.region"() ({
        %run_scoped3A = tpu.sem_alloc : memref<!tpu.dma_semaphore, #tpu.memory_space<semaphore_mem>>
        %dma_start3A_203 = arith.constant 0 : i32
        %dma_start3A_204 = tpu.memref_slice %arg4[%mul3A_2, %dma_start3A_203] : memref<10240x128xf32, #tpu.memory_space<hbm>> -> memref<640x128xf32, #tpu.memory_space<hbm>>
        %dma_start3A_205 = arith.constant 0 : i32
        %dma_start3A_206 = tpu.memref_slice %arg13[%mul3A_2, %dma_start3A_205] : memref<10240x128xf32, #tpu.memory_space<vmem_shared>> -> memref<640x128xf32, #tpu.memory_space<vmem_shared>>
        tpu.enqueue_dma source(%dma_start3A_206 : memref<640x128xf32, #tpu.memory_space<vmem_shared>>) target(%dma_start3A_204 : memref<640x128xf32, #tpu.memory_space<hbm>>) target_semaphore(%run_scoped3A : memref<!tpu.dma_semaphore, #tpu.memory_space<semaphore_mem>>)
        %dma_wait3A_207 = arith.constant 0 : i32
        %dma_wait3A_208 = tpu.memref_slice %arg4[%mul3A_2, %dma_wait3A_207] : memref<10240x128xf32, #tpu.memory_space<hbm>> -> memref<640x128xf32, #tpu.memory_space<hbm>>
        %dma_wait3A_209 = arith.constant 0 : i32
        %dma_wait3A_210 = tpu.memref_slice %arg13[%mul3A_2, %dma_wait3A_209] : memref<10240x128xf32, #tpu.memory_space<vmem_shared>> -> memref<640x128xf32, #tpu.memory_space<vmem_shared>>
        tpu.wait_dma2 semaphore(%run_scoped3A : memref<!tpu.dma_semaphore, #tpu.memory_space<semaphore_mem>>) src(%dma_wait3A_210 : memref<640x128xf32, #tpu.memory_space<vmem_shared>>) dst(%dma_wait3A_208 : memref<640x128xf32, #tpu.memory_space<hbm>>)
        tpu.yield
      }) : () -> ()
    } else {
    }
    %eq3A_198 = arith.constant 1 : i32
    %eq3A_199 = arith.cmpi eq, %arg0, %eq3A_198 : i32
    %convert_element_type3A_200 = arith.extui %eq3A_199 : i1 to i32
    %cond3A_201 = arith.constant 0 : i32
    %cond3A_202 = arith.cmpi ne, %convert_element_type3A_200, %cond3A_201 : i32
    scf.if %cond3A_202 {
      "tpu.region"() ({
        %run_scoped3A = tpu.sem_alloc : memref<!tpu.dma_semaphore, #tpu.memory_space<semaphore_mem>>
        %dma_start3A_203 = arith.constant 0 : i32
        %dma_start3A_204 = tpu.memref_slice %arg5[%mul3A_2, %dma_start3A_203] : memref<10240x128xf32, #tpu.memory_space<hbm>> -> memref<640x128xf32, #tpu.memory_space<hbm>>
        %dma_start3A_205 = arith.constant 0 : i32
        %dma_start3A_206 = tpu.memref_slice %arg13[%mul3A_2, %dma_start3A_205] : memref<10240x128xf32, #tpu.memory_space<vmem_shared>> -> memref<640x128xf32, #tpu.memory_space<vmem_shared>>
        tpu.enqueue_dma source(%dma_start3A_206 : memref<640x128xf32, #tpu.memory_space<vmem_shared>>) target(%dma_start3A_204 : memref<640x128xf32, #tpu.memory_space<hbm>>) target_semaphore(%run_scoped3A : memref<!tpu.dma_semaphore, #tpu.memory_space<semaphore_mem>>)
        %dma_wait3A_207 = arith.constant 0 : i32
        %dma_wait3A_208 = tpu.memref_slice %arg5[%mul3A_2, %dma_wait3A_207] : memref<10240x128xf32, #tpu.memory_space<hbm>> -> memref<640x128xf32, #tpu.memory_space<hbm>>
        %dma_wait3A_209 = arith.constant 0 : i32
        %dma_wait3A_210 = tpu.memref_slice %arg13[%mul3A_2, %dma_wait3A_209] : memref<10240x128xf32, #tpu.memory_space<vmem_shared>> -> memref<640x128xf32, #tpu.memory_space<vmem_shared>>
        tpu.wait_dma2 semaphore(%run_scoped3A : memref<!tpu.dma_semaphore, #tpu.memory_space<semaphore_mem>>) src(%dma_wait3A_210 : memref<640x128xf32, #tpu.memory_space<vmem_shared>>) dst(%dma_wait3A_208 : memref<640x128xf32, #tpu.memory_space<hbm>>)
        tpu.yield
      }) : () -> ()
    } else {
    }
    return
  }
}

#map = affine_map<(d0, d1) -> (0)>
#map1 = affine_map<(d0, d1) -> (0, 0)>
module attributes {stable_mosaic.version = 14 : i64} {
  func.func @agg_kernel(%arg0: i32, %arg1: i32, %arg2: memref<640000xi32, #tpu.memory_space<hbm>>, %arg3: memref<10000x128xf32, #tpu.memory_space<hbm>>, %arg4: memref<10240x128xf32, #tpu.memory_space<hbm>>, %arg5: memref<10240x128xf32, #tpu.memory_space<hbm>>, %arg6: memref<10240xf32, #tpu.memory_space<hbm>>, %arg7: memref<10240xf32, #tpu.memory_space<hbm>>, %arg8: memref<5120xi32, #tpu.memory_space<vmem>>, %arg9: memref<5120xi32, #tpu.memory_space<vmem>>, %arg10: memref<80xi32, #tpu.memory_space<vmem>>, %arg11: memref<80xi32, #tpu.memory_space<vmem>>, %arg12: memref<80x128xf32, #tpu.memory_space<vmem>>, %arg13: memref<80x128xf32, #tpu.memory_space<vmem>>, %arg14: memref<16x128xf32, #tpu.memory_space<vmem>>, %arg15: memref<10240x128xf32, #tpu.memory_space<vmem_shared>>, %arg16: memref<!tpu.dma_semaphore, #tpu.memory_space<semaphore_mem>>, %arg17: memref<!tpu.dma_semaphore, #tpu.memory_space<semaphore_mem>>, %arg18: memref<!tpu.dma_semaphore, #tpu.memory_space<semaphore_mem>>, %arg19: memref<!tpu.dma_semaphore, #tpu.memory_space<semaphore_mem>>, %arg20: memref<80xf32, #tpu.memory_space<vmem>>, %arg21: memref<10240xf32, #tpu.memory_space<vmem_shared>>, %arg22: memref<!tpu.dma_semaphore, #tpu.memory_space<semaphore_mem>>, %arg23: memref<!tpu.dma_semaphore, #tpu.memory_space<semaphore_mem>>) attributes {dimension_semantics = [#tpu.dimension_semantics<core_parallel>, #tpu.dimension_semantics<subcore_parallel>], iteration_bounds = array<i64: 2, 16>, scalar_prefetch = 0 : i64, scratch_operands = 16 : i64, tpu.core_type = #tpu.core_type<sc_vector_subcore>, window_params = [{transform_indices = #map}, {transform_indices = #map1}, {transform_indices = #map1}, {transform_indices = #map1}, {transform_indices = #map}, {transform_indices = #map}]} {
    %mul3A = arith.constant 16 : i32
    %mul3A_0 = arith.muli %arg0, %mul3A : i32
    %add3A = arith.addi %mul3A_0, %arg1 : i32
    %mul3A_1 = arith.constant 640 : i32
    %mul3A_2 = arith.muli %arg1, %mul3A_1 : i32
    %mul3A_3 = arith.constant 10000 : i32
    %mul3A_4 = arith.muli %add3A, %mul3A_3 : i32
    %broadcast_in_dim3A = arith.constant 0.000000e+00 : f32
    %broadcast_in_dim3A_5 = vector.broadcast %broadcast_in_dim3A : f32 to vector<16xf32>
    %scan3A = arith.constant 0 : i32
    %scan3A_6 = arith.constant 0 : i32
    %scan3A_7 = arith.constant 16 : i32
    %scan3A_8 = arith.addi %scan3A_6, %scan3A_7 : i32
    %scan3A_9 = arith.constant 1 : i32
    scf.for %scan3A_262 = %scan3A_6 to %scan3A_8 step %scan3A_9  : i32 {
      %swap3A_263 = arith.index_cast %scan3A_262 : i32 to index
      %swap3A_264 = arith.constant 0 : index
      %swap3A_265 = tpu.vector_load %arg14[%swap3A_263, %swap3A_264] {strides = array<i32>} : memref<16x128xf32, #tpu.memory_space<vmem>>, vector<1x16xf32>,
      %swap3A_266 = vector.shape_cast %swap3A_265 : vector<1x16xf32> to vector<16xf32>
      %swap3A_267 = vector.shape_cast %broadcast_in_dim3A_5 : vector<16xf32> to vector<1x16xf32>
      tpu.vector_store %arg14[%swap3A_263, %swap3A_264], %swap3A_267 {strides = array<i32>} : memref<16x128xf32, #tpu.memory_space<vmem>>, vector<1x16xf32>,
      %swap3A_268 = arith.index_cast %scan3A_262 : i32 to index
      %swap3A_269 = arith.constant 16 : index
      %swap3A_270 = tpu.vector_load %arg14[%swap3A_268, %swap3A_269] {strides = array<i32>} : memref<16x128xf32, #tpu.memory_space<vmem>>, vector<1x16xf32>,
      %swap3A_271 = vector.shape_cast %swap3A_270 : vector<1x16xf32> to vector<16xf32>
      %swap3A_272 = vector.shape_cast %broadcast_in_dim3A_5 : vector<16xf32> to vector<1x16xf32>
      tpu.vector_store %arg14[%swap3A_268, %swap3A_269], %swap3A_272 {strides = array<i32>} : memref<16x128xf32, #tpu.memory_space<vmem>>, vector<1x16xf32>,
      %swap3A_273 = arith.index_cast %scan3A_262 : i32 to index
      %swap3A_274 = arith.constant 32 : index
      %swap3A_275 = tpu.vector_load %arg14[%swap3A_273, %swap3A_274] {strides = array<i32>} : memref<16x128xf32, #tpu.memory_space<vmem>>, vector<1x16xf32>,
      %swap3A_276 = vector.shape_cast %swap3A_275 : vector<1x16xf32> to vector<16xf32>
      %swap3A_277 = vector.shape_cast %broadcast_in_dim3A_5 : vector<16xf32> to vector<1x16xf32>
      tpu.vector_store %arg14[%swap3A_273, %swap3A_274], %swap3A_277 {strides = array<i32>} : memref<16x128xf32, #tpu.memory_space<vmem>>, vector<1x16xf32>,
      %swap3A_278 = arith.index_cast %scan3A_262 : i32 to index
      %swap3A_279 = arith.constant 48 : index
      %swap3A_280 = tpu.vector_load %arg14[%swap3A_278, %swap3A_279] {strides = array<i32>} : memref<16x128xf32, #tpu.memory_space<vmem>>, vector<1x16xf32>,
      %swap3A_281 = vector.shape_cast %swap3A_280 : vector<1x16xf32> to vector<16xf32>
      %swap3A_282 = vector.shape_cast %broadcast_in_dim3A_5 : vector<16xf32> to vector<1x16xf32>
      tpu.vector_store %arg14[%swap3A_278, %swap3A_279], %swap3A_282 {strides = array<i32>} : memref<16x128xf32, #tpu.memory_space<vmem>>, vector<1x16xf32>,
      %swap3A_283 = arith.index_cast %scan3A_262 : i32 to index
      %swap3A_284 = arith.constant 64 : index
      %swap3A_285 = tpu.vector_load %arg14[%swap3A_283, %swap3A_284] {strides = array<i32>} : memref<16x128xf32, #tpu.memory_space<vmem>>, vector<1x16xf32>,
      %swap3A_286 = vector.shape_cast %swap3A_285 : vector<1x16xf32> to vector<16xf32>
      %swap3A_287 = vector.shape_cast %broadcast_in_dim3A_5 : vector<16xf32> to vector<1x16xf32>
      tpu.vector_store %arg14[%swap3A_283, %swap3A_284], %swap3A_287 {strides = array<i32>} : memref<16x128xf32, #tpu.memory_space<vmem>>, vector<1x16xf32>,
      %swap3A_288 = arith.index_cast %scan3A_262 : i32 to index
      %swap3A_289 = arith.constant 80 : index
      %swap3A_290 = tpu.vector_load %arg14[%swap3A_288, %swap3A_289] {strides = array<i32>} : memref<16x128xf32, #tpu.memory_space<vmem>>, vector<1x16xf32>,
      %swap3A_291 = vector.shape_cast %swap3A_290 : vector<1x16xf32> to vector<16xf32>
      %swap3A_292 = vector.shape_cast %broadcast_in_dim3A_5 : vector<16xf32> to vector<1x16xf32>
      tpu.vector_store %arg14[%swap3A_288, %swap3A_289], %swap3A_292 {strides = array<i32>} : memref<16x128xf32, #tpu.memory_space<vmem>>, vector<1x16xf32>,
      %swap3A_293 = arith.index_cast %scan3A_262 : i32 to index
      %swap3A_294 = arith.constant 96 : index
      %swap3A_295 = tpu.vector_load %arg14[%swap3A_293, %swap3A_294] {strides = array<i32>} : memref<16x128xf32, #tpu.memory_space<vmem>>, vector<1x16xf32>,
      %swap3A_296 = vector.shape_cast %swap3A_295 : vector<1x16xf32> to vector<16xf32>
      %swap3A_297 = vector.shape_cast %broadcast_in_dim3A_5 : vector<16xf32> to vector<1x16xf32>
      tpu.vector_store %arg14[%swap3A_293, %swap3A_294], %swap3A_297 {strides = array<i32>} : memref<16x128xf32, #tpu.memory_space<vmem>>, vector<1x16xf32>,
      %swap3A_298 = arith.index_cast %scan3A_262 : i32 to index
      %swap3A_299 = arith.constant 112 : index
      %swap3A_300 = tpu.vector_load %arg14[%swap3A_298, %swap3A_299] {strides = array<i32>} : memref<16x128xf32, #tpu.memory_space<vmem>>, vector<1x16xf32>,
      %swap3A_301 = vector.shape_cast %swap3A_300 : vector<1x16xf32> to vector<16xf32>
      %swap3A_302 = vector.shape_cast %broadcast_in_dim3A_5 : vector<16xf32> to vector<1x16xf32>
      tpu.vector_store %arg14[%swap3A_298, %swap3A_299], %swap3A_302 {strides = array<i32>} : memref<16x128xf32, #tpu.memory_space<vmem>>, vector<1x16xf32>,
    }
    %scan3A_10 = arith.constant 16 : i32
    %scan3A_11 = arith.constant 0 : i32
    %scan3A_12 = arith.constant 0 : i32
    %scan3A_13 = arith.constant 40 : i32
    %scan3A_14 = arith.addi %scan3A_12, %scan3A_13 : i32
    %scan3A_15 = arith.constant 1 : i32
    scf.for %scan3A_262 = %scan3A_12 to %scan3A_14 step %scan3A_15  : i32 {
      %mul3A_263 = arith.constant 16 : i32
      %mul3A_264 = arith.muli %scan3A_262, %mul3A_263 : i32
      %add3A_265 = arith.addi %mul3A_2, %mul3A_264 : i32
      "tpu.region"() ({
        %run_scoped3A_266 = tpu.sem_alloc : memref<!tpu.dma_semaphore, #tpu.memory_space<semaphore_mem>>
        %dma_start3A_267 = arith.constant 0 : i32
        %dma_start3A_268 = tpu.memref_slice %arg15[%add3A_265, %dma_start3A_267] : memref<10240x128xf32, #tpu.memory_space<vmem_shared>> -> memref<16x128xf32, #tpu.memory_space<vmem_shared>>
        %dma_start3A_269 = arith.constant 0 : i32
        %dma_start3A_270 = tpu.memref_slice %arg15[%add3A_265, %dma_start3A_269] : memref<10240x128xf32, #tpu.memory_space<vmem_shared>> -> memref<16x128xf32, #tpu.memory_space<vmem_shared>>
        tpu.enqueue_dma source(%arg14 : memref<16x128xf32, #tpu.memory_space<vmem>>) target(%dma_start3A_270 : memref<16x128xf32, #tpu.memory_space<vmem_shared>>) target_semaphore(%run_scoped3A_266 : memref<!tpu.dma_semaphore, #tpu.memory_space<semaphore_mem>>)
        %dma_wait3A_271 = arith.constant 0 : i32
        %dma_wait3A_272 = tpu.memref_slice %arg15[%add3A_265, %dma_wait3A_271] : memref<10240x128xf32, #tpu.memory_space<vmem_shared>> -> memref<16x128xf32, #tpu.memory_space<vmem_shared>>
        %dma_wait3A_273 = arith.constant 0 : i32
        %dma_wait3A_274 = tpu.memref_slice %arg15[%add3A_265, %dma_wait3A_273] : memref<10240x128xf32, #tpu.memory_space<vmem_shared>> -> memref<16x128xf32, #tpu.memory_space<vmem_shared>>
        tpu.wait_dma2 semaphore(%run_scoped3A_266 : memref<!tpu.dma_semaphore, #tpu.memory_space<semaphore_mem>>) src(%arg14 : memref<16x128xf32, #tpu.memory_space<vmem>>) dst(%dma_wait3A_274 : memref<16x128xf32, #tpu.memory_space<vmem_shared>>)
        tpu.yield
      }) : () -> ()
    }
    %scan3A_16 = arith.constant 40 : i32
    %broadcast_in_dim3A_17 = arith.constant 1.000000e+00 : f32
    %broadcast_in_dim3A_18 = vector.broadcast %broadcast_in_dim3A_17 : f32 to vector<16xf32>
    %swap3A = arith.constant 0 : index
    %swap3A_19 = tpu.vector_load %arg20[%swap3A] {strides = array<i32>} : memref<80xf32, #tpu.memory_space<vmem>>, vector<16xf32>,
    %swap3A_20 = vector.shape_cast %swap3A_19 : vector<16xf32> to vector<16xf32>
    %swap3A_21 = vector.shape_cast %broadcast_in_dim3A_18 : vector<16xf32> to vector<16xf32>
    tpu.vector_store %arg20[%swap3A], %swap3A_21 {strides = array<i32>} : memref<80xf32, #tpu.memory_space<vmem>>, vector<16xf32>,
    %swap3A_22 = arith.constant 16 : index
    %swap3A_23 = tpu.vector_load %arg20[%swap3A_22] {strides = array<i32>} : memref<80xf32, #tpu.memory_space<vmem>>, vector<16xf32>,
    %swap3A_24 = vector.shape_cast %swap3A_23 : vector<16xf32> to vector<16xf32>
    %swap3A_25 = vector.shape_cast %broadcast_in_dim3A_18 : vector<16xf32> to vector<16xf32>
    tpu.vector_store %arg20[%swap3A_22], %swap3A_25 {strides = array<i32>} : memref<80xf32, #tpu.memory_space<vmem>>, vector<16xf32>,
    %swap3A_26 = arith.constant 32 : index
    %swap3A_27 = tpu.vector_load %arg20[%swap3A_26] {strides = array<i32>} : memref<80xf32, #tpu.memory_space<vmem>>, vector<16xf32>,
    %swap3A_28 = vector.shape_cast %swap3A_27 : vector<16xf32> to vector<16xf32>
    %swap3A_29 = vector.shape_cast %broadcast_in_dim3A_18 : vector<16xf32> to vector<16xf32>
    tpu.vector_store %arg20[%swap3A_26], %swap3A_29 {strides = array<i32>} : memref<80xf32, #tpu.memory_space<vmem>>, vector<16xf32>,
    %swap3A_30 = arith.constant 48 : index
    %swap3A_31 = tpu.vector_load %arg20[%swap3A_30] {strides = array<i32>} : memref<80xf32, #tpu.memory_space<vmem>>, vector<16xf32>,
    %swap3A_32 = vector.shape_cast %swap3A_31 : vector<16xf32> to vector<16xf32>
    %swap3A_33 = vector.shape_cast %broadcast_in_dim3A_18 : vector<16xf32> to vector<16xf32>
    tpu.vector_store %arg20[%swap3A_30], %swap3A_33 {strides = array<i32>} : memref<80xf32, #tpu.memory_space<vmem>>, vector<16xf32>,
    %swap3A_34 = arith.constant 64 : index
    %swap3A_35 = tpu.vector_load %arg20[%swap3A_34] {strides = array<i32>} : memref<80xf32, #tpu.memory_space<vmem>>, vector<16xf32>,
    %swap3A_36 = vector.shape_cast %swap3A_35 : vector<16xf32> to vector<16xf32>
    %swap3A_37 = vector.shape_cast %broadcast_in_dim3A_18 : vector<16xf32> to vector<16xf32>
    tpu.vector_store %arg20[%swap3A_34], %swap3A_37 {strides = array<i32>} : memref<80xf32, #tpu.memory_space<vmem>>, vector<16xf32>,
    %add3A_38 = arith.constant 0 : i32
    %add3A_39 = arith.addi %mul3A_2, %add3A_38 : i32
    %run_scoped3A = arith.constant 0 : i32
    "tpu.region"() ({
      %run_scoped3A_262 = tpu.sem_alloc : memref<!tpu.dma_semaphore, #tpu.memory_space<semaphore_mem>>
      %dma_start3A_263 = arith.constant 0 : i32
      %dma_start3A_264 = tpu.memref_slice %arg14[%run_scoped3A, %dma_start3A_263] : memref<16x128xf32, #tpu.memory_space<vmem>> -> memref<1x128xf32, #tpu.memory_space<vmem>>
      %dma_start3A_265 = tpu.memref_squeeze %dma_start3A_264 : memref<1x128xf32, #tpu.memory_space<vmem>> -> memref<128xf32, #tpu.memory_space<vmem>>
      %dma_start3A_266 = tpu.memref_slice %arg21[%add3A_39] : memref<10240xf32, #tpu.memory_space<vmem_shared>> -> memref<128xf32, #tpu.memory_space<vmem_shared>>
      %dma_start3A_267 = tpu.memref_slice %arg21[%add3A_39] : memref<10240xf32, #tpu.memory_space<vmem_shared>> -> memref<128xf32, #tpu.memory_space<vmem_shared>>
      %dma_start3A_268 = arith.constant 0 : i32
      %dma_start3A_269 = tpu.memref_slice %arg14[%run_scoped3A, %dma_start3A_268] : memref<16x128xf32, #tpu.memory_space<vmem>> -> memref<1x128xf32, #tpu.memory_space<vmem>>
      %dma_start3A_270 = tpu.memref_squeeze %dma_start3A_269 : memref<1x128xf32, #tpu.memory_space<vmem>> -> memref<128xf32, #tpu.memory_space<vmem>>
      tpu.enqueue_dma source(%dma_start3A_270 : memref<128xf32, #tpu.memory_space<vmem>>) target(%dma_start3A_267 : memref<128xf32, #tpu.memory_space<vmem_shared>>) target_semaphore(%run_scoped3A_262 : memref<!tpu.dma_semaphore, #tpu.memory_space<semaphore_mem>>)
      %dma_wait3A_271 = arith.constant 0 : i32
      %dma_wait3A_272 = tpu.memref_slice %arg14[%run_scoped3A, %dma_wait3A_271] : memref<16x128xf32, #tpu.memory_space<vmem>> -> memref<1x128xf32, #tpu.memory_space<vmem>>
      %dma_wait3A_273 = tpu.memref_squeeze %dma_wait3A_272 : memref<1x128xf32, #tpu.memory_space<vmem>> -> memref<128xf32, #tpu.memory_space<vmem>>
      %dma_wait3A_274 = tpu.memref_slice %arg21[%add3A_39] : memref<10240xf32, #tpu.memory_space<vmem_shared>> -> memref<128xf32, #tpu.memory_space<vmem_shared>>
      %dma_wait3A_275 = tpu.memref_slice %arg21[%add3A_39] : memref<10240xf32, #tpu.memory_space<vmem_shared>> -> memref<128xf32, #tpu.memory_space<vmem_shared>>
      %dma_wait3A_276 = arith.constant 0 : i32
      %dma_wait3A_277 = tpu.memref_slice %arg14[%run_scoped3A, %dma_wait3A_276] : memref<16x128xf32, #tpu.memory_space<vmem>> -> memref<1x128xf32, #tpu.memory_space<vmem>>
      %dma_wait3A_278 = tpu.memref_squeeze %dma_wait3A_277 : memref<1x128xf32, #tpu.memory_space<vmem>> -> memref<128xf32, #tpu.memory_space<vmem>>
      tpu.wait_dma2 semaphore(%run_scoped3A_262 : memref<!tpu.dma_semaphore, #tpu.memory_space<semaphore_mem>>) src(%dma_wait3A_278 : memref<128xf32, #tpu.memory_space<vmem>>) dst(%dma_wait3A_275 : memref<128xf32, #tpu.memory_space<vmem_shared>>)
      tpu.yield
    }) : () -> ()
    %add3A_40 = arith.constant 128 : i32
    %add3A_41 = arith.addi %mul3A_2, %add3A_40 : i32
    %run_scoped3A_42 = arith.constant 0 : i32
    "tpu.region"() ({
      %run_scoped3A_262 = tpu.sem_alloc : memref<!tpu.dma_semaphore, #tpu.memory_space<semaphore_mem>>
      %dma_start3A_263 = arith.constant 0 : i32
      %dma_start3A_264 = tpu.memref_slice %arg14[%run_scoped3A_42, %dma_start3A_263] : memref<16x128xf32, #tpu.memory_space<vmem>> -> memref<1x128xf32, #tpu.memory_space<vmem>>
      %dma_start3A_265 = tpu.memref_squeeze %dma_start3A_264 : memref<1x128xf32, #tpu.memory_space<vmem>> -> memref<128xf32, #tpu.memory_space<vmem>>
      %dma_start3A_266 = tpu.memref_slice %arg21[%add3A_41] : memref<10240xf32, #tpu.memory_space<vmem_shared>> -> memref<128xf32, #tpu.memory_space<vmem_shared>>
      %dma_start3A_267 = tpu.memref_slice %arg21[%add3A_41] : memref<10240xf32, #tpu.memory_space<vmem_shared>> -> memref<128xf32, #tpu.memory_space<vmem_shared>>
      %dma_start3A_268 = arith.constant 0 : i32
      %dma_start3A_269 = tpu.memref_slice %arg14[%run_scoped3A_42, %dma_start3A_268] : memref<16x128xf32, #tpu.memory_space<vmem>> -> memref<1x128xf32, #tpu.memory_space<vmem>>
      %dma_start3A_270 = tpu.memref_squeeze %dma_start3A_269 : memref<1x128xf32, #tpu.memory_space<vmem>> -> memref<128xf32, #tpu.memory_space<vmem>>
      tpu.enqueue_dma source(%dma_start3A_270 : memref<128xf32, #tpu.memory_space<vmem>>) target(%dma_start3A_267 : memref<128xf32, #tpu.memory_space<vmem_shared>>) target_semaphore(%run_scoped3A_262 : memref<!tpu.dma_semaphore, #tpu.memory_space<semaphore_mem>>)
      %dma_wait3A_271 = arith.constant 0 : i32
      %dma_wait3A_272 = tpu.memref_slice %arg14[%run_scoped3A_42, %dma_wait3A_271] : memref<16x128xf32, #tpu.memory_space<vmem>> -> memref<1x128xf32, #tpu.memory_space<vmem>>
      %dma_wait3A_273 = tpu.memref_squeeze %dma_wait3A_272 : memref<1x128xf32, #tpu.memory_space<vmem>> -> memref<128xf32, #tpu.memory_space<vmem>>
      %dma_wait3A_274 = tpu.memref_slice %arg21[%add3A_41] : memref<10240xf32, #tpu.memory_space<vmem_shared>> -> memref<128xf32, #tpu.memory_space<vmem_shared>>
      %dma_wait3A_275 = tpu.memref_slice %arg21[%add3A_41] : memref<10240xf32, #tpu.memory_space<vmem_shared>> -> memref<128xf32, #tpu.memory_space<vmem_shared>>
      %dma_wait3A_276 = arith.constant 0 : i32
      %dma_wait3A_277 = tpu.memref_slice %arg14[%run_scoped3A_42, %dma_wait3A_276] : memref<16x128xf32, #tpu.memory_space<vmem>> -> memref<1x128xf32, #tpu.memory_space<vmem>>
      %dma_wait3A_278 = tpu.memref_squeeze %dma_wait3A_277 : memref<1x128xf32, #tpu.memory_space<vmem>> -> memref<128xf32, #tpu.memory_space<vmem>>
      tpu.wait_dma2 semaphore(%run_scoped3A_262 : memref<!tpu.dma_semaphore, #tpu.memory_space<semaphore_mem>>) src(%dma_wait3A_278 : memref<128xf32, #tpu.memory_space<vmem>>) dst(%dma_wait3A_275 : memref<128xf32, #tpu.memory_space<vmem_shared>>)
      tpu.yield
    }) : () -> ()
    %add3A_43 = arith.constant 256 : i32
    %add3A_44 = arith.addi %mul3A_2, %add3A_43 : i32
    %run_scoped3A_45 = arith.constant 0 : i32
    "tpu.region"() ({
      %run_scoped3A_262 = tpu.sem_alloc : memref<!tpu.dma_semaphore, #tpu.memory_space<semaphore_mem>>
      %dma_start3A_263 = arith.constant 0 : i32
      %dma_start3A_264 = tpu.memref_slice %arg14[%run_scoped3A_45, %dma_start3A_263] : memref<16x128xf32, #tpu.memory_space<vmem>> -> memref<1x128xf32, #tpu.memory_space<vmem>>
      %dma_start3A_265 = tpu.memref_squeeze %dma_start3A_264 : memref<1x128xf32, #tpu.memory_space<vmem>> -> memref<128xf32, #tpu.memory_space<vmem>>
      %dma_start3A_266 = tpu.memref_slice %arg21[%add3A_44] : memref<10240xf32, #tpu.memory_space<vmem_shared>> -> memref<128xf32, #tpu.memory_space<vmem_shared>>
      %dma_start3A_267 = tpu.memref_slice %arg21[%add3A_44] : memref<10240xf32, #tpu.memory_space<vmem_shared>> -> memref<128xf32, #tpu.memory_space<vmem_shared>>
      %dma_start3A_268 = arith.constant 0 : i32
      %dma_start3A_269 = tpu.memref_slice %arg14[%run_scoped3A_45, %dma_start3A_268] : memref<16x128xf32, #tpu.memory_space<vmem>> -> memref<1x128xf32, #tpu.memory_space<vmem>>
      %dma_start3A_270 = tpu.memref_squeeze %dma_start3A_269 : memref<1x128xf32, #tpu.memory_space<vmem>> -> memref<128xf32, #tpu.memory_space<vmem>>
      tpu.enqueue_dma source(%dma_start3A_270 : memref<128xf32, #tpu.memory_space<vmem>>) target(%dma_start3A_267 : memref<128xf32, #tpu.memory_space<vmem_shared>>) target_semaphore(%run_scoped3A_262 : memref<!tpu.dma_semaphore, #tpu.memory_space<semaphore_mem>>)
      %dma_wait3A_271 = arith.constant 0 : i32
      %dma_wait3A_272 = tpu.memref_slice %arg14[%run_scoped3A_45, %dma_wait3A_271] : memref<16x128xf32, #tpu.memory_space<vmem>> -> memref<1x128xf32, #tpu.memory_space<vmem>>
      %dma_wait3A_273 = tpu.memref_squeeze %dma_wait3A_272 : memref<1x128xf32, #tpu.memory_space<vmem>> -> memref<128xf32, #tpu.memory_space<vmem>>
      %dma_wait3A_274 = tpu.memref_slice %arg21[%add3A_44] : memref<10240xf32, #tpu.memory_space<vmem_shared>> -> memref<128xf32, #tpu.memory_space<vmem_shared>>
      %dma_wait3A_275 = tpu.memref_slice %arg21[%add3A_44] : memref<10240xf32, #tpu.memory_space<vmem_shared>> -> memref<128xf32, #tpu.memory_space<vmem_shared>>
      %dma_wait3A_276 = arith.constant 0 : i32
      %dma_wait3A_277 = tpu.memref_slice %arg14[%run_scoped3A_45, %dma_wait3A_276] : memref<16x128xf32, #tpu.memory_space<vmem>> -> memref<1x128xf32, #tpu.memory_space<vmem>>
      %dma_wait3A_278 = tpu.memref_squeeze %dma_wait3A_277 : memref<1x128xf32, #tpu.memory_space<vmem>> -> memref<128xf32, #tpu.memory_space<vmem>>
      tpu.wait_dma2 semaphore(%run_scoped3A_262 : memref<!tpu.dma_semaphore, #tpu.memory_space<semaphore_mem>>) src(%dma_wait3A_278 : memref<128xf32, #tpu.memory_space<vmem>>) dst(%dma_wait3A_275 : memref<128xf32, #tpu.memory_space<vmem_shared>>)
      tpu.yield
    }) : () -> ()
    %add3A_46 = arith.constant 384 : i32
    %add3A_47 = arith.addi %mul3A_2, %add3A_46 : i32
    %run_scoped3A_48 = arith.constant 0 : i32
    "tpu.region"() ({
      %run_scoped3A_262 = tpu.sem_alloc : memref<!tpu.dma_semaphore, #tpu.memory_space<semaphore_mem>>
      %dma_start3A_263 = arith.constant 0 : i32
      %dma_start3A_264 = tpu.memref_slice %arg14[%run_scoped3A_48, %dma_start3A_263] : memref<16x128xf32, #tpu.memory_space<vmem>> -> memref<1x128xf32, #tpu.memory_space<vmem>>
      %dma_start3A_265 = tpu.memref_squeeze %dma_start3A_264 : memref<1x128xf32, #tpu.memory_space<vmem>> -> memref<128xf32, #tpu.memory_space<vmem>>
      %dma_start3A_266 = tpu.memref_slice %arg21[%add3A_47] : memref<10240xf32, #tpu.memory_space<vmem_shared>> -> memref<128xf32, #tpu.memory_space<vmem_shared>>
      %dma_start3A_267 = tpu.memref_slice %arg21[%add3A_47] : memref<10240xf32, #tpu.memory_space<vmem_shared>> -> memref<128xf32, #tpu.memory_space<vmem_shared>>
      %dma_start3A_268 = arith.constant 0 : i32
      %dma_start3A_269 = tpu.memref_slice %arg14[%run_scoped3A_48, %dma_start3A_268] : memref<16x128xf32, #tpu.memory_space<vmem>> -> memref<1x128xf32, #tpu.memory_space<vmem>>
      %dma_start3A_270 = tpu.memref_squeeze %dma_start3A_269 : memref<1x128xf32, #tpu.memory_space<vmem>> -> memref<128xf32, #tpu.memory_space<vmem>>
      tpu.enqueue_dma source(%dma_start3A_270 : memref<128xf32, #tpu.memory_space<vmem>>) target(%dma_start3A_267 : memref<128xf32, #tpu.memory_space<vmem_shared>>) target_semaphore(%run_scoped3A_262 : memref<!tpu.dma_semaphore, #tpu.memory_space<semaphore_mem>>)
      %dma_wait3A_271 = arith.constant 0 : i32
      %dma_wait3A_272 = tpu.memref_slice %arg14[%run_scoped3A_48, %dma_wait3A_271] : memref<16x128xf32, #tpu.memory_space<vmem>> -> memref<1x128xf32, #tpu.memory_space<vmem>>
      %dma_wait3A_273 = tpu.memref_squeeze %dma_wait3A_272 : memref<1x128xf32, #tpu.memory_space<vmem>> -> memref<128xf32, #tpu.memory_space<vmem>>
      %dma_wait3A_274 = tpu.memref_slice %arg21[%add3A_47] : memref<10240xf32, #tpu.memory_space<vmem_shared>> -> memref<128xf32, #tpu.memory_space<vmem_shared>>
      %dma_wait3A_275 = tpu.memref_slice %arg21[%add3A_47] : memref<10240xf32, #tpu.memory_space<vmem_shared>> -> memref<128xf32, #tpu.memory_space<vmem_shared>>
      %dma_wait3A_276 = arith.constant 0 : i32
      %dma_wait3A_277 = tpu.memref_slice %arg14[%run_scoped3A_48, %dma_wait3A_276] : memref<16x128xf32, #tpu.memory_space<vmem>> -> memref<1x128xf32, #tpu.memory_space<vmem>>
      %dma_wait3A_278 = tpu.memref_squeeze %dma_wait3A_277 : memref<1x128xf32, #tpu.memory_space<vmem>> -> memref<128xf32, #tpu.memory_space<vmem>>
      tpu.wait_dma2 semaphore(%run_scoped3A_262 : memref<!tpu.dma_semaphore, #tpu.memory_space<semaphore_mem>>) src(%dma_wait3A_278 : memref<128xf32, #tpu.memory_space<vmem>>) dst(%dma_wait3A_275 : memref<128xf32, #tpu.memory_space<vmem_shared>>)
      tpu.yield
    }) : () -> ()
    %add3A_49 = arith.constant 512 : i32
    %add3A_50 = arith.addi %mul3A_2, %add3A_49 : i32
    %run_scoped3A_51 = arith.constant 0 : i32
    "tpu.region"() ({
      %run_scoped3A_262 = tpu.sem_alloc : memref<!tpu.dma_semaphore, #tpu.memory_space<semaphore_mem>>
      %dma_start3A_263 = arith.constant 0 : i32
      %dma_start3A_264 = tpu.memref_slice %arg14[%run_scoped3A_51, %dma_start3A_263] : memref<16x128xf32, #tpu.memory_space<vmem>> -> memref<1x128xf32, #tpu.memory_space<vmem>>
      %dma_start3A_265 = tpu.memref_squeeze %dma_start3A_264 : memref<1x128xf32, #tpu.memory_space<vmem>> -> memref<128xf32, #tpu.memory_space<vmem>>
      %dma_start3A_266 = tpu.memref_slice %arg21[%add3A_50] : memref<10240xf32, #tpu.memory_space<vmem_shared>> -> memref<128xf32, #tpu.memory_space<vmem_shared>>
      %dma_start3A_267 = tpu.memref_slice %arg21[%add3A_50] : memref<10240xf32, #tpu.memory_space<vmem_shared>> -> memref<128xf32, #tpu.memory_space<vmem_shared>>
      %dma_start3A_268 = arith.constant 0 : i32
      %dma_start3A_269 = tpu.memref_slice %arg14[%run_scoped3A_51, %dma_start3A_268] : memref<16x128xf32, #tpu.memory_space<vmem>> -> memref<1x128xf32, #tpu.memory_space<vmem>>
      %dma_start3A_270 = tpu.memref_squeeze %dma_start3A_269 : memref<1x128xf32, #tpu.memory_space<vmem>> -> memref<128xf32, #tpu.memory_space<vmem>>
      tpu.enqueue_dma source(%dma_start3A_270 : memref<128xf32, #tpu.memory_space<vmem>>) target(%dma_start3A_267 : memref<128xf32, #tpu.memory_space<vmem_shared>>) target_semaphore(%run_scoped3A_262 : memref<!tpu.dma_semaphore, #tpu.memory_space<semaphore_mem>>)
      %dma_wait3A_271 = arith.constant 0 : i32
      %dma_wait3A_272 = tpu.memref_slice %arg14[%run_scoped3A_51, %dma_wait3A_271] : memref<16x128xf32, #tpu.memory_space<vmem>> -> memref<1x128xf32, #tpu.memory_space<vmem>>
      %dma_wait3A_273 = tpu.memref_squeeze %dma_wait3A_272 : memref<1x128xf32, #tpu.memory_space<vmem>> -> memref<128xf32, #tpu.memory_space<vmem>>
      %dma_wait3A_274 = tpu.memref_slice %arg21[%add3A_50] : memref<10240xf32, #tpu.memory_space<vmem_shared>> -> memref<128xf32, #tpu.memory_space<vmem_shared>>
      %dma_wait3A_275 = tpu.memref_slice %arg21[%add3A_50] : memref<10240xf32, #tpu.memory_space<vmem_shared>> -> memref<128xf32, #tpu.memory_space<vmem_shared>>
      %dma_wait3A_276 = arith.constant 0 : i32
      %dma_wait3A_277 = tpu.memref_slice %arg14[%run_scoped3A_51, %dma_wait3A_276] : memref<16x128xf32, #tpu.memory_space<vmem>> -> memref<1x128xf32, #tpu.memory_space<vmem>>
      %dma_wait3A_278 = tpu.memref_squeeze %dma_wait3A_277 : memref<1x128xf32, #tpu.memory_space<vmem>> -> memref<128xf32, #tpu.memory_space<vmem>>
      tpu.wait_dma2 semaphore(%run_scoped3A_262 : memref<!tpu.dma_semaphore, #tpu.memory_space<semaphore_mem>>) src(%dma_wait3A_278 : memref<128xf32, #tpu.memory_space<vmem>>) dst(%dma_wait3A_275 : memref<128xf32, #tpu.memory_space<vmem_shared>>)
      tpu.yield
    }) : () -> ()
    %barrier3A = arith.constant 0 : index
    tpu.barrier barrier_id(%barrier3A)
    %add3A_52 = arith.constant 0 : i32
    %add3A_53 = arith.addi %mul3A_4, %add3A_52 : i32
    "tpu.region"() ({
      %run_scoped3A_262 = tpu.sem_alloc : memref<!tpu.dma_semaphore, #tpu.memory_space<semaphore_mem>>
      %dma_start3A_263 = arith.constant 0 : i32
      %dma_start3A_264 = tpu.memref_slice %arg8[%dma_start3A_263] : memref<5120xi32, #tpu.memory_space<vmem>> -> memref<5120xi32, #tpu.memory_space<vmem>>
      %dma_start3A_265 = tpu.memref_slice %arg2[%add3A_53] : memref<640000xi32, #tpu.memory_space<hbm>> -> memref<5120xi32, #tpu.memory_space<hbm>>
      %dma_start3A_266 = arith.constant 0 : i32
      %dma_start3A_267 = tpu.memref_slice %arg8[%dma_start3A_266] : memref<5120xi32, #tpu.memory_space<vmem>> -> memref<5120xi32, #tpu.memory_space<vmem>>
      %dma_start3A_268 = tpu.memref_slice %arg2[%add3A_53] : memref<640000xi32, #tpu.memory_space<hbm>> -> memref<5120xi32, #tpu.memory_space<hbm>>
      tpu.enqueue_dma source(%dma_start3A_268 : memref<5120xi32, #tpu.memory_space<hbm>>) target(%dma_start3A_267 : memref<5120xi32, #tpu.memory_space<vmem>>) target_semaphore(%run_scoped3A_262 : memref<!tpu.dma_semaphore, #tpu.memory_space<semaphore_mem>>)
      %dma_wait3A_269 = arith.constant 0 : i32
      %dma_wait3A_270 = tpu.memref_slice %arg8[%dma_wait3A_269] : memref<5120xi32, #tpu.memory_space<vmem>> -> memref<5120xi32, #tpu.memory_space<vmem>>
      %dma_wait3A_271 = tpu.memref_slice %arg2[%add3A_53] : memref<640000xi32, #tpu.memory_space<hbm>> -> memref<5120xi32, #tpu.memory_space<hbm>>
      %dma_wait3A_272 = arith.constant 0 : i32
      %dma_wait3A_273 = tpu.memref_slice %arg8[%dma_wait3A_272] : memref<5120xi32, #tpu.memory_space<vmem>> -> memref<5120xi32, #tpu.memory_space<vmem>>
      %dma_wait3A_274 = tpu.memref_slice %arg2[%add3A_53] : memref<640000xi32, #tpu.memory_space<hbm>> -> memref<5120xi32, #tpu.memory_space<hbm>>
      tpu.wait_dma2 semaphore(%run_scoped3A_262 : memref<!tpu.dma_semaphore, #tpu.memory_space<semaphore_mem>>) src(%dma_wait3A_274 : memref<5120xi32, #tpu.memory_space<hbm>>) dst(%dma_wait3A_273 : memref<5120xi32, #tpu.memory_space<vmem>>)
      tpu.yield
    }) : () -> ()
    %add3A_54 = arith.constant 320000 : i32
    %add3A_55 = arith.addi %add3A_54, %mul3A_4 : i32
    %add3A_56 = arith.constant 0 : i32
    %add3A_57 = arith.addi %add3A_55, %add3A_56 : i32
    "tpu.region"() ({
      %run_scoped3A_262 = tpu.sem_alloc : memref<!tpu.dma_semaphore, #tpu.memory_space<semaphore_mem>>
      %dma_start3A_263 = arith.constant 0 : i32
      %dma_start3A_264 = tpu.memref_slice %arg9[%dma_start3A_263] : memref<5120xi32, #tpu.memory_space<vmem>> -> memref<5120xi32, #tpu.memory_space<vmem>>
      %dma_start3A_265 = tpu.memref_slice %arg2[%add3A_57] : memref<640000xi32, #tpu.memory_space<hbm>> -> memref<5120xi32, #tpu.memory_space<hbm>>
      %dma_start3A_266 = arith.constant 0 : i32
      %dma_start3A_267 = tpu.memref_slice %arg9[%dma_start3A_266] : memref<5120xi32, #tpu.memory_space<vmem>> -> memref<5120xi32, #tpu.memory_space<vmem>>
      %dma_start3A_268 = tpu.memref_slice %arg2[%add3A_57] : memref<640000xi32, #tpu.memory_space<hbm>> -> memref<5120xi32, #tpu.memory_space<hbm>>
      tpu.enqueue_dma source(%dma_start3A_268 : memref<5120xi32, #tpu.memory_space<hbm>>) target(%dma_start3A_267 : memref<5120xi32, #tpu.memory_space<vmem>>) target_semaphore(%run_scoped3A_262 : memref<!tpu.dma_semaphore, #tpu.memory_space<semaphore_mem>>)
      %dma_wait3A_269 = arith.constant 0 : i32
      %dma_wait3A_270 = tpu.memref_slice %arg9[%dma_wait3A_269] : memref<5120xi32, #tpu.memory_space<vmem>> -> memref<5120xi32, #tpu.memory_space<vmem>>
      %dma_wait3A_271 = tpu.memref_slice %arg2[%add3A_57] : memref<640000xi32, #tpu.memory_space<hbm>> -> memref<5120xi32, #tpu.memory_space<hbm>>
      %dma_wait3A_272 = arith.constant 0 : i32
      %dma_wait3A_273 = tpu.memref_slice %arg9[%dma_wait3A_272] : memref<5120xi32, #tpu.memory_space<vmem>> -> memref<5120xi32, #tpu.memory_space<vmem>>
      %dma_wait3A_274 = tpu.memref_slice %arg2[%add3A_57] : memref<640000xi32, #tpu.memory_space<hbm>> -> memref<5120xi32, #tpu.memory_space<hbm>>
      tpu.wait_dma2 semaphore(%run_scoped3A_262 : memref<!tpu.dma_semaphore, #tpu.memory_space<semaphore_mem>>) src(%dma_wait3A_274 : memref<5120xi32, #tpu.memory_space<hbm>>) dst(%dma_wait3A_273 : memref<5120xi32, #tpu.memory_space<vmem>>)
      tpu.yield
    }) : () -> ()
    %dma_start3A = arith.constant 0 : i32
    %dma_start3A_58 = tpu.memref_slice %arg8[%dma_start3A] : memref<5120xi32, #tpu.memory_space<vmem>> -> memref<80xi32, #tpu.memory_space<vmem>>
    %dma_start3A_59 = arith.constant 0 : i32
    %dma_start3A_60 = arith.constant 0 : i32
    %dma_start3A_61 = tpu.memref_slice %arg3[%dma_start3A_59, %dma_start3A_60] : memref<10000x128xf32, #tpu.memory_space<hbm>> -> memref<10000x128xf32, #tpu.memory_space<hbm>>
    tpu.enqueue_indirect_dma source(%dma_start3A_61 : memref<10000x128xf32, #tpu.memory_space<hbm>>) target(%arg12 : memref<80x128xf32, #tpu.memory_space<vmem>>) offsets(%dma_start3A_58 : memref<80xi32, #tpu.memory_space<vmem>>) semaphore(%arg16 : memref<!tpu.dma_semaphore, #tpu.memory_space<semaphore_mem>>)
    %dma_start3A_62 = arith.constant 80 : i32
    %dma_start3A_63 = tpu.memref_slice %arg8[%dma_start3A_62] : memref<5120xi32, #tpu.memory_space<vmem>> -> memref<80xi32, #tpu.memory_space<vmem>>
    %dma_start3A_64 = arith.constant 0 : i32
    %dma_start3A_65 = arith.constant 0 : i32
    %dma_start3A_66 = tpu.memref_slice %arg3[%dma_start3A_64, %dma_start3A_65] : memref<10000x128xf32, #tpu.memory_space<hbm>> -> memref<10000x128xf32, #tpu.memory_space<hbm>>
    tpu.enqueue_indirect_dma source(%dma_start3A_66 : memref<10000x128xf32, #tpu.memory_space<hbm>>) target(%arg13 : memref<80x128xf32, #tpu.memory_space<vmem>>) offsets(%dma_start3A_63 : memref<80xi32, #tpu.memory_space<vmem>>) semaphore(%arg17 : memref<!tpu.dma_semaphore, #tpu.memory_space<semaphore_mem>>)
    %scan3A_67 = arith.constant 0 : i32
    %scan3A_68 = arith.constant 0 : i32
    %scan3A_69 = arith.constant 31 : i32
    %scan3A_70 = arith.addi %scan3A_68, %scan3A_69 : i32
    %scan3A_71 = arith.constant 1 : i32
    scf.for %scan3A_262 = %scan3A_68 to %scan3A_70 step %scan3A_71  : i32 {
      %mul3A_263 = arith.constant 2 : i32
      %mul3A_264 = arith.muli %mul3A_263, %scan3A_262 : i32
      %gt3A = arith.constant 0 : i32
      %gt3A_265 = arith.cmpi sgt, %scan3A_262, %gt3A : i32
      %convert_element_type3A_266 = arith.extui %gt3A_265 : i1 to i32
      %cond3A_267 = arith.constant 0 : i32
      %cond3A_268 = arith.cmpi ne, %convert_element_type3A_266, %cond3A_267 : i32
      scf.if %cond3A_268 {
        %dma_wait3A_431 = arith.constant 0 : i32
        %dma_wait3A_432 = tpu.memref_slice %arg21[%dma_wait3A_431] : memref<10240xf32, #tpu.memory_space<vmem_shared>> -> memref<10240xf32, #tpu.memory_space<vmem_shared>>
        tpu.wait_indirect_dma semaphore(%arg22 : memref<!tpu.dma_semaphore, #tpu.memory_space<semaphore_mem>>) src(%arg20 : memref<80xf32, #tpu.memory_space<vmem>>) dst(%dma_wait3A_432 : memref<10240xf32, #tpu.memory_space<vmem_shared>>)
      } else {
      }
      %mul3A_269 = arith.constant 80 : i32
      %mul3A_270 = arith.muli %mul3A_264, %mul3A_269 : i32
      %add3A_271 = arith.constant 0 : i32
      %add3A_272 = arith.addi %mul3A_270, %add3A_271 : i32
      %get3A_273 = arith.index_cast %add3A_272 : i32 to index
      %get3A_274 = tpu.vector_load %arg9[%get3A_273] {strides = array<i32>} : memref<5120xi32, #tpu.memory_space<vmem>>, vector<16xi32>,
      %get3A_275 = vector.shape_cast %get3A_274 : vector<16xi32> to vector<16xi32>
      %swap3A_276 = arith.constant 0 : index
      %swap3A_277 = tpu.vector_load %arg10[%swap3A_276] {strides = array<i32>} : memref<80xi32, #tpu.memory_space<vmem>>, vector<16xi32>,
      %swap3A_278 = vector.shape_cast %swap3A_277 : vector<16xi32> to vector<16xi32>
      %swap3A_279 = vector.shape_cast %get3A_275 : vector<16xi32> to vector<16xi32>
      tpu.vector_store %arg10[%swap3A_276], %swap3A_279 {strides = array<i32>} : memref<80xi32, #tpu.memory_space<vmem>>, vector<16xi32>,
      %mul3A_280 = arith.constant 80 : i32
      %mul3A_281 = arith.muli %mul3A_264, %mul3A_280 : i32
      %add3A_282 = arith.constant 16 : i32
      %add3A_283 = arith.addi %mul3A_281, %add3A_282 : i32
      %get3A_284 = arith.index_cast %add3A_283 : i32 to index
      %get3A_285 = tpu.vector_load %arg9[%get3A_284] {strides = array<i32>} : memref<5120xi32, #tpu.memory_space<vmem>>, vector<16xi32>,
      %get3A_286 = vector.shape_cast %get3A_285 : vector<16xi32> to vector<16xi32>
      %swap3A_287 = arith.constant 16 : index
      %swap3A_288 = tpu.vector_load %arg10[%swap3A_287] {strides = array<i32>} : memref<80xi32, #tpu.memory_space<vmem>>, vector<16xi32>,
      %swap3A_289 = vector.shape_cast %swap3A_288 : vector<16xi32> to vector<16xi32>
      %swap3A_290 = vector.shape_cast %get3A_286 : vector<16xi32> to vector<16xi32>
      tpu.vector_store %arg10[%swap3A_287], %swap3A_290 {strides = array<i32>} : memref<80xi32, #tpu.memory_space<vmem>>, vector<16xi32>,
      %mul3A_291 = arith.constant 80 : i32
      %mul3A_292 = arith.muli %mul3A_264, %mul3A_291 : i32
      %add3A_293 = arith.constant 32 : i32
      %add3A_294 = arith.addi %mul3A_292, %add3A_293 : i32
      %get3A_295 = arith.index_cast %add3A_294 : i32 to index
      %get3A_296 = tpu.vector_load %arg9[%get3A_295] {strides = array<i32>} : memref<5120xi32, #tpu.memory_space<vmem>>, vector<16xi32>,
      %get3A_297 = vector.shape_cast %get3A_296 : vector<16xi32> to vector<16xi32>
      %swap3A_298 = arith.constant 32 : index
      %swap3A_299 = tpu.vector_load %arg10[%swap3A_298] {strides = array<i32>} : memref<80xi32, #tpu.memory_space<vmem>>, vector<16xi32>,
      %swap3A_300 = vector.shape_cast %swap3A_299 : vector<16xi32> to vector<16xi32>
      %swap3A_301 = vector.shape_cast %get3A_297 : vector<16xi32> to vector<16xi32>
      tpu.vector_store %arg10[%swap3A_298], %swap3A_301 {strides = array<i32>} : memref<80xi32, #tpu.memory_space<vmem>>, vector<16xi32>,
      %mul3A_302 = arith.constant 80 : i32
      %mul3A_303 = arith.muli %mul3A_264, %mul3A_302 : i32
      %add3A_304 = arith.constant 48 : i32
      %add3A_305 = arith.addi %mul3A_303, %add3A_304 : i32
      %get3A_306 = arith.index_cast %add3A_305 : i32 to index
      %get3A_307 = tpu.vector_load %arg9[%get3A_306] {strides = array<i32>} : memref<5120xi32, #tpu.memory_space<vmem>>, vector<16xi32>,
      %get3A_308 = vector.shape_cast %get3A_307 : vector<16xi32> to vector<16xi32>
      %swap3A_309 = arith.constant 48 : index
      %swap3A_310 = tpu.vector_load %arg10[%swap3A_309] {strides = array<i32>} : memref<80xi32, #tpu.memory_space<vmem>>, vector<16xi32>,
      %swap3A_311 = vector.shape_cast %swap3A_310 : vector<16xi32> to vector<16xi32>
      %swap3A_312 = vector.shape_cast %get3A_308 : vector<16xi32> to vector<16xi32>
      tpu.vector_store %arg10[%swap3A_309], %swap3A_312 {strides = array<i32>} : memref<80xi32, #tpu.memory_space<vmem>>, vector<16xi32>,
      %mul3A_313 = arith.constant 80 : i32
      %mul3A_314 = arith.muli %mul3A_264, %mul3A_313 : i32
      %add3A_315 = arith.constant 64 : i32
      %add3A_316 = arith.addi %mul3A_314, %add3A_315 : i32
      %get3A_317 = arith.index_cast %add3A_316 : i32 to index
      %get3A_318 = tpu.vector_load %arg9[%get3A_317] {strides = array<i32>} : memref<5120xi32, #tpu.memory_space<vmem>>, vector<16xi32>,
      %get3A_319 = vector.shape_cast %get3A_318 : vector<16xi32> to vector<16xi32>
      %swap3A_320 = arith.constant 64 : index
      %swap3A_321 = tpu.vector_load %arg10[%swap3A_320] {strides = array<i32>} : memref<80xi32, #tpu.memory_space<vmem>>, vector<16xi32>,
      %swap3A_322 = vector.shape_cast %swap3A_321 : vector<16xi32> to vector<16xi32>
      %swap3A_323 = vector.shape_cast %get3A_319 : vector<16xi32> to vector<16xi32>
      tpu.vector_store %arg10[%swap3A_320], %swap3A_323 {strides = array<i32>} : memref<80xi32, #tpu.memory_space<vmem>>, vector<16xi32>,
      %dma_wait3A_324 = arith.constant 0 : i32
      %dma_wait3A_325 = tpu.memref_slice %arg8[%dma_wait3A_324] : memref<5120xi32, #tpu.memory_space<vmem>> -> memref<80xi32, #tpu.memory_space<vmem>>
      %dma_wait3A_326 = arith.constant 0 : i32
      %dma_wait3A_327 = arith.constant 0 : i32
      %dma_wait3A_328 = tpu.memref_slice %arg3[%dma_wait3A_326, %dma_wait3A_327] : memref<10000x128xf32, #tpu.memory_space<hbm>> -> memref<10000x128xf32, #tpu.memory_space<hbm>>
      tpu.wait_indirect_dma semaphore(%arg16 : memref<!tpu.dma_semaphore, #tpu.memory_space<semaphore_mem>>) src(%dma_wait3A_328 : memref<10000x128xf32, #tpu.memory_space<hbm>>) dst(%arg12 : memref<80x128xf32, #tpu.memory_space<vmem>>)
      %dma_start3A_329 = arith.constant 0 : i32
      %dma_start3A_330 = arith.constant 0 : i32
      %dma_start3A_331 = tpu.memref_slice %arg15[%dma_start3A_329, %dma_start3A_330] : memref<10240x128xf32, #tpu.memory_space<vmem_shared>> -> memref<10240x128xf32, #tpu.memory_space<vmem_shared>>
      tpu.enqueue_indirect_dma source(%arg12 : memref<80x128xf32, #tpu.memory_space<vmem>>) target(%dma_start3A_331 : memref<10240x128xf32, #tpu.memory_space<vmem_shared>>) offsets(%arg10 : memref<80xi32, #tpu.memory_space<vmem>>) semaphore(%arg18 : memref<!tpu.dma_semaphore, #tpu.memory_space<semaphore_mem>>) {add = true}
      %dma_start3A_332 = arith.constant 0 : i32
      %dma_start3A_333 = tpu.memref_slice %arg21[%dma_start3A_332] : memref<10240xf32, #tpu.memory_space<vmem_shared>> -> memref<10240xf32, #tpu.memory_space<vmem_shared>>
      tpu.enqueue_indirect_dma source(%arg20 : memref<80xf32, #tpu.memory_space<vmem>>) target(%dma_start3A_333 : memref<10240xf32, #tpu.memory_space<vmem_shared>>) offsets(%arg10 : memref<80xi32, #tpu.memory_space<vmem>>) semaphore(%arg22 : memref<!tpu.dma_semaphore, #tpu.memory_space<semaphore_mem>>) {add = true}
      %gt3A_334 = arith.constant 0 : i32
      %gt3A_335 = arith.cmpi sgt, %scan3A_262, %gt3A_334 : i32
      %convert_element_type3A_336 = arith.extui %gt3A_335 : i1 to i32
      %cond3A_337 = arith.constant 0 : i32
      %cond3A_338 = arith.cmpi ne, %convert_element_type3A_336, %cond3A_337 : i32
      scf.if %cond3A_338 {
        %dma_wait3A_431 = arith.constant 0 : i32
        %dma_wait3A_432 = tpu.memref_slice %arg21[%dma_wait3A_431] : memref<10240xf32, #tpu.memory_space<vmem_shared>> -> memref<10240xf32, #tpu.memory_space<vmem_shared>>
        tpu.wait_indirect_dma semaphore(%arg23 : memref<!tpu.dma_semaphore, #tpu.memory_space<semaphore_mem>>) src(%arg20 : memref<80xf32, #tpu.memory_space<vmem>>) dst(%dma_wait3A_432 : memref<10240xf32, #tpu.memory_space<vmem_shared>>)
      } else {
      }
      %add3A_339 = arith.constant 1 : i32
      %add3A_340 = arith.addi %mul3A_264, %add3A_339 : i32
      %mul3A_341 = arith.constant 80 : i32
      %mul3A_342 = arith.muli %add3A_340, %mul3A_341 : i32
      %add3A_343 = arith.constant 0 : i32
      %add3A_344 = arith.addi %mul3A_342, %add3A_343 : i32
      %get3A_345 = arith.index_cast %add3A_344 : i32 to index
      %get3A_346 = tpu.vector_load %arg9[%get3A_345] {strides = array<i32>} : memref<5120xi32, #tpu.memory_space<vmem>>, vector<16xi32>,
      %get3A_347 = vector.shape_cast %get3A_346 : vector<16xi32> to vector<16xi32>
      %swap3A_348 = arith.constant 0 : index
      %swap3A_349 = tpu.vector_load %arg11[%swap3A_348] {strides = array<i32>} : memref<80xi32, #tpu.memory_space<vmem>>, vector<16xi32>,
      %swap3A_350 = vector.shape_cast %swap3A_349 : vector<16xi32> to vector<16xi32>
      %swap3A_351 = vector.shape_cast %get3A_347 : vector<16xi32> to vector<16xi32>
      tpu.vector_store %arg11[%swap3A_348], %swap3A_351 {strides = array<i32>} : memref<80xi32, #tpu.memory_space<vmem>>, vector<16xi32>,
      %mul3A_352 = arith.constant 80 : i32
      %mul3A_353 = arith.muli %add3A_340, %mul3A_352 : i32
      %add3A_354 = arith.constant 16 : i32
      %add3A_355 = arith.addi %mul3A_353, %add3A_354 : i32
      %get3A_356 = arith.index_cast %add3A_355 : i32 to index
      %get3A_357 = tpu.vector_load %arg9[%get3A_356] {strides = array<i32>} : memref<5120xi32, #tpu.memory_space<vmem>>, vector<16xi32>,
      %get3A_358 = vector.shape_cast %get3A_357 : vector<16xi32> to vector<16xi32>
      %swap3A_359 = arith.constant 16 : index
      %swap3A_360 = tpu.vector_load %arg11[%swap3A_359] {strides = array<i32>} : memref<80xi32, #tpu.memory_space<vmem>>, vector<16xi32>,
      %swap3A_361 = vector.shape_cast %swap3A_360 : vector<16xi32> to vector<16xi32>
      %swap3A_362 = vector.shape_cast %get3A_358 : vector<16xi32> to vector<16xi32>
      tpu.vector_store %arg11[%swap3A_359], %swap3A_362 {strides = array<i32>} : memref<80xi32, #tpu.memory_space<vmem>>, vector<16xi32>,
      %mul3A_363 = arith.constant 80 : i32
      %mul3A_364 = arith.muli %add3A_340, %mul3A_363 : i32
      %add3A_365 = arith.constant 32 : i32
      %add3A_366 = arith.addi %mul3A_364, %add3A_365 : i32
      %get3A_367 = arith.index_cast %add3A_366 : i32 to index
      %get3A_368 = tpu.vector_load %arg9[%get3A_367] {strides = array<i32>} : memref<5120xi32, #tpu.memory_space<vmem>>, vector<16xi32>,
      %get3A_369 = vector.shape_cast %get3A_368 : vector<16xi32> to vector<16xi32>
      %swap3A_370 = arith.constant 32 : index
      %swap3A_371 = tpu.vector_load %arg11[%swap3A_370] {strides = array<i32>} : memref<80xi32, #tpu.memory_space<vmem>>, vector<16xi32>,
      %swap3A_372 = vector.shape_cast %swap3A_371 : vector<16xi32> to vector<16xi32>
      %swap3A_373 = vector.shape_cast %get3A_369 : vector<16xi32> to vector<16xi32>
      tpu.vector_store %arg11[%swap3A_370], %swap3A_373 {strides = array<i32>} : memref<80xi32, #tpu.memory_space<vmem>>, vector<16xi32>,
      %mul3A_374 = arith.constant 80 : i32
      %mul3A_375 = arith.muli %add3A_340, %mul3A_374 : i32
      %add3A_376 = arith.constant 48 : i32
      %add3A_377 = arith.addi %mul3A_375, %add3A_376 : i32
      %get3A_378 = arith.index_cast %add3A_377 : i32 to index
      %get3A_379 = tpu.vector_load %arg9[%get3A_378] {strides = array<i32>} : memref<5120xi32, #tpu.memory_space<vmem>>, vector<16xi32>,
      %get3A_380 = vector.shape_cast %get3A_379 : vector<16xi32> to vector<16xi32>
      %swap3A_381 = arith.constant 48 : index
      %swap3A_382 = tpu.vector_load %arg11[%swap3A_381] {strides = array<i32>} : memref<80xi32, #tpu.memory_space<vmem>>, vector<16xi32>,
      %swap3A_383 = vector.shape_cast %swap3A_382 : vector<16xi32> to vector<16xi32>
      %swap3A_384 = vector.shape_cast %get3A_380 : vector<16xi32> to vector<16xi32>
      tpu.vector_store %arg11[%swap3A_381], %swap3A_384 {strides = array<i32>} : memref<80xi32, #tpu.memory_space<vmem>>, vector<16xi32>,
      %mul3A_385 = arith.constant 80 : i32
      %mul3A_386 = arith.muli %add3A_340, %mul3A_385 : i32
      %add3A_387 = arith.constant 64 : i32
      %add3A_388 = arith.addi %mul3A_386, %add3A_387 : i32
      %get3A_389 = arith.index_cast %add3A_388 : i32 to index
      %get3A_390 = tpu.vector_load %arg9[%get3A_389] {strides = array<i32>} : memref<5120xi32, #tpu.memory_space<vmem>>, vector<16xi32>,
      %get3A_391 = vector.shape_cast %get3A_390 : vector<16xi32> to vector<16xi32>
      %swap3A_392 = arith.constant 64 : index
      %swap3A_393 = tpu.vector_load %arg11[%swap3A_392] {strides = array<i32>} : memref<80xi32, #tpu.memory_space<vmem>>, vector<16xi32>,
      %swap3A_394 = vector.shape_cast %swap3A_393 : vector<16xi32> to vector<16xi32>
      %swap3A_395 = vector.shape_cast %get3A_391 : vector<16xi32> to vector<16xi32>
      tpu.vector_store %arg11[%swap3A_392], %swap3A_395 {strides = array<i32>} : memref<80xi32, #tpu.memory_space<vmem>>, vector<16xi32>,
      %dma_wait3A_396 = arith.constant 0 : i32
      %dma_wait3A_397 = tpu.memref_slice %arg8[%dma_wait3A_396] : memref<5120xi32, #tpu.memory_space<vmem>> -> memref<80xi32, #tpu.memory_space<vmem>>
      %dma_wait3A_398 = arith.constant 0 : i32
      %dma_wait3A_399 = arith.constant 0 : i32
      %dma_wait3A_400 = tpu.memref_slice %arg3[%dma_wait3A_398, %dma_wait3A_399] : memref<10000x128xf32, #tpu.memory_space<hbm>> -> memref<10000x128xf32, #tpu.memory_space<hbm>>
      tpu.wait_indirect_dma semaphore(%arg17 : memref<!tpu.dma_semaphore, #tpu.memory_space<semaphore_mem>>) src(%dma_wait3A_400 : memref<10000x128xf32, #tpu.memory_space<hbm>>) dst(%arg13 : memref<80x128xf32, #tpu.memory_space<vmem>>)
      %dma_wait3A_401 = arith.constant 0 : i32
      %dma_wait3A_402 = arith.constant 0 : i32
      %dma_wait3A_403 = tpu.memref_slice %arg15[%dma_wait3A_401, %dma_wait3A_402] : memref<10240x128xf32, #tpu.memory_space<vmem_shared>> -> memref<10240x128xf32, #tpu.memory_space<vmem_shared>>
      tpu.wait_indirect_dma semaphore(%arg18 : memref<!tpu.dma_semaphore, #tpu.memory_space<semaphore_mem>>) src(%arg12 : memref<80x128xf32, #tpu.memory_space<vmem>>) dst(%dma_wait3A_403 : memref<10240x128xf32, #tpu.memory_space<vmem_shared>>)
      %add3A_404 = arith.constant 2 : i32
      %add3A_405 = arith.addi %mul3A_264, %add3A_404 : i32
      %min3A = arith.constant 63 : i32
      %min3A_406 = arith.minsi %add3A_405, %min3A : i32
      %mul3A_407 = arith.constant 80 : i32
      %mul3A_408 = arith.muli %min3A_406, %mul3A_407 : i32
      %dma_start3A_409 = tpu.memref_slice %arg8[%mul3A_408] : memref<5120xi32, #tpu.memory_space<vmem>> -> memref<80xi32, #tpu.memory_space<vmem>>
      %dma_start3A_410 = arith.constant 0 : i32
      %dma_start3A_411 = arith.constant 0 : i32
      %dma_start3A_412 = tpu.memref_slice %arg3[%dma_start3A_410, %dma_start3A_411] : memref<10000x128xf32, #tpu.memory_space<hbm>> -> memref<10000x128xf32, #tpu.memory_space<hbm>>
      tpu.enqueue_indirect_dma source(%dma_start3A_412 : memref<10000x128xf32, #tpu.memory_space<hbm>>) target(%arg12 : memref<80x128xf32, #tpu.memory_space<vmem>>) offsets(%dma_start3A_409 : memref<80xi32, #tpu.memory_space<vmem>>) semaphore(%arg16 : memref<!tpu.dma_semaphore, #tpu.memory_space<semaphore_mem>>)
      %dma_start3A_413 = arith.constant 0 : i32
      %dma_start3A_414 = arith.constant 0 : i32
      %dma_start3A_415 = tpu.memref_slice %arg15[%dma_start3A_413, %dma_start3A_414] : memref<10240x128xf32, #tpu.memory_space<vmem_shared>> -> memref<10240x128xf32, #tpu.memory_space<vmem_shared>>
      tpu.enqueue_indirect_dma source(%arg13 : memref<80x128xf32, #tpu.memory_space<vmem>>) target(%dma_start3A_415 : memref<10240x128xf32, #tpu.memory_space<vmem_shared>>) offsets(%arg11 : memref<80xi32, #tpu.memory_space<vmem>>) semaphore(%arg19 : memref<!tpu.dma_semaphore, #tpu.memory_space<semaphore_mem>>) {add = true}
      %dma_start3A_416 = arith.constant 0 : i32
      %dma_start3A_417 = tpu.memref_slice %arg21[%dma_start3A_416] : memref<10240xf32, #tpu.memory_space<vmem_shared>> -> memref<10240xf32, #tpu.memory_space<vmem_shared>>
      tpu.enqueue_indirect_dma source(%arg20 : memref<80xf32, #tpu.memory_space<vmem>>) target(%dma_start3A_417 : memref<10240xf32, #tpu.memory_space<vmem_shared>>) offsets(%arg11 : memref<80xi32, #tpu.memory_space<vmem>>) semaphore(%arg23 : memref<!tpu.dma_semaphore, #tpu.memory_space<semaphore_mem>>) {add = true}
      %dma_wait3A_418 = arith.constant 0 : i32
      %dma_wait3A_419 = arith.constant 0 : i32
      %dma_wait3A_420 = tpu.memref_slice %arg15[%dma_wait3A_418, %dma_wait3A_419] : memref<10240x128xf32, #tpu.memory_space<vmem_shared>> -> memref<10240x128xf32, #tpu.memory_space<vmem_shared>>
      tpu.wait_indirect_dma semaphore(%arg19 : memref<!tpu.dma_semaphore, #tpu.memory_space<semaphore_mem>>) src(%arg13 : memref<80x128xf32, #tpu.memory_space<vmem>>) dst(%dma_wait3A_420 : memref<10240x128xf32, #tpu.memory_space<vmem_shared>>)
      %add3A_421 = arith.constant 3 : i32
      %add3A_422 = arith.addi %mul3A_264, %add3A_421 : i32
      %min3A_423 = arith.constant 63 : i32
      %min3A_424 = arith.minsi %add3A_422, %min3A_423 : i32
      %mul3A_425 = arith.constant 80 : i32
      %mul3A_426 = arith.muli %min3A_424, %mul3A_425 : i32
      %dma_start3A_427 = tpu.memref_slice %arg8[%mul3A_426] : memref<5120xi32, #tpu.memory_space<vmem>> -> memref<80xi32, #tpu.memory_space<vmem>>
      %dma_start3A_428 = arith.constant 0 : i32
      %dma_start3A_429 = arith.constant 0 : i32
      %dma_start3A_430 = tpu.memref_slice %arg3[%dma_start3A_428, %dma_start3A_429] : memref<10000x128xf32, #tpu.memory_space<hbm>> -> memref<10000x128xf32, #tpu.memory_space<hbm>>
      tpu.enqueue_indirect_dma source(%dma_start3A_430 : memref<10000x128xf32, #tpu.memory_space<hbm>>) target(%arg13 : memref<80x128xf32, #tpu.memory_space<vmem>>) offsets(%dma_start3A_427 : memref<80xi32, #tpu.memory_space<vmem>>) semaphore(%arg17 : memref<!tpu.dma_semaphore, #tpu.memory_space<semaphore_mem>>)
    }
    %scan3A_72 = arith.constant 31 : i32
    %dma_wait3A = arith.constant 0 : i32
    %dma_wait3A_73 = tpu.memref_slice %arg21[%dma_wait3A] : memref<10240xf32, #tpu.memory_space<vmem_shared>> -> memref<10240xf32, #tpu.memory_space<vmem_shared>>
    tpu.wait_indirect_dma semaphore(%arg22 : memref<!tpu.dma_semaphore, #tpu.memory_space<semaphore_mem>>) src(%arg20 : memref<80xf32, #tpu.memory_space<vmem>>) dst(%dma_wait3A_73 : memref<10240xf32, #tpu.memory_space<vmem_shared>>)
    %get3A = arith.constant 4960 : index
    %get3A_74 = tpu.vector_load %arg9[%get3A] {strides = array<i32>} : memref<5120xi32, #tpu.memory_space<vmem>>, vector<16xi32>,
    %get3A_75 = vector.shape_cast %get3A_74 : vector<16xi32> to vector<16xi32>
    %swap3A_76 = arith.constant 0 : index
    %swap3A_77 = tpu.vector_load %arg10[%swap3A_76] {strides = array<i32>} : memref<80xi32, #tpu.memory_space<vmem>>, vector<16xi32>,
    %swap3A_78 = vector.shape_cast %swap3A_77 : vector<16xi32> to vector<16xi32>
    %swap3A_79 = vector.shape_cast %get3A_75 : vector<16xi32> to vector<16xi32>
    tpu.vector_store %arg10[%swap3A_76], %swap3A_79 {strides = array<i32>} : memref<80xi32, #tpu.memory_space<vmem>>, vector<16xi32>,
    %get3A_80 = arith.constant 4976 : index
    %get3A_81 = tpu.vector_load %arg9[%get3A_80] {strides = array<i32>} : memref<5120xi32, #tpu.memory_space<vmem>>, vector<16xi32>,
    %get3A_82 = vector.shape_cast %get3A_81 : vector<16xi32> to vector<16xi32>
    %swap3A_83 = arith.constant 16 : index
    %swap3A_84 = tpu.vector_load %arg10[%swap3A_83] {strides = array<i32>} : memref<80xi32, #tpu.memory_space<vmem>>, vector<16xi32>,
    %swap3A_85 = vector.shape_cast %swap3A_84 : vector<16xi32> to vector<16xi32>
    %swap3A_86 = vector.shape_cast %get3A_82 : vector<16xi32> to vector<16xi32>
    tpu.vector_store %arg10[%swap3A_83], %swap3A_86 {strides = array<i32>} : memref<80xi32, #tpu.memory_space<vmem>>, vector<16xi32>,
    %get3A_87 = arith.constant 4992 : index
    %get3A_88 = tpu.vector_load %arg9[%get3A_87] {strides = array<i32>} : memref<5120xi32, #tpu.memory_space<vmem>>, vector<16xi32>,
    %get3A_89 = vector.shape_cast %get3A_88 : vector<16xi32> to vector<16xi32>
    %swap3A_90 = arith.constant 32 : index
    %swap3A_91 = tpu.vector_load %arg10[%swap3A_90] {strides = array<i32>} : memref<80xi32, #tpu.memory_space<vmem>>, vector<16xi32>,
    %swap3A_92 = vector.shape_cast %swap3A_91 : vector<16xi32> to vector<16xi32>
    %swap3A_93 = vector.shape_cast %get3A_89 : vector<16xi32> to vector<16xi32>
    tpu.vector_store %arg10[%swap3A_90], %swap3A_93 {strides = array<i32>} : memref<80xi32, #tpu.memory_space<vmem>>, vector<16xi32>,
    %get3A_94 = arith.constant 5008 : index
    %get3A_95 = tpu.vector_load %arg9[%get3A_94] {strides = array<i32>} : memref<5120xi32, #tpu.memory_space<vmem>>, vector<16xi32>,
    %get3A_96 = vector.shape_cast %get3A_95 : vector<16xi32> to vector<16xi32>
    %swap3A_97 = arith.constant 48 : index
    %swap3A_98 = tpu.vector_load %arg10[%swap3A_97] {strides = array<i32>} : memref<80xi32, #tpu.memory_space<vmem>>, vector<16xi32>,
    %swap3A_99 = vector.shape_cast %swap3A_98 : vector<16xi32> to vector<16xi32>
    %swap3A_100 = vector.shape_cast %get3A_96 : vector<16xi32> to vector<16xi32>
    tpu.vector_store %arg10[%swap3A_97], %swap3A_100 {strides = array<i32>} : memref<80xi32, #tpu.memory_space<vmem>>, vector<16xi32>,
    %get3A_101 = arith.constant 5024 : index
    %get3A_102 = tpu.vector_load %arg9[%get3A_101] {strides = array<i32>} : memref<5120xi32, #tpu.memory_space<vmem>>, vector<16xi32>,
    %get3A_103 = vector.shape_cast %get3A_102 : vector<16xi32> to vector<16xi32>
    %swap3A_104 = arith.constant 64 : index
    %swap3A_105 = tpu.vector_load %arg10[%swap3A_104] {strides = array<i32>} : memref<80xi32, #tpu.memory_space<vmem>>, vector<16xi32>,
    %swap3A_106 = vector.shape_cast %swap3A_105 : vector<16xi32> to vector<16xi32>
    %swap3A_107 = vector.shape_cast %get3A_103 : vector<16xi32> to vector<16xi32>
    tpu.vector_store %arg10[%swap3A_104], %swap3A_107 {strides = array<i32>} : memref<80xi32, #tpu.memory_space<vmem>>, vector<16xi32>,
    %dma_wait3A_108 = arith.constant 0 : i32
    %dma_wait3A_109 = tpu.memref_slice %arg8[%dma_wait3A_108] : memref<5120xi32, #tpu.memory_space<vmem>> -> memref<80xi32, #tpu.memory_space<vmem>>
    %dma_wait3A_110 = arith.constant 0 : i32
    %dma_wait3A_111 = arith.constant 0 : i32
    %dma_wait3A_112 = tpu.memref_slice %arg3[%dma_wait3A_110, %dma_wait3A_111] : memref<10000x128xf32, #tpu.memory_space<hbm>> -> memref<10000x128xf32, #tpu.memory_space<hbm>>
    tpu.wait_indirect_dma semaphore(%arg16 : memref<!tpu.dma_semaphore, #tpu.memory_space<semaphore_mem>>) src(%dma_wait3A_112 : memref<10000x128xf32, #tpu.memory_space<hbm>>) dst(%arg12 : memref<80x128xf32, #tpu.memory_space<vmem>>)
    %dma_start3A_113 = arith.constant 0 : i32
    %dma_start3A_114 = arith.constant 0 : i32
    %dma_start3A_115 = tpu.memref_slice %arg15[%dma_start3A_113, %dma_start3A_114] : memref<10240x128xf32, #tpu.memory_space<vmem_shared>> -> memref<10240x128xf32, #tpu.memory_space<vmem_shared>>
    tpu.enqueue_indirect_dma source(%arg12 : memref<80x128xf32, #tpu.memory_space<vmem>>) target(%dma_start3A_115 : memref<10240x128xf32, #tpu.memory_space<vmem_shared>>) offsets(%arg10 : memref<80xi32, #tpu.memory_space<vmem>>) semaphore(%arg18 : memref<!tpu.dma_semaphore, #tpu.memory_space<semaphore_mem>>) {add = true}
    "tpu.region"() ({
      %run_scoped3A_262 = tpu.sem_alloc : memref<!tpu.dma_semaphore, #tpu.memory_space<semaphore_mem>>
      %dma_start3A_263 = arith.constant 0 : i32
      %dma_start3A_264 = tpu.memref_slice %arg21[%dma_start3A_263] : memref<10240xf32, #tpu.memory_space<vmem_shared>> -> memref<10240xf32, #tpu.memory_space<vmem_shared>>
      tpu.enqueue_indirect_dma source(%arg20 : memref<80xf32, #tpu.memory_space<vmem>>) target(%dma_start3A_264 : memref<10240xf32, #tpu.memory_space<vmem_shared>>) offsets(%arg10 : memref<80xi32, #tpu.memory_space<vmem>>) semaphore(%run_scoped3A_262 : memref<!tpu.dma_semaphore, #tpu.memory_space<semaphore_mem>>) {add = true}
      %dma_wait3A_265 = arith.constant 0 : i32
      %dma_wait3A_266 = tpu.memref_slice %arg21[%dma_wait3A_265] : memref<10240xf32, #tpu.memory_space<vmem_shared>> -> memref<10240xf32, #tpu.memory_space<vmem_shared>>
      tpu.wait_indirect_dma semaphore(%run_scoped3A_262 : memref<!tpu.dma_semaphore, #tpu.memory_space<semaphore_mem>>) src(%arg20 : memref<80xf32, #tpu.memory_space<vmem>>) dst(%dma_wait3A_266 : memref<10240xf32, #tpu.memory_space<vmem_shared>>)
      tpu.yield
    }) : () -> ()
    %dma_wait3A_116 = arith.constant 0 : i32
    %dma_wait3A_117 = tpu.memref_slice %arg21[%dma_wait3A_116] : memref<10240xf32, #tpu.memory_space<vmem_shared>> -> memref<10240xf32, #tpu.memory_space<vmem_shared>>
    tpu.wait_indirect_dma semaphore(%arg23 : memref<!tpu.dma_semaphore, #tpu.memory_space<semaphore_mem>>) src(%arg20 : memref<80xf32, #tpu.memory_space<vmem>>) dst(%dma_wait3A_117 : memref<10240xf32, #tpu.memory_space<vmem_shared>>)
    %get3A_118 = arith.constant 5040 : index
    %get3A_119 = tpu.vector_load %arg9[%get3A_118] {strides = array<i32>} : memref<5120xi32, #tpu.memory_space<vmem>>, vector<16xi32>,
    %get3A_120 = vector.shape_cast %get3A_119 : vector<16xi32> to vector<16xi32>
    %swap3A_121 = arith.constant 0 : index
    %swap3A_122 = tpu.vector_load %arg11[%swap3A_121] {strides = array<i32>} : memref<80xi32, #tpu.memory_space<vmem>>, vector<16xi32>,
    %swap3A_123 = vector.shape_cast %swap3A_122 : vector<16xi32> to vector<16xi32>
    %swap3A_124 = vector.shape_cast %get3A_120 : vector<16xi32> to vector<16xi32>
    tpu.vector_store %arg11[%swap3A_121], %swap3A_124 {strides = array<i32>} : memref<80xi32, #tpu.memory_space<vmem>>, vector<16xi32>,
    %get3A_125 = arith.constant 5056 : index
    %get3A_126 = tpu.vector_load %arg9[%get3A_125] {strides = array<i32>} : memref<5120xi32, #tpu.memory_space<vmem>>, vector<16xi32>,
    %get3A_127 = vector.shape_cast %get3A_126 : vector<16xi32> to vector<16xi32>
    %swap3A_128 = arith.constant 16 : index
    %swap3A_129 = tpu.vector_load %arg11[%swap3A_128] {strides = array<i32>} : memref<80xi32, #tpu.memory_space<vmem>>, vector<16xi32>,
    %swap3A_130 = vector.shape_cast %swap3A_129 : vector<16xi32> to vector<16xi32>
    %swap3A_131 = vector.shape_cast %get3A_127 : vector<16xi32> to vector<16xi32>
    tpu.vector_store %arg11[%swap3A_128], %swap3A_131 {strides = array<i32>} : memref<80xi32, #tpu.memory_space<vmem>>, vector<16xi32>,
    %get3A_132 = arith.constant 5072 : index
    %get3A_133 = tpu.vector_load %arg9[%get3A_132] {strides = array<i32>} : memref<5120xi32, #tpu.memory_space<vmem>>, vector<16xi32>,
    %get3A_134 = vector.shape_cast %get3A_133 : vector<16xi32> to vector<16xi32>
    %swap3A_135 = arith.constant 32 : index
    %swap3A_136 = tpu.vector_load %arg11[%swap3A_135] {strides = array<i32>} : memref<80xi32, #tpu.memory_space<vmem>>, vector<16xi32>,
    %swap3A_137 = vector.shape_cast %swap3A_136 : vector<16xi32> to vector<16xi32>
    %swap3A_138 = vector.shape_cast %get3A_134 : vector<16xi32> to vector<16xi32>
    tpu.vector_store %arg11[%swap3A_135], %swap3A_138 {strides = array<i32>} : memref<80xi32, #tpu.memory_space<vmem>>, vector<16xi32>,
    %get3A_139 = arith.constant 5088 : index
    %get3A_140 = tpu.vector_load %arg9[%get3A_139] {strides = array<i32>} : memref<5120xi32, #tpu.memory_space<vmem>>, vector<16xi32>,
    %get3A_141 = vector.shape_cast %get3A_140 : vector<16xi32> to vector<16xi32>
    %swap3A_142 = arith.constant 48 : index
    %swap3A_143 = tpu.vector_load %arg11[%swap3A_142] {strides = array<i32>} : memref<80xi32, #tpu.memory_space<vmem>>, vector<16xi32>,
    %swap3A_144 = vector.shape_cast %swap3A_143 : vector<16xi32> to vector<16xi32>
    %swap3A_145 = vector.shape_cast %get3A_141 : vector<16xi32> to vector<16xi32>
    tpu.vector_store %arg11[%swap3A_142], %swap3A_145 {strides = array<i32>} : memref<80xi32, #tpu.memory_space<vmem>>, vector<16xi32>,
    %get3A_146 = arith.constant 5104 : index
    %get3A_147 = tpu.vector_load %arg9[%get3A_146] {strides = array<i32>} : memref<5120xi32, #tpu.memory_space<vmem>>, vector<16xi32>,
    %get3A_148 = vector.shape_cast %get3A_147 : vector<16xi32> to vector<16xi32>
    %swap3A_149 = arith.constant 64 : index
    %swap3A_150 = tpu.vector_load %arg11[%swap3A_149] {strides = array<i32>} : memref<80xi32, #tpu.memory_space<vmem>>, vector<16xi32>,
    %swap3A_151 = vector.shape_cast %swap3A_150 : vector<16xi32> to vector<16xi32>
    %swap3A_152 = vector.shape_cast %get3A_148 : vector<16xi32> to vector<16xi32>
    tpu.vector_store %arg11[%swap3A_149], %swap3A_152 {strides = array<i32>} : memref<80xi32, #tpu.memory_space<vmem>>, vector<16xi32>,
    %dma_wait3A_153 = arith.constant 0 : i32
    %dma_wait3A_154 = tpu.memref_slice %arg8[%dma_wait3A_153] : memref<5120xi32, #tpu.memory_space<vmem>> -> memref<80xi32, #tpu.memory_space<vmem>>
    %dma_wait3A_155 = arith.constant 0 : i32
    %dma_wait3A_156 = arith.constant 0 : i32
    %dma_wait3A_157 = tpu.memref_slice %arg3[%dma_wait3A_155, %dma_wait3A_156] : memref<10000x128xf32, #tpu.memory_space<hbm>> -> memref<10000x128xf32, #tpu.memory_space<hbm>>
    tpu.wait_indirect_dma semaphore(%arg17 : memref<!tpu.dma_semaphore, #tpu.memory_space<semaphore_mem>>) src(%dma_wait3A_157 : memref<10000x128xf32, #tpu.memory_space<hbm>>) dst(%arg13 : memref<80x128xf32, #tpu.memory_space<vmem>>)
    %dma_wait3A_158 = arith.constant 0 : i32
    %dma_wait3A_159 = arith.constant 0 : i32
    %dma_wait3A_160 = tpu.memref_slice %arg15[%dma_wait3A_158, %dma_wait3A_159] : memref<10240x128xf32, #tpu.memory_space<vmem_shared>> -> memref<10240x128xf32, #tpu.memory_space<vmem_shared>>
    tpu.wait_indirect_dma semaphore(%arg18 : memref<!tpu.dma_semaphore, #tpu.memory_space<semaphore_mem>>) src(%arg12 : memref<80x128xf32, #tpu.memory_space<vmem>>) dst(%dma_wait3A_160 : memref<10240x128xf32, #tpu.memory_space<vmem_shared>>)
    %dma_start3A_161 = arith.constant 0 : i32
    %dma_start3A_162 = arith.constant 0 : i32
    %dma_start3A_163 = tpu.memref_slice %arg15[%dma_start3A_161, %dma_start3A_162] : memref<10240x128xf32, #tpu.memory_space<vmem_shared>> -> memref<10240x128xf32, #tpu.memory_space<vmem_shared>>
    tpu.enqueue_indirect_dma source(%arg13 : memref<80x128xf32, #tpu.memory_space<vmem>>) target(%dma_start3A_163 : memref<10240x128xf32, #tpu.memory_space<vmem_shared>>) offsets(%arg11 : memref<80xi32, #tpu.memory_space<vmem>>) semaphore(%arg19 : memref<!tpu.dma_semaphore, #tpu.memory_space<semaphore_mem>>) {add = true}
    "tpu.region"() ({
      %run_scoped3A_262 = tpu.sem_alloc : memref<!tpu.dma_semaphore, #tpu.memory_space<semaphore_mem>>
      %dma_start3A_263 = arith.constant 0 : i32
      %dma_start3A_264 = tpu.memref_slice %arg21[%dma_start3A_263] : memref<10240xf32, #tpu.memory_space<vmem_shared>> -> memref<10240xf32, #tpu.memory_space<vmem_shared>>
      tpu.enqueue_indirect_dma source(%arg20 : memref<80xf32, #tpu.memory_space<vmem>>) target(%dma_start3A_264 : memref<10240xf32, #tpu.memory_space<vmem_shared>>) offsets(%arg11 : memref<80xi32, #tpu.memory_space<vmem>>) semaphore(%run_scoped3A_262 : memref<!tpu.dma_semaphore, #tpu.memory_space<semaphore_mem>>) {add = true}
      %dma_wait3A_265 = arith.constant 0 : i32
      %dma_wait3A_266 = tpu.memref_slice %arg21[%dma_wait3A_265] : memref<10240xf32, #tpu.memory_space<vmem_shared>> -> memref<10240xf32, #tpu.memory_space<vmem_shared>>
      tpu.wait_indirect_dma semaphore(%run_scoped3A_262 : memref<!tpu.dma_semaphore, #tpu.memory_space<semaphore_mem>>) src(%arg20 : memref<80xf32, #tpu.memory_space<vmem>>) dst(%dma_wait3A_266 : memref<10240xf32, #tpu.memory_space<vmem_shared>>)
      tpu.yield
    }) : () -> ()
    %dma_wait3A_164 = arith.constant 0 : i32
    %dma_wait3A_165 = arith.constant 0 : i32
    %dma_wait3A_166 = tpu.memref_slice %arg15[%dma_wait3A_164, %dma_wait3A_165] : memref<10240x128xf32, #tpu.memory_space<vmem_shared>> -> memref<10240x128xf32, #tpu.memory_space<vmem_shared>>
    tpu.wait_indirect_dma semaphore(%arg19 : memref<!tpu.dma_semaphore, #tpu.memory_space<semaphore_mem>>) src(%arg13 : memref<80x128xf32, #tpu.memory_space<vmem>>) dst(%dma_wait3A_166 : memref<10240x128xf32, #tpu.memory_space<vmem_shared>>)
    %add3A_167 = arith.constant 5120 : i32
    %add3A_168 = arith.addi %mul3A_4, %add3A_167 : i32
    "tpu.region"() ({
      %run_scoped3A_262 = tpu.sem_alloc : memref<!tpu.dma_semaphore, #tpu.memory_space<semaphore_mem>>
      %dma_start3A_263 = arith.constant 0 : i32
      %dma_start3A_264 = tpu.memref_slice %arg8[%dma_start3A_263] : memref<5120xi32, #tpu.memory_space<vmem>> -> memref<4880xi32, #tpu.memory_space<vmem>>
      %dma_start3A_265 = tpu.memref_slice %arg2[%add3A_168] : memref<640000xi32, #tpu.memory_space<hbm>> -> memref<4880xi32, #tpu.memory_space<hbm>>
      %dma_start3A_266 = arith.constant 0 : i32
      %dma_start3A_267 = tpu.memref_slice %arg8[%dma_start3A_266] : memref<5120xi32, #tpu.memory_space<vmem>> -> memref<4880xi32, #tpu.memory_space<vmem>>
      %dma_start3A_268 = tpu.memref_slice %arg2[%add3A_168] : memref<640000xi32, #tpu.memory_space<hbm>> -> memref<4880xi32, #tpu.memory_space<hbm>>
      tpu.enqueue_dma source(%dma_start3A_268 : memref<4880xi32, #tpu.memory_space<hbm>>) target(%dma_start3A_267 : memref<4880xi32, #tpu.memory_space<vmem>>) target_semaphore(%run_scoped3A_262 : memref<!tpu.dma_semaphore, #tpu.memory_space<semaphore_mem>>)
      %dma_wait3A_269 = arith.constant 0 : i32
      %dma_wait3A_270 = tpu.memref_slice %arg8[%dma_wait3A_269] : memref<5120xi32, #tpu.memory_space<vmem>> -> memref<4880xi32, #tpu.memory_space<vmem>>
      %dma_wait3A_271 = tpu.memref_slice %arg2[%add3A_168] : memref<640000xi32, #tpu.memory_space<hbm>> -> memref<4880xi32, #tpu.memory_space<hbm>>
      %dma_wait3A_272 = arith.constant 0 : i32
      %dma_wait3A_273 = tpu.memref_slice %arg8[%dma_wait3A_272] : memref<5120xi32, #tpu.memory_space<vmem>> -> memref<4880xi32, #tpu.memory_space<vmem>>
      %dma_wait3A_274 = tpu.memref_slice %arg2[%add3A_168] : memref<640000xi32, #tpu.memory_space<hbm>> -> memref<4880xi32, #tpu.memory_space<hbm>>
      tpu.wait_dma2 semaphore(%run_scoped3A_262 : memref<!tpu.dma_semaphore, #tpu.memory_space<semaphore_mem>>) src(%dma_wait3A_274 : memref<4880xi32, #tpu.memory_space<hbm>>) dst(%dma_wait3A_273 : memref<4880xi32, #tpu.memory_space<vmem>>)
      tpu.yield
    }) : () -> ()
    %add3A_169 = arith.constant 320000 : i32
    %add3A_170 = arith.addi %add3A_169, %mul3A_4 : i32
    %add3A_171 = arith.constant 5120 : i32
    %add3A_172 = arith.addi %add3A_170, %add3A_171 : i32
    "tpu.region"() ({
      %run_scoped3A_262 = tpu.sem_alloc : memref<!tpu.dma_semaphore, #tpu.memory_space<semaphore_mem>>
      %dma_start3A_263 = arith.constant 0 : i32
      %dma_start3A_264 = tpu.memref_slice %arg9[%dma_start3A_263] : memref<5120xi32, #tpu.memory_space<vmem>> -> memref<4880xi32, #tpu.memory_space<vmem>>
      %dma_start3A_265 = tpu.memref_slice %arg2[%add3A_172] : memref<640000xi32, #tpu.memory_space<hbm>> -> memref<4880xi32, #tpu.memory_space<hbm>>
      %dma_start3A_266 = arith.constant 0 : i32
      %dma_start3A_267 = tpu.memref_slice %arg9[%dma_start3A_266] : memref<5120xi32, #tpu.memory_space<vmem>> -> memref<4880xi32, #tpu.memory_space<vmem>>
      %dma_start3A_268 = tpu.memref_slice %arg2[%add3A_172] : memref<640000xi32, #tpu.memory_space<hbm>> -> memref<4880xi32, #tpu.memory_space<hbm>>
      tpu.enqueue_dma source(%dma_start3A_268 : memref<4880xi32, #tpu.memory_space<hbm>>) target(%dma_start3A_267 : memref<4880xi32, #tpu.memory_space<vmem>>) target_semaphore(%run_scoped3A_262 : memref<!tpu.dma_semaphore, #tpu.memory_space<semaphore_mem>>)
      %dma_wait3A_269 = arith.constant 0 : i32
      %dma_wait3A_270 = tpu.memref_slice %arg9[%dma_wait3A_269] : memref<5120xi32, #tpu.memory_space<vmem>> -> memref<4880xi32, #tpu.memory_space<vmem>>
      %dma_wait3A_271 = tpu.memref_slice %arg2[%add3A_172] : memref<640000xi32, #tpu.memory_space<hbm>> -> memref<4880xi32, #tpu.memory_space<hbm>>
      %dma_wait3A_272 = arith.constant 0 : i32
      %dma_wait3A_273 = tpu.memref_slice %arg9[%dma_wait3A_272] : memref<5120xi32, #tpu.memory_space<vmem>> -> memref<4880xi32, #tpu.memory_space<vmem>>
      %dma_wait3A_274 = tpu.memref_slice %arg2[%add3A_172] : memref<640000xi32, #tpu.memory_space<hbm>> -> memref<4880xi32, #tpu.memory_space<hbm>>
      tpu.wait_dma2 semaphore(%run_scoped3A_262 : memref<!tpu.dma_semaphore, #tpu.memory_space<semaphore_mem>>) src(%dma_wait3A_274 : memref<4880xi32, #tpu.memory_space<hbm>>) dst(%dma_wait3A_273 : memref<4880xi32, #tpu.memory_space<vmem>>)
      tpu.yield
    }) : () -> ()
    %dma_start3A_173 = arith.constant 0 : i32
    %dma_start3A_174 = tpu.memref_slice %arg8[%dma_start3A_173] : memref<5120xi32, #tpu.memory_space<vmem>> -> memref<80xi32, #tpu.memory_space<vmem>>
    %dma_start3A_175 = arith.constant 0 : i32
    %dma_start3A_176 = arith.constant 0 : i32
    %dma_start3A_177 = tpu.memref_slice %arg3[%dma_start3A_175, %dma_start3A_176] : memref<10000x128xf32, #tpu.memory_space<hbm>> -> memref<10000x128xf32, #tpu.memory_space<hbm>>
    tpu.enqueue_indirect_dma source(%dma_start3A_177 : memref<10000x128xf32, #tpu.memory_space<hbm>>) target(%arg12 : memref<80x128xf32, #tpu.memory_space<vmem>>) offsets(%dma_start3A_174 : memref<80xi32, #tpu.memory_space<vmem>>) semaphore(%arg16 : memref<!tpu.dma_semaphore, #tpu.memory_space<semaphore_mem>>)
    %dma_start3A_178 = arith.constant 80 : i32
    %dma_start3A_179 = tpu.memref_slice %arg8[%dma_start3A_178] : memref<5120xi32, #tpu.memory_space<vmem>> -> memref<80xi32, #tpu.memory_space<vmem>>
    %dma_start3A_180 = arith.constant 0 : i32
    %dma_start3A_181 = arith.constant 0 : i32
    %dma_start3A_182 = tpu.memref_slice %arg3[%dma_start3A_180, %dma_start3A_181] : memref<10000x128xf32, #tpu.memory_space<hbm>> -> memref<10000x128xf32, #tpu.memory_space<hbm>>
    tpu.enqueue_indirect_dma source(%dma_start3A_182 : memref<10000x128xf32, #tpu.memory_space<hbm>>) target(%arg13 : memref<80x128xf32, #tpu.memory_space<vmem>>) offsets(%dma_start3A_179 : memref<80xi32, #tpu.memory_space<vmem>>) semaphore(%arg17 : memref<!tpu.dma_semaphore, #tpu.memory_space<semaphore_mem>>)
    %scan3A_183 = arith.constant 0 : i32
    %scan3A_184 = arith.constant 0 : i32
    %scan3A_185 = arith.constant 30 : i32
    %scan3A_186 = arith.addi %scan3A_184, %scan3A_185 : i32
    %scan3A_187 = arith.constant 1 : i32
    scf.for %scan3A_262 = %scan3A_184 to %scan3A_186 step %scan3A_187  : i32 {
      %mul3A_263 = arith.constant 2 : i32
      %mul3A_264 = arith.muli %mul3A_263, %scan3A_262 : i32
      %gt3A = arith.constant 0 : i32
      %gt3A_265 = arith.cmpi sgt, %scan3A_262, %gt3A : i32
      %convert_element_type3A_266 = arith.extui %gt3A_265 : i1 to i32
      %cond3A_267 = arith.constant 0 : i32
      %cond3A_268 = arith.cmpi ne, %convert_element_type3A_266, %cond3A_267 : i32
      scf.if %cond3A_268 {
        %dma_wait3A_429 = arith.constant 0 : i32
        %dma_wait3A_430 = tpu.memref_slice %arg21[%dma_wait3A_429] : memref<10240xf32, #tpu.memory_space<vmem_shared>> -> memref<10240xf32, #tpu.memory_space<vmem_shared>>
        tpu.wait_indirect_dma semaphore(%arg22 : memref<!tpu.dma_semaphore, #tpu.memory_space<semaphore_mem>>) src(%arg20 : memref<80xf32, #tpu.memory_space<vmem>>) dst(%dma_wait3A_430 : memref<10240xf32, #tpu.memory_space<vmem_shared>>)
      } else {
      }
      %mul3A_269 = arith.constant 80 : i32
      %mul3A_270 = arith.muli %mul3A_264, %mul3A_269 : i32
      %add3A_271 = arith.constant 0 : i32
      %add3A_272 = arith.addi %mul3A_270, %add3A_271 : i32
      %get3A_273 = arith.index_cast %add3A_272 : i32 to index
      %get3A_274 = tpu.vector_load %arg9[%get3A_273] {strides = array<i32>} : memref<5120xi32, #tpu.memory_space<vmem>>, vector<16xi32>,
      %get3A_275 = vector.shape_cast %get3A_274 : vector<16xi32> to vector<16xi32>
      %swap3A_276 = arith.constant 0 : index
      %swap3A_277 = tpu.vector_load %arg10[%swap3A_276] {strides = array<i32>} : memref<80xi32, #tpu.memory_space<vmem>>, vector<16xi32>,
      %swap3A_278 = vector.shape_cast %swap3A_277 : vector<16xi32> to vector<16xi32>
      %swap3A_279 = vector.shape_cast %get3A_275 : vector<16xi32> to vector<16xi32>
      tpu.vector_store %arg10[%swap3A_276], %swap3A_279 {strides = array<i32>} : memref<80xi32, #tpu.memory_space<vmem>>, vector<16xi32>,
      %mul3A_280 = arith.constant 80 : i32
      %mul3A_281 = arith.muli %mul3A_264, %mul3A_280 : i32
      %add3A_282 = arith.constant 16 : i32
      %add3A_283 = arith.addi %mul3A_281, %add3A_282 : i32
      %get3A_284 = arith.index_cast %add3A_283 : i32 to index
      %get3A_285 = tpu.vector_load %arg9[%get3A_284] {strides = array<i32>} : memref<5120xi32, #tpu.memory_space<vmem>>, vector<16xi32>,
      %get3A_286 = vector.shape_cast %get3A_285 : vector<16xi32> to vector<16xi32>
      %swap3A_287 = arith.constant 16 : index
      %swap3A_288 = tpu.vector_load %arg10[%swap3A_287] {strides = array<i32>} : memref<80xi32, #tpu.memory_space<vmem>>, vector<16xi32>,
      %swap3A_289 = vector.shape_cast %swap3A_288 : vector<16xi32> to vector<16xi32>
      %swap3A_290 = vector.shape_cast %get3A_286 : vector<16xi32> to vector<16xi32>
      tpu.vector_store %arg10[%swap3A_287], %swap3A_290 {strides = array<i32>} : memref<80xi32, #tpu.memory_space<vmem>>, vector<16xi32>,
      %mul3A_291 = arith.constant 80 : i32
      %mul3A_292 = arith.muli %mul3A_264, %mul3A_291 : i32
      %add3A_293 = arith.constant 32 : i32
      %add3A_294 = arith.addi %mul3A_292, %add3A_293 : i32
      %get3A_295 = arith.index_cast %add3A_294 : i32 to index
      %get3A_296 = tpu.vector_load %arg9[%get3A_295] {strides = array<i32>} : memref<5120xi32, #tpu.memory_space<vmem>>, vector<16xi32>,
      %get3A_297 = vector.shape_cast %get3A_296 : vector<16xi32> to vector<16xi32>
      %swap3A_298 = arith.constant 32 : index
      %swap3A_299 = tpu.vector_load %arg10[%swap3A_298] {strides = array<i32>} : memref<80xi32, #tpu.memory_space<vmem>>, vector<16xi32>,
      %swap3A_300 = vector.shape_cast %swap3A_299 : vector<16xi32> to vector<16xi32>
      %swap3A_301 = vector.shape_cast %get3A_297 : vector<16xi32> to vector<16xi32>
      tpu.vector_store %arg10[%swap3A_298], %swap3A_301 {strides = array<i32>} : memref<80xi32, #tpu.memory_space<vmem>>, vector<16xi32>,
      %mul3A_302 = arith.constant 80 : i32
      %mul3A_303 = arith.muli %mul3A_264, %mul3A_302 : i32
      %add3A_304 = arith.constant 48 : i32
      %add3A_305 = arith.addi %mul3A_303, %add3A_304 : i32
      %get3A_306 = arith.index_cast %add3A_305 : i32 to index
      %get3A_307 = tpu.vector_load %arg9[%get3A_306] {strides = array<i32>} : memref<5120xi32, #tpu.memory_space<vmem>>, vector<16xi32>,
      %get3A_308 = vector.shape_cast %get3A_307 : vector<16xi32> to vector<16xi32>
      %swap3A_309 = arith.constant 48 : index
      %swap3A_310 = tpu.vector_load %arg10[%swap3A_309] {strides = array<i32>} : memref<80xi32, #tpu.memory_space<vmem>>, vector<16xi32>,
      %swap3A_311 = vector.shape_cast %swap3A_310 : vector<16xi32> to vector<16xi32>
      %swap3A_312 = vector.shape_cast %get3A_308 : vector<16xi32> to vector<16xi32>
      tpu.vector_store %arg10[%swap3A_309], %swap3A_312 {strides = array<i32>} : memref<80xi32, #tpu.memory_space<vmem>>, vector<16xi32>,
      %mul3A_313 = arith.constant 80 : i32
      %mul3A_314 = arith.muli %mul3A_264, %mul3A_313 : i32
      %add3A_315 = arith.constant 64 : i32
      %add3A_316 = arith.addi %mul3A_314, %add3A_315 : i32
      %get3A_317 = arith.index_cast %add3A_316 : i32 to index
      %get3A_318 = tpu.vector_load %arg9[%get3A_317] {strides = array<i32>} : memref<5120xi32, #tpu.memory_space<vmem>>, vector<16xi32>,
      %get3A_319 = vector.shape_cast %get3A_318 : vector<16xi32> to vector<16xi32>
      %swap3A_320 = arith.constant 64 : index
      %swap3A_321 = tpu.vector_load %arg10[%swap3A_320] {strides = array<i32>} : memref<80xi32, #tpu.memory_space<vmem>>, vector<16xi32>,
      %swap3A_322 = vector.shape_cast %swap3A_321 : vector<16xi32> to vector<16xi32>
      %swap3A_323 = vector.shape_cast %get3A_319 : vector<16xi32> to vector<16xi32>
      tpu.vector_store %arg10[%swap3A_320], %swap3A_323 {strides = array<i32>} : memref<80xi32, #tpu.memory_space<vmem>>, vector<16xi32>,
      %dma_wait3A_324 = arith.constant 0 : i32
      %dma_wait3A_325 = tpu.memref_slice %arg8[%dma_wait3A_324] : memref<5120xi32, #tpu.memory_space<vmem>> -> memref<80xi32, #tpu.memory_space<vmem>>
      %dma_wait3A_326 = arith.constant 0 : i32
      %dma_wait3A_327 = arith.constant 0 : i32
      %dma_wait3A_328 = tpu.memref_slice %arg3[%dma_wait3A_326, %dma_wait3A_327] : memref<10000x128xf32, #tpu.memory_space<hbm>> -> memref<10000x128xf32, #tpu.memory_space<hbm>>
      tpu.wait_indirect_dma semaphore(%arg16 : memref<!tpu.dma_semaphore, #tpu.memory_space<semaphore_mem>>) src(%dma_wait3A_328 : memref<10000x128xf32, #tpu.memory_space<hbm>>) dst(%arg12 : memref<80x128xf32, #tpu.memory_space<vmem>>)
      %dma_start3A_329 = arith.constant 0 : i32
      %dma_start3A_330 = arith.constant 0 : i32
      %dma_start3A_331 = tpu.memref_slice %arg15[%dma_start3A_329, %dma_start3A_330] : memref<10240x128xf32, #tpu.memory_space<vmem_shared>> -> memref<10240x128xf32, #tpu.memory_space<vmem_shared>>
      tpu.enqueue_indirect_dma source(%arg12 : memref<80x128xf32, #tpu.memory_space<vmem>>) target(%dma_start3A_331 : memref<10240x128xf32, #tpu.memory_space<vmem_shared>>) offsets(%arg10 : memref<80xi32, #tpu.memory_space<vmem>>) semaphore(%arg18 : memref<!tpu.dma_semaphore, #tpu.memory_space<semaphore_mem>>) {add = true}
      %dma_start3A_332 = arith.constant 0 : i32
      %dma_start3A_333 = tpu.memref_slice %arg21[%dma_start3A_332] : memref<10240xf32, #tpu.memory_space<vmem_shared>> -> memref<10240xf32, #tpu.memory_space<vmem_shared>>
      tpu.enqueue_indirect_dma source(%arg20 : memref<80xf32, #tpu.memory_space<vmem>>) target(%dma_start3A_333 : memref<10240xf32, #tpu.memory_space<vmem_shared>>) offsets(%arg10 : memref<80xi32, #tpu.memory_space<vmem>>) semaphore(%arg22 : memref<!tpu.dma_semaphore, #tpu.memory_space<semaphore_mem>>) {add = true}
      %gt3A_334 = arith.constant 0 : i32
      %gt3A_335 = arith.cmpi sgt, %scan3A_262, %gt3A_334 : i32
      %convert_element_type3A_336 = arith.extui %gt3A_335 : i1 to i32
      %cond3A_337 = arith.constant 0 : i32
      %cond3A_338 = arith.cmpi ne, %convert_element_type3A_336, %cond3A_337 : i32
      scf.if %cond3A_338 {
        %dma_wait3A_429 = arith.constant 0 : i32
        %dma_wait3A_430 = tpu.memref_slice %arg21[%dma_wait3A_429] : memref<10240xf32, #tpu.memory_space<vmem_shared>> -> memref<10240xf32, #tpu.memory_space<vmem_shared>>
        tpu.wait_indirect_dma semaphore(%arg23 : memref<!tpu.dma_semaphore, #tpu.memory_space<semaphore_mem>>) src(%arg20 : memref<80xf32, #tpu.memory_space<vmem>>) dst(%dma_wait3A_430 : memref<10240xf32, #tpu.memory_space<vmem_shared>>)
      } else {
      }
      %add3A_339 = arith.constant 1 : i32
      %add3A_340 = arith.addi %mul3A_264, %add3A_339 : i32
      %mul3A_341 = arith.constant 80 : i32
      %mul3A_342 = arith.muli %add3A_340, %mul3A_341 : i32
      %add3A_343 = arith.constant 0 : i32
      %add3A_344 = arith.addi %mul3A_342, %add3A_343 : i32
      %get3A_345 = arith.index_cast %add3A_344 : i32 to index
      %get3A_346 = tpu.vector_load %arg9[%get3A_345] {strides = array<i32>} : memref<5120xi32, #tpu.memory_space<vmem>>, vector<16xi32>,
      %get3A_347 = vector.shape_cast %get3A_346 : vector<16xi32> to vector<16xi32>
      %swap3A_348 = arith.constant 0 : index
      %swap3A_349 = tpu.vector_load %arg11[%swap3A_348] {strides = array<i32>} : memref<80xi32, #tpu.memory_space<vmem>>, vector<16xi32>,
      %swap3A_350 = vector.shape_cast %swap3A_349 : vector<16xi32> to vector<16xi32>
      %swap3A_351 = vector.shape_cast %get3A_347 : vector<16xi32> to vector<16xi32>
      tpu.vector_store %arg11[%swap3A_348], %swap3A_351 {strides = array<i32>} : memref<80xi32, #tpu.memory_space<vmem>>, vector<16xi32>,
      %mul3A_352 = arith.constant 80 : i32
      %mul3A_353 = arith.muli %add3A_340, %mul3A_352 : i32
      %add3A_354 = arith.constant 16 : i32
      %add3A_355 = arith.addi %mul3A_353, %add3A_354 : i32
      %get3A_356 = arith.index_cast %add3A_355 : i32 to index
      %get3A_357 = tpu.vector_load %arg9[%get3A_356] {strides = array<i32>} : memref<5120xi32, #tpu.memory_space<vmem>>, vector<16xi32>,
      %get3A_358 = vector.shape_cast %get3A_357 : vector<16xi32> to vector<16xi32>
      %swap3A_359 = arith.constant 16 : index
      %swap3A_360 = tpu.vector_load %arg11[%swap3A_359] {strides = array<i32>} : memref<80xi32, #tpu.memory_space<vmem>>, vector<16xi32>,
      %swap3A_361 = vector.shape_cast %swap3A_360 : vector<16xi32> to vector<16xi32>
      %swap3A_362 = vector.shape_cast %get3A_358 : vector<16xi32> to vector<16xi32>
      tpu.vector_store %arg11[%swap3A_359], %swap3A_362 {strides = array<i32>} : memref<80xi32, #tpu.memory_space<vmem>>, vector<16xi32>,
      %mul3A_363 = arith.constant 80 : i32
      %mul3A_364 = arith.muli %add3A_340, %mul3A_363 : i32
      %add3A_365 = arith.constant 32 : i32
      %add3A_366 = arith.addi %mul3A_364, %add3A_365 : i32
      %get3A_367 = arith.index_cast %add3A_366 : i32 to index
      %get3A_368 = tpu.vector_load %arg9[%get3A_367] {strides = array<i32>} : memref<5120xi32, #tpu.memory_space<vmem>>, vector<16xi32>,
      %get3A_369 = vector.shape_cast %get3A_368 : vector<16xi32> to vector<16xi32>
      %swap3A_370 = arith.constant 32 : index
      %swap3A_371 = tpu.vector_load %arg11[%swap3A_370] {strides = array<i32>} : memref<80xi32, #tpu.memory_space<vmem>>, vector<16xi32>,
      %swap3A_372 = vector.shape_cast %swap3A_371 : vector<16xi32> to vector<16xi32>
      %swap3A_373 = vector.shape_cast %get3A_369 : vector<16xi32> to vector<16xi32>
      tpu.vector_store %arg11[%swap3A_370], %swap3A_373 {strides = array<i32>} : memref<80xi32, #tpu.memory_space<vmem>>, vector<16xi32>,
      %mul3A_374 = arith.constant 80 : i32
      %mul3A_375 = arith.muli %add3A_340, %mul3A_374 : i32
      %add3A_376 = arith.constant 48 : i32
      %add3A_377 = arith.addi %mul3A_375, %add3A_376 : i32
      %get3A_378 = arith.index_cast %add3A_377 : i32 to index
      %get3A_379 = tpu.vector_load %arg9[%get3A_378] {strides = array<i32>} : memref<5120xi32, #tpu.memory_space<vmem>>, vector<16xi32>,
      %get3A_380 = vector.shape_cast %get3A_379 : vector<16xi32> to vector<16xi32>
      %swap3A_381 = arith.constant 48 : index
      %swap3A_382 = tpu.vector_load %arg11[%swap3A_381] {strides = array<i32>} : memref<80xi32, #tpu.memory_space<vmem>>, vector<16xi32>,
      %swap3A_383 = vector.shape_cast %swap3A_382 : vector<16xi32> to vector<16xi32>
      %swap3A_384 = vector.shape_cast %get3A_380 : vector<16xi32> to vector<16xi32>
      tpu.vector_store %arg11[%swap3A_381], %swap3A_384 {strides = array<i32>} : memref<80xi32, #tpu.memory_space<vmem>>, vector<16xi32>,
      %mul3A_385 = arith.constant 80 : i32
      %mul3A_386 = arith.muli %add3A_340, %mul3A_385 : i32
      %add3A_387 = arith.constant 64 : i32
      %add3A_388 = arith.addi %mul3A_386, %add3A_387 : i32
      %get3A_389 = arith.index_cast %add3A_388 : i32 to index
      %get3A_390 = tpu.vector_load %arg9[%get3A_389] {strides = array<i32>} : memref<5120xi32, #tpu.memory_space<vmem>>, vector<16xi32>,
      %get3A_391 = vector.shape_cast %get3A_390 : vector<16xi32> to vector<16xi32>
      %swap3A_392 = arith.constant 64 : index
      %swap3A_393 = tpu.vector_load %arg11[%swap3A_392] {strides = array<i32>} : memref<80xi32, #tpu.memory_space<vmem>>, vector<16xi32>,
      %swap3A_394 = vector.shape_cast %swap3A_393 : vector<16xi32> to vector<16xi32>
      %swap3A_395 = vector.shape_cast %get3A_391 : vector<16xi32> to vector<16xi32>
      tpu.vector_store %arg11[%swap3A_392], %swap3A_395 {strides = array<i32>} : memref<80xi32, #tpu.memory_space<vmem>>, vector<16xi32>,
      %dma_wait3A_396 = arith.constant 0 : i32
      %dma_wait3A_397 = tpu.memref_slice %arg8[%dma_wait3A_396] : memref<5120xi32, #tpu.memory_space<vmem>> -> memref<80xi32, #tpu.memory_space<vmem>>
      %dma_wait3A_398 = arith.constant 0 : i32
      %dma_wait3A_399 = arith.constant 0 : i32
      %dma_wait3A_400 = tpu.memref_slice %arg3[%dma_wait3A_398, %dma_wait3A_399] : memref<10000x128xf32, #tpu.memory_space<hbm>> -> memref<10000x128xf32, #tpu.memory_space<hbm>>
      tpu.wait_indirect_dma semaphore(%arg17 : memref<!tpu.dma_semaphore, #tpu.memory_space<semaphore_mem>>) src(%dma_wait3A_400 : memref<10000x128xf32, #tpu.memory_space<hbm>>) dst(%arg13 : memref<80x128xf32, #tpu.memory_space<vmem>>)
      %dma_wait3A_401 = arith.constant 0 : i32
      %dma_wait3A_402 = arith.constant 0 : i32
      %dma_wait3A_403 = tpu.memref_slice %arg15[%dma_wait3A_401, %dma_wait3A_402] : memref<10240x128xf32, #tpu.memory_space<vmem_shared>> -> memref<10240x128xf32, #tpu.memory_space<vmem_shared>>
      tpu.wait_indirect_dma semaphore(%arg18 : memref<!tpu.dma_semaphore, #tpu.memory_space<semaphore_mem>>) src(%arg12 : memref<80x128xf32, #tpu.memory_space<vmem>>) dst(%dma_wait3A_403 : memref<10240x128xf32, #tpu.memory_space<vmem_shared>>)
      %add3A_404 = arith.constant 2 : i32
      %add3A_405 = arith.addi %mul3A_264, %add3A_404 : i32
      %min3A = arith.constant 60 : i32
      %min3A_406 = arith.minsi %add3A_405, %min3A : i32
      %mul3A_407 = arith.constant 80 : i32
      %mul3A_408 = arith.muli %min3A_406, %mul3A_407 : i32
      %dma_start3A_409 = tpu.memref_slice %arg8[%mul3A_408] : memref<5120xi32, #tpu.memory_space<vmem>> -> memref<80xi32, #tpu.memory_space<vmem>>
      %dma_start3A_410 = arith.constant 0 : i32
      %dma_start3A_411 = arith.constant 0 : i32
      %dma_start3A_412 = tpu.memref_slice %arg3[%dma_start3A_410, %dma_start3A_411] : memref<10000x128xf32, #tpu.memory_space<hbm>> -> memref<10000x128xf32, #tpu.memory_space<hbm>>
      tpu.enqueue_indirect_dma source(%dma_start3A_412 : memref<10000x128xf32, #tpu.memory_space<hbm>>) target(%arg12 : memref<80x128xf32, #tpu.memory_space<vmem>>) offsets(%dma_start3A_409 : memref<80xi32, #tpu.memory_space<vmem>>) semaphore(%arg16 : memref<!tpu.dma_semaphore, #tpu.memory_space<semaphore_mem>>)
      %dma_start3A_413 = arith.constant 0 : i32
      %dma_start3A_414 = arith.constant 0 : i32
      %dma_start3A_415 = tpu.memref_slice %arg15[%dma_start3A_413, %dma_start3A_414] : memref<10240x128xf32, #tpu.memory_space<vmem_shared>> -> memref<10240x128xf32, #tpu.memory_space<vmem_shared>>
      tpu.enqueue_indirect_dma source(%arg13 : memref<80x128xf32, #tpu.memory_space<vmem>>) target(%dma_start3A_415 : memref<10240x128xf32, #tpu.memory_space<vmem_shared>>) offsets(%arg11 : memref<80xi32, #tpu.memory_space<vmem>>) semaphore(%arg19 : memref<!tpu.dma_semaphore, #tpu.memory_space<semaphore_mem>>) {add = true}
      %dma_start3A_416 = arith.constant 0 : i32
      %dma_start3A_417 = tpu.memref_slice %arg21[%dma_start3A_416] : memref<10240xf32, #tpu.memory_space<vmem_shared>> -> memref<10240xf32, #tpu.memory_space<vmem_shared>>
      tpu.enqueue_indirect_dma source(%arg20 : memref<80xf32, #tpu.memory_space<vmem>>) target(%dma_start3A_417 : memref<10240xf32, #tpu.memory_space<vmem_shared>>) offsets(%arg11 : memref<80xi32, #tpu.memory_space<vmem>>) semaphore(%arg23 : memref<!tpu.dma_semaphore, #tpu.memory_space<semaphore_mem>>) {add = true}
      %dma_wait3A_418 = arith.constant 0 : i32
      %dma_wait3A_419 = arith.constant 0 : i32
      %dma_wait3A_420 = tpu.memref_slice %arg15[%dma_wait3A_418, %dma_wait3A_419] : memref<10240x128xf32, #tpu.memory_space<vmem_shared>> -> memref<10240x128xf32, #tpu.memory_space<vmem_shared>>
      tpu.wait_indirect_dma semaphore(%arg19 : memref<!tpu.dma_semaphore, #tpu.memory_space<semaphore_mem>>) src(%arg13 : memref<80x128xf32, #tpu.memory_space<vmem>>) dst(%dma_wait3A_420 : memref<10240x128xf32, #tpu.memory_space<vmem_shared>>)
      %add3A_421 = arith.constant 3 : i32
      %add3A_422 = arith.addi %mul3A_264, %add3A_421 : i32
      %min3A_423 = arith.constant 60 : i32
      %min3A_424 = arith.minsi %add3A_422, %min3A_423 : i32
      %lt3A = arith.constant 29 : i32
      %lt3A_425 = arith.cmpi slt, %scan3A_262, %lt3A : i32
      %convert_element_type3A_426 = arith.extui %lt3A_425 : i1 to i32
      %cond3A_427 = arith.constant 0 : i32
      %cond3A_428 = arith.cmpi ne, %convert_element_type3A_426, %cond3A_427 : i32
      scf.if %cond3A_428 {
        %mul3A_429 = arith.constant 80 : i32
        %mul3A_430 = arith.muli %min3A_424, %mul3A_429 : i32
        %dma_start3A_431 = tpu.memref_slice %arg8[%mul3A_430] : memref<5120xi32, #tpu.memory_space<vmem>> -> memref<80xi32, #tpu.memory_space<vmem>>
        %dma_start3A_432 = arith.constant 0 : i32
        %dma_start3A_433 = arith.constant 0 : i32
        %dma_start3A_434 = tpu.memref_slice %arg3[%dma_start3A_432, %dma_start3A_433] : memref<10000x128xf32, #tpu.memory_space<hbm>> -> memref<10000x128xf32, #tpu.memory_space<hbm>>
        tpu.enqueue_indirect_dma source(%dma_start3A_434 : memref<10000x128xf32, #tpu.memory_space<hbm>>) target(%arg13 : memref<80x128xf32, #tpu.memory_space<vmem>>) offsets(%dma_start3A_431 : memref<80xi32, #tpu.memory_space<vmem>>) semaphore(%arg17 : memref<!tpu.dma_semaphore, #tpu.memory_space<semaphore_mem>>)
      } else {
      }
    }
    %scan3A_188 = arith.constant 30 : i32
    %dma_wait3A_189 = arith.constant 0 : i32
    %dma_wait3A_190 = tpu.memref_slice %arg21[%dma_wait3A_189] : memref<10240xf32, #tpu.memory_space<vmem_shared>> -> memref<10240xf32, #tpu.memory_space<vmem_shared>>
    tpu.wait_indirect_dma semaphore(%arg22 : memref<!tpu.dma_semaphore, #tpu.memory_space<semaphore_mem>>) src(%arg20 : memref<80xf32, #tpu.memory_space<vmem>>) dst(%dma_wait3A_190 : memref<10240xf32, #tpu.memory_space<vmem_shared>>)
    %get3A_191 = arith.constant 4800 : index
    %get3A_192 = tpu.vector_load %arg9[%get3A_191] {strides = array<i32>} : memref<5120xi32, #tpu.memory_space<vmem>>, vector<16xi32>,
    %get3A_193 = vector.shape_cast %get3A_192 : vector<16xi32> to vector<16xi32>
    %swap3A_194 = arith.constant 0 : index
    %swap3A_195 = tpu.vector_load %arg10[%swap3A_194] {strides = array<i32>} : memref<80xi32, #tpu.memory_space<vmem>>, vector<16xi32>,
    %swap3A_196 = vector.shape_cast %swap3A_195 : vector<16xi32> to vector<16xi32>
    %swap3A_197 = vector.shape_cast %get3A_193 : vector<16xi32> to vector<16xi32>
    tpu.vector_store %arg10[%swap3A_194], %swap3A_197 {strides = array<i32>} : memref<80xi32, #tpu.memory_space<vmem>>, vector<16xi32>,
    %get3A_198 = arith.constant 4816 : index
    %get3A_199 = tpu.vector_load %arg9[%get3A_198] {strides = array<i32>} : memref<5120xi32, #tpu.memory_space<vmem>>, vector<16xi32>,
    %get3A_200 = vector.shape_cast %get3A_199 : vector<16xi32> to vector<16xi32>
    %swap3A_201 = arith.constant 16 : index
    %swap3A_202 = tpu.vector_load %arg10[%swap3A_201] {strides = array<i32>} : memref<80xi32, #tpu.memory_space<vmem>>, vector<16xi32>,
    %swap3A_203 = vector.shape_cast %swap3A_202 : vector<16xi32> to vector<16xi32>
    %swap3A_204 = vector.shape_cast %get3A_200 : vector<16xi32> to vector<16xi32>
    tpu.vector_store %arg10[%swap3A_201], %swap3A_204 {strides = array<i32>} : memref<80xi32, #tpu.memory_space<vmem>>, vector<16xi32>,
    %get3A_205 = arith.constant 4832 : index
    %get3A_206 = tpu.vector_load %arg9[%get3A_205] {strides = array<i32>} : memref<5120xi32, #tpu.memory_space<vmem>>, vector<16xi32>,
    %get3A_207 = vector.shape_cast %get3A_206 : vector<16xi32> to vector<16xi32>
    %swap3A_208 = arith.constant 32 : index
    %swap3A_209 = tpu.vector_load %arg10[%swap3A_208] {strides = array<i32>} : memref<80xi32, #tpu.memory_space<vmem>>, vector<16xi32>,
    %swap3A_210 = vector.shape_cast %swap3A_209 : vector<16xi32> to vector<16xi32>
    %swap3A_211 = vector.shape_cast %get3A_207 : vector<16xi32> to vector<16xi32>
    tpu.vector_store %arg10[%swap3A_208], %swap3A_211 {strides = array<i32>} : memref<80xi32, #tpu.memory_space<vmem>>, vector<16xi32>,
    %get3A_212 = arith.constant 4848 : index
    %get3A_213 = tpu.vector_load %arg9[%get3A_212] {strides = array<i32>} : memref<5120xi32, #tpu.memory_space<vmem>>, vector<16xi32>,
    %get3A_214 = vector.shape_cast %get3A_213 : vector<16xi32> to vector<16xi32>
    %swap3A_215 = arith.constant 48 : index
    %swap3A_216 = tpu.vector_load %arg10[%swap3A_215] {strides = array<i32>} : memref<80xi32, #tpu.memory_space<vmem>>, vector<16xi32>,
    %swap3A_217 = vector.shape_cast %swap3A_216 : vector<16xi32> to vector<16xi32>
    %swap3A_218 = vector.shape_cast %get3A_214 : vector<16xi32> to vector<16xi32>
    tpu.vector_store %arg10[%swap3A_215], %swap3A_218 {strides = array<i32>} : memref<80xi32, #tpu.memory_space<vmem>>, vector<16xi32>,
    %get3A_219 = arith.constant 4864 : index
    %get3A_220 = tpu.vector_load %arg9[%get3A_219] {strides = array<i32>} : memref<5120xi32, #tpu.memory_space<vmem>>, vector<16xi32>,
    %get3A_221 = vector.shape_cast %get3A_220 : vector<16xi32> to vector<16xi32>
    %swap3A_222 = arith.constant 64 : index
    %swap3A_223 = tpu.vector_load %arg10[%swap3A_222] {strides = array<i32>} : memref<80xi32, #tpu.memory_space<vmem>>, vector<16xi32>,
    %swap3A_224 = vector.shape_cast %swap3A_223 : vector<16xi32> to vector<16xi32>
    %swap3A_225 = vector.shape_cast %get3A_221 : vector<16xi32> to vector<16xi32>
    tpu.vector_store %arg10[%swap3A_222], %swap3A_225 {strides = array<i32>} : memref<80xi32, #tpu.memory_space<vmem>>, vector<16xi32>,
    %dma_wait3A_226 = arith.constant 0 : i32
    %dma_wait3A_227 = tpu.memref_slice %arg8[%dma_wait3A_226] : memref<5120xi32, #tpu.memory_space<vmem>> -> memref<80xi32, #tpu.memory_space<vmem>>
    %dma_wait3A_228 = arith.constant 0 : i32
    %dma_wait3A_229 = arith.constant 0 : i32
    %dma_wait3A_230 = tpu.memref_slice %arg3[%dma_wait3A_228, %dma_wait3A_229] : memref<10000x128xf32, #tpu.memory_space<hbm>> -> memref<10000x128xf32, #tpu.memory_space<hbm>>
    tpu.wait_indirect_dma semaphore(%arg16 : memref<!tpu.dma_semaphore, #tpu.memory_space<semaphore_mem>>) src(%dma_wait3A_230 : memref<10000x128xf32, #tpu.memory_space<hbm>>) dst(%arg12 : memref<80x128xf32, #tpu.memory_space<vmem>>)
    %dma_start3A_231 = arith.constant 0 : i32
    %dma_start3A_232 = arith.constant 0 : i32
    %dma_start3A_233 = tpu.memref_slice %arg15[%dma_start3A_231, %dma_start3A_232] : memref<10240x128xf32, #tpu.memory_space<vmem_shared>> -> memref<10240x128xf32, #tpu.memory_space<vmem_shared>>
    tpu.enqueue_indirect_dma source(%arg12 : memref<80x128xf32, #tpu.memory_space<vmem>>) target(%dma_start3A_233 : memref<10240x128xf32, #tpu.memory_space<vmem_shared>>) offsets(%arg10 : memref<80xi32, #tpu.memory_space<vmem>>) semaphore(%arg18 : memref<!tpu.dma_semaphore, #tpu.memory_space<semaphore_mem>>) {add = true}
    "tpu.region"() ({
      %run_scoped3A_262 = tpu.sem_alloc : memref<!tpu.dma_semaphore, #tpu.memory_space<semaphore_mem>>
      %dma_start3A_263 = arith.constant 0 : i32
      %dma_start3A_264 = tpu.memref_slice %arg21[%dma_start3A_263] : memref<10240xf32, #tpu.memory_space<vmem_shared>> -> memref<10240xf32, #tpu.memory_space<vmem_shared>>
      tpu.enqueue_indirect_dma source(%arg20 : memref<80xf32, #tpu.memory_space<vmem>>) target(%dma_start3A_264 : memref<10240xf32, #tpu.memory_space<vmem_shared>>) offsets(%arg10 : memref<80xi32, #tpu.memory_space<vmem>>) semaphore(%run_scoped3A_262 : memref<!tpu.dma_semaphore, #tpu.memory_space<semaphore_mem>>) {add = true}
      %dma_wait3A_265 = arith.constant 0 : i32
      %dma_wait3A_266 = tpu.memref_slice %arg21[%dma_wait3A_265] : memref<10240xf32, #tpu.memory_space<vmem_shared>> -> memref<10240xf32, #tpu.memory_space<vmem_shared>>
      tpu.wait_indirect_dma semaphore(%run_scoped3A_262 : memref<!tpu.dma_semaphore, #tpu.memory_space<semaphore_mem>>) src(%arg20 : memref<80xf32, #tpu.memory_space<vmem>>) dst(%dma_wait3A_266 : memref<10240xf32, #tpu.memory_space<vmem_shared>>)
      tpu.yield
    }) : () -> ()
    %dma_wait3A_234 = arith.constant 0 : i32
    %dma_wait3A_235 = tpu.memref_slice %arg21[%dma_wait3A_234] : memref<10240xf32, #tpu.memory_space<vmem_shared>> -> memref<10240xf32, #tpu.memory_space<vmem_shared>>
    tpu.wait_indirect_dma semaphore(%arg23 : memref<!tpu.dma_semaphore, #tpu.memory_space<semaphore_mem>>) src(%arg20 : memref<80xf32, #tpu.memory_space<vmem>>) dst(%dma_wait3A_235 : memref<10240xf32, #tpu.memory_space<vmem_shared>>)
    %dma_wait3A_236 = arith.constant 0 : i32
    %dma_wait3A_237 = arith.constant 0 : i32
    %dma_wait3A_238 = tpu.memref_slice %arg15[%dma_wait3A_236, %dma_wait3A_237] : memref<10240x128xf32, #tpu.memory_space<vmem_shared>> -> memref<10240x128xf32, #tpu.memory_space<vmem_shared>>
    tpu.wait_indirect_dma semaphore(%arg18 : memref<!tpu.dma_semaphore, #tpu.memory_space<semaphore_mem>>) src(%arg12 : memref<80x128xf32, #tpu.memory_space<vmem>>) dst(%dma_wait3A_238 : memref<10240x128xf32, #tpu.memory_space<vmem_shared>>)
    %barrier3A_239 = arith.constant 0 : index
    tpu.barrier barrier_id(%barrier3A_239)
    %eq3A = arith.constant 0 : i32
    %eq3A_240 = arith.cmpi eq, %arg0, %eq3A : i32
    %convert_element_type3A = arith.extui %eq3A_240 : i1 to i32
    %cond3A = arith.constant 0 : i32
    %cond3A_241 = arith.cmpi ne, %convert_element_type3A, %cond3A : i32
    scf.if %cond3A_241 {
      "tpu.region"() ({
        %run_scoped3A_262 = tpu.sem_alloc : memref<!tpu.dma_semaphore, #tpu.memory_space<semaphore_mem>>
        %dma_start3A_263 = arith.constant 0 : i32
        %dma_start3A_264 = tpu.memref_slice %arg4[%mul3A_2, %dma_start3A_263] : memref<10240x128xf32, #tpu.memory_space<hbm>> -> memref<640x128xf32, #tpu.memory_space<hbm>>
        %dma_start3A_265 = arith.constant 0 : i32
        %dma_start3A_266 = tpu.memref_slice %arg15[%mul3A_2, %dma_start3A_265] : memref<10240x128xf32, #tpu.memory_space<vmem_shared>> -> memref<640x128xf32, #tpu.memory_space<vmem_shared>>
        tpu.enqueue_dma source(%dma_start3A_266 : memref<640x128xf32, #tpu.memory_space<vmem_shared>>) target(%dma_start3A_264 : memref<640x128xf32, #tpu.memory_space<hbm>>) target_semaphore(%run_scoped3A_262 : memref<!tpu.dma_semaphore, #tpu.memory_space<semaphore_mem>>)
        %dma_wait3A_267 = arith.constant 0 : i32
        %dma_wait3A_268 = tpu.memref_slice %arg4[%mul3A_2, %dma_wait3A_267] : memref<10240x128xf32, #tpu.memory_space<hbm>> -> memref<640x128xf32, #tpu.memory_space<hbm>>
        %dma_wait3A_269 = arith.constant 0 : i32
        %dma_wait3A_270 = tpu.memref_slice %arg15[%mul3A_2, %dma_wait3A_269] : memref<10240x128xf32, #tpu.memory_space<vmem_shared>> -> memref<640x128xf32, #tpu.memory_space<vmem_shared>>
        tpu.wait_dma2 semaphore(%run_scoped3A_262 : memref<!tpu.dma_semaphore, #tpu.memory_space<semaphore_mem>>) src(%dma_wait3A_270 : memref<640x128xf32, #tpu.memory_space<vmem_shared>>) dst(%dma_wait3A_268 : memref<640x128xf32, #tpu.memory_space<hbm>>)
        tpu.yield
      }) : () -> ()
    } else {
    }
    %eq3A_242 = arith.constant 1 : i32
    %eq3A_243 = arith.cmpi eq, %arg0, %eq3A_242 : i32
    %convert_element_type3A_244 = arith.extui %eq3A_243 : i1 to i32
    %cond3A_245 = arith.constant 0 : i32
    %cond3A_246 = arith.cmpi ne, %convert_element_type3A_244, %cond3A_245 : i32
    scf.if %cond3A_246 {
      "tpu.region"() ({
        %run_scoped3A_262 = tpu.sem_alloc : memref<!tpu.dma_semaphore, #tpu.memory_space<semaphore_mem>>
        %dma_start3A_263 = arith.constant 0 : i32
        %dma_start3A_264 = tpu.memref_slice %arg5[%mul3A_2, %dma_start3A_263] : memref<10240x128xf32, #tpu.memory_space<hbm>> -> memref<640x128xf32, #tpu.memory_space<hbm>>
        %dma_start3A_265 = arith.constant 0 : i32
        %dma_start3A_266 = tpu.memref_slice %arg15[%mul3A_2, %dma_start3A_265] : memref<10240x128xf32, #tpu.memory_space<vmem_shared>> -> memref<640x128xf32, #tpu.memory_space<vmem_shared>>
        tpu.enqueue_dma source(%dma_start3A_266 : memref<640x128xf32, #tpu.memory_space<vmem_shared>>) target(%dma_start3A_264 : memref<640x128xf32, #tpu.memory_space<hbm>>) target_semaphore(%run_scoped3A_262 : memref<!tpu.dma_semaphore, #tpu.memory_space<semaphore_mem>>)
        %dma_wait3A_267 = arith.constant 0 : i32
        %dma_wait3A_268 = tpu.memref_slice %arg5[%mul3A_2, %dma_wait3A_267] : memref<10240x128xf32, #tpu.memory_space<hbm>> -> memref<640x128xf32, #tpu.memory_space<hbm>>
        %dma_wait3A_269 = arith.constant 0 : i32
        %dma_wait3A_270 = tpu.memref_slice %arg15[%mul3A_2, %dma_wait3A_269] : memref<10240x128xf32, #tpu.memory_space<vmem_shared>> -> memref<640x128xf32, #tpu.memory_space<vmem_shared>>
        tpu.wait_dma2 semaphore(%run_scoped3A_262 : memref<!tpu.dma_semaphore, #tpu.memory_space<semaphore_mem>>) src(%dma_wait3A_270 : memref<640x128xf32, #tpu.memory_space<vmem_shared>>) dst(%dma_wait3A_268 : memref<640x128xf32, #tpu.memory_space<hbm>>)
        tpu.yield
      }) : () -> ()
    } else {
    }
    %eq3A_247 = arith.constant 0 : i32
    %eq3A_248 = arith.cmpi eq, %arg1, %eq3A_247 : i32
    %eq3A_249 = arith.constant 0 : i32
    %eq3A_250 = arith.cmpi eq, %arg0, %eq3A_249 : i32
    %and3A = arith.andi %eq3A_248, %eq3A_250 : i1
    %convert_element_type3A_251 = arith.extui %and3A : i1 to i32
    %cond3A_252 = arith.constant 0 : i32
    %cond3A_253 = arith.cmpi ne, %convert_element_type3A_251, %cond3A_252 : i32
    scf.if %cond3A_253 {
      "tpu.region"() ({
        %run_scoped3A_262 = tpu.sem_alloc : memref<!tpu.dma_semaphore, #tpu.memory_space<semaphore_mem>>
        tpu.enqueue_dma source(%arg21 : memref<10240xf32, #tpu.memory_space<vmem_shared>>) target(%arg6 : memref<10240xf32, #tpu.memory_space<hbm>>) target_semaphore(%run_scoped3A_262 : memref<!tpu.dma_semaphore, #tpu.memory_space<semaphore_mem>>)
        tpu.wait_dma2 semaphore(%run_scoped3A_262 : memref<!tpu.dma_semaphore, #tpu.memory_space<semaphore_mem>>) src(%arg21 : memref<10240xf32, #tpu.memory_space<vmem_shared>>) dst(%arg6 : memref<10240xf32, #tpu.memory_space<hbm>>)
        tpu.yield
      }) : () -> ()
    } else {
    }
    %eq3A_254 = arith.constant 0 : i32
    %eq3A_255 = arith.cmpi eq, %arg1, %eq3A_254 : i32
    %eq3A_256 = arith.constant 1 : i32
    %eq3A_257 = arith.cmpi eq, %arg0, %eq3A_256 : i32
    %and3A_258 = arith.andi %eq3A_255, %eq3A_257 : i1
    %convert_element_type3A_259 = arith.extui %and3A_258 : i1 to i32
    %cond3A_260 = arith.constant 0 : i32
    %cond3A_261 = arith.cmpi ne, %convert_element_type3A_259, %cond3A_260 : i32
    scf.if %cond3A_261 {
      "tpu.region"() ({
        %run_scoped3A_262 = tpu.sem_alloc : memref<!tpu.dma_semaphore, #tpu.memory_space<semaphore_mem>>
        tpu.enqueue_dma source(%arg21 : memref<10240xf32, #tpu.memory_space<vmem_shared>>) target(%arg7 : memref<10240xf32, #tpu.memory_space<hbm>>) target_semaphore(%run_scoped3A_262 : memref<!tpu.dma_semaphore, #tpu.memory_space<semaphore_mem>>)
        tpu.wait_dma2 semaphore(%run_scoped3A_262 : memref<!tpu.dma_semaphore, #tpu.memory_space<semaphore_mem>>) src(%arg21 : memref<10240xf32, #tpu.memory_space<vmem_shared>>) dst(%arg7 : memref<10240xf32, #tpu.memory_space<hbm>>)
        tpu.yield
      }) : () -> ()
    } else {
    }
    return
  }
}

module attributes {stable_mosaic.version = 14 : i64} {
  func.func @body(%arg0: i32, %arg1: memref<2000x128xf32, #tpu.memory_space<vmem>>, %arg2: memref<2000x128xf32, #tpu.memory_space<vmem>>, %arg3: memref<2000x1xf32, #tpu.memory_space<vmem>>, %arg4: memref<2000x1xf32, #tpu.memory_space<vmem>>, %arg5: memref<2000x128xf32, #tpu.memory_space<vmem>>, %arg6: memref<128x128xf32, #tpu.memory_space<vmem>>, %arg7: memref<128x128xf32, #tpu.memory_space<vmem>>, %arg8: memref<1x128xf32, #tpu.memory_space<vmem>>, %arg9: memref<2000x128xf32, #tpu.memory_space<vmem>>) attributes {dimension_semantics = [#tpu.dimension_semantics<arbitrary>], iteration_bounds = array<i64: 5>, scalar_prefetch = 0 : i64, scratch_operands = 0 : i64, tpu.core_type = #tpu.core_type<tc>, window_params = [{transform_indices = @transform_0, window_bounds = array<i64: 2000, 128>}, {transform_indices = @transform_1, window_bounds = array<i64: 2000, 128>}, {transform_indices = @transform_2, window_bounds = array<i64: 2000, 1>}, {transform_indices = @transform_3, window_bounds = array<i64: 2000, 1>}, {transform_indices = @transform_4, window_bounds = array<i64: 2000, 128>}, {pipeline_mode = #tpu.pipeline_mode<synchronous>, transform_indices = @transform_5, window_bounds = array<i64: 128, 128>}, {pipeline_mode = #tpu.pipeline_mode<synchronous>, transform_indices = @transform_6, window_bounds = array<i64: 128, 128>}, {pipeline_mode = #tpu.pipeline_mode<synchronous>, transform_indices = @transform_7, window_bounds = array<i64: 1, 128>}, {transform_indices = @transform_8, window_bounds = array<i64: 2000, 128>}]} {
    %get3A = arith.constant 0 : index
    %get3A_0 = arith.constant 0 : index
    %get3A_1 = vector.load %arg1[%get3A, %get3A_0] : memref<2000x128xf32, #tpu.memory_space<vmem>>, vector<2000x128xf32>
    %get3A_2 = arith.constant 0 : index
    %get3A_3 = arith.constant 0 : index
    %get3A_4 = vector.load %arg2[%get3A_2, %get3A_3] : memref<2000x128xf32, #tpu.memory_space<vmem>>, vector<2000x128xf32>
    %add3A = arith.addf %get3A_1, %get3A_4 : vector<2000x128xf32>
    %get3A_5 = arith.constant 0 : index
    %get3A_6 = arith.constant 0 : index
    %get3A_7 = vector.load %arg3[%get3A_5, %get3A_6] : memref<2000x1xf32, #tpu.memory_space<vmem>>, vector<2000x1xf32>
    %get3A_8 = arith.constant 0 : index
    %get3A_9 = arith.constant 0 : index
    %get3A_10 = vector.load %arg4[%get3A_8, %get3A_9] : memref<2000x1xf32, #tpu.memory_space<vmem>>, vector<2000x1xf32>
    %add3A_11 = arith.addf %get3A_7, %get3A_10 : vector<2000x1xf32>
    %max3A = arith.constant 1.000000e+00 : f32
    %max3A_12 = vector.broadcast %max3A : f32 to vector<2000x1xf32>
    %max3A_13 = arith.maximumf %add3A_11, %max3A_12 : vector<2000x1xf32>
    %div3A = vector.broadcast %max3A_13 : vector<2000x1xf32> to vector<2000x128xf32>
    %div3A_14 = arith.divf %add3A, %div3A : vector<2000x128xf32>
    %get3A_15 = arith.constant 0 : index
    %get3A_16 = arith.constant 0 : index
    %get3A_17 = vector.load %arg6[%get3A_15, %get3A_16] : memref<128x128xf32, #tpu.memory_space<vmem>>, vector<128x128xf32>
    %dot_general3A = arith.constant dense<0.000000e+00> : vector<2000x128xf32>
    %dot_general3A_18 = tpu.matmul %div3A_14, %get3A_17, %dot_general3A {dimension_numbers = #tpu.dot_dimension_numbers<[1], [0], [0], [1], [0, 0, 1, 1], [], []>, transpose_lhs_hint = false} : vector<2000x128xf32>, vector<128x128xf32>, vector<2000x128xf32> -> vector<2000x128xf32>
    %get3A_19 = arith.constant 0 : index
    %get3A_20 = arith.constant 0 : index
    %get3A_21 = vector.load %arg5[%get3A_19, %get3A_20] : memref<2000x128xf32, #tpu.memory_space<vmem>>, vector<2000x128xf32>
    %get3A_22 = arith.constant 0 : index
    %get3A_23 = arith.constant 0 : index
    %get3A_24 = vector.load %arg7[%get3A_22, %get3A_23] : memref<128x128xf32, #tpu.memory_space<vmem>>, vector<128x128xf32>
    %dot_general3A_25 = arith.constant dense<0.000000e+00> : vector<2000x128xf32>
    %dot_general3A_26 = tpu.matmul %get3A_21, %get3A_24, %dot_general3A_25 {dimension_numbers = #tpu.dot_dimension_numbers<[1], [0], [0], [1], [0, 0, 1, 1], [], []>, transpose_lhs_hint = false} : vector<2000x128xf32>, vector<128x128xf32>, vector<2000x128xf32> -> vector<2000x128xf32>
    %add3A_27 = arith.addf %dot_general3A_18, %dot_general3A_26 : vector<2000x128xf32>
    %get3A_28 = arith.constant 0 : index
    %get3A_29 = arith.constant 0 : index
    %get3A_30 = vector.load %arg8[%get3A_28, %get3A_29] : memref<1x128xf32, #tpu.memory_space<vmem>>, vector<1x128xf32>
    %add3A_31 = vector.broadcast %get3A_30 : vector<1x128xf32> to vector<2000x128xf32>
    %add3A_32 = arith.addf %add3A_27, %add3A_31 : vector<2000x128xf32>
    %max3A_33 = arith.constant 0.000000e+00 : f32
    %max3A_34 = vector.broadcast %max3A_33 : f32 to vector<2000x128xf32>
    %max3A_35 = arith.maximumf %add3A_32, %max3A_34 : vector<2000x128xf32>
    %swap3A = arith.constant 0 : index
    %swap3A_36 = arith.constant 0 : index
    %swap3A_37 = vector.load %arg9[%swap3A, %swap3A_36] : memref<2000x128xf32, #tpu.memory_space<vmem>>, vector<2000x128xf32>
    tpu.vector_store %arg9[%swap3A, %swap3A_36], %max3A_35 {strides = array<i32>} : memref<2000x128xf32, #tpu.memory_space<vmem>>, vector<2000x128xf32>,
    return
  }
  func.func @transform_0(%arg0: i32) -> (i32, i32) {
    %c0_i32 = arith.constant 0 : i32
    %c0_i32_0 = arith.constant 0 : i32
    return %arg0, %c0_i32 : i32, i32
  }
  func.func @transform_1(%arg0: i32) -> (i32, i32) {
    %c0_i32 = arith.constant 0 : i32
    %c0_i32_0 = arith.constant 0 : i32
    return %arg0, %c0_i32 : i32, i32
  }
  func.func @transform_2(%arg0: i32) -> (i32, i32) {
    %c0_i32 = arith.constant 0 : i32
    %c0_i32_0 = arith.constant 0 : i32
    return %arg0, %c0_i32 : i32, i32
  }
  func.func @transform_3(%arg0: i32) -> (i32, i32) {
    %c0_i32 = arith.constant 0 : i32
    %c0_i32_0 = arith.constant 0 : i32
    return %arg0, %c0_i32 : i32, i32
  }
  func.func @transform_4(%arg0: i32) -> (i32, i32) {
    %c0_i32 = arith.constant 0 : i32
    %c0_i32_0 = arith.constant 0 : i32
    return %arg0, %c0_i32 : i32, i32
  }
  func.func @transform_5(%arg0: i32) -> (i32, i32) {
    %c0_i32 = arith.constant 0 : i32
    %c0_i32_0 = arith.constant 0 : i32
    %c0_i32_1 = arith.constant 0 : i32
    return %c0_i32, %c0_i32_0 : i32, i32
  }
  func.func @transform_6(%arg0: i32) -> (i32, i32) {
    %c0_i32 = arith.constant 0 : i32
    %c0_i32_0 = arith.constant 0 : i32
    %c0_i32_1 = arith.constant 0 : i32
    return %c0_i32, %c0_i32_0 : i32, i32
  }
  func.func @transform_7(%arg0: i32) -> (i32, i32) {
    %c0_i32 = arith.constant 0 : i32
    %c0_i32_0 = arith.constant 0 : i32
    %c0_i32_1 = arith.constant 0 : i32
    return %c0_i32, %c0_i32_0 : i32, i32
  }
  func.func @transform_8(%arg0: i32) -> (i32, i32) {
    %c0_i32 = arith.constant 0 : i32
    %c0_i32_0 = arith.constant 0 : i32
    return %arg0, %c0_i32 : i32, i32
  }
}

module attributes {stable_mosaic.version = 14 : i64} {
  func.func @body(%arg0: i32, %arg1: memref<2000x128xf32, #tpu.memory_space<vmem>>, %arg2: memref<2000x128xf32, #tpu.memory_space<vmem>>, %arg3: memref<2000x1xf32, #tpu.memory_space<vmem>>, %arg4: memref<2000x1xf32, #tpu.memory_space<vmem>>, %arg5: memref<2000x128xf32, #tpu.memory_space<vmem>>, %arg6: memref<128x128xf32, #tpu.memory_space<vmem>>, %arg7: memref<128x128xf32, #tpu.memory_space<vmem>>, %arg8: memref<1x128xf32, #tpu.memory_space<vmem>>, %arg9: memref<2000x128xf32, #tpu.memory_space<vmem>>) attributes {dimension_semantics = [#tpu.dimension_semantics<arbitrary>], iteration_bounds = array<i64: 5>, scalar_prefetch = 0 : i64, scratch_operands = 0 : i64, tpu.core_type = #tpu.core_type<tc>, window_params = [{transform_indices = @transform_0, window_bounds = array<i64: 2000, 128>}, {transform_indices = @transform_1, window_bounds = array<i64: 2000, 128>}, {transform_indices = @transform_2, window_bounds = array<i64: 2000, 1>}, {transform_indices = @transform_3, window_bounds = array<i64: 2000, 1>}, {transform_indices = @transform_4, window_bounds = array<i64: 2000, 128>}, {pipeline_mode = #tpu.pipeline_mode<synchronous>, transform_indices = @transform_5, window_bounds = array<i64: 128, 128>}, {pipeline_mode = #tpu.pipeline_mode<synchronous>, transform_indices = @transform_6, window_bounds = array<i64: 128, 128>}, {pipeline_mode = #tpu.pipeline_mode<synchronous>, transform_indices = @transform_7, window_bounds = array<i64: 1, 128>}, {transform_indices = @transform_8, window_bounds = array<i64: 2000, 128>}]} {
    %get3A = arith.constant 0 : index
    %get3A_0 = arith.constant 0 : index
    %get3A_1 = vector.load %arg1[%get3A, %get3A_0] : memref<2000x128xf32, #tpu.memory_space<vmem>>, vector<2000x128xf32>
    %get3A_2 = arith.constant 0 : index
    %get3A_3 = arith.constant 0 : index
    %get3A_4 = vector.load %arg2[%get3A_2, %get3A_3] : memref<2000x128xf32, #tpu.memory_space<vmem>>, vector<2000x128xf32>
    %add3A = arith.addf %get3A_1, %get3A_4 : vector<2000x128xf32>
    %get3A_5 = arith.constant 0 : index
    %get3A_6 = arith.constant 0 : index
    %get3A_7 = vector.load %arg3[%get3A_5, %get3A_6] : memref<2000x1xf32, #tpu.memory_space<vmem>>, vector<2000x1xf32>
    %get3A_8 = arith.constant 0 : index
    %get3A_9 = arith.constant 0 : index
    %get3A_10 = vector.load %arg4[%get3A_8, %get3A_9] : memref<2000x1xf32, #tpu.memory_space<vmem>>, vector<2000x1xf32>
    %add3A_11 = arith.addf %get3A_7, %get3A_10 : vector<2000x1xf32>
    %max3A = arith.constant 1.000000e+00 : f32
    %max3A_12 = vector.broadcast %max3A : f32 to vector<2000x1xf32>
    %max3A_13 = arith.maximumf %add3A_11, %max3A_12 : vector<2000x1xf32>
    %div3A = vector.broadcast %max3A_13 : vector<2000x1xf32> to vector<2000x128xf32>
    %div3A_14 = arith.divf %add3A, %div3A : vector<2000x128xf32>
    %get3A_15 = arith.constant 0 : index
    %get3A_16 = arith.constant 0 : index
    %get3A_17 = vector.load %arg6[%get3A_15, %get3A_16] : memref<128x128xf32, #tpu.memory_space<vmem>>, vector<128x128xf32>
    %dot_general3A = arith.constant dense<0.000000e+00> : vector<2000x128xf32>
    %dot_general3A_18 = tpu.matmul %div3A_14, %get3A_17, %dot_general3A {dimension_numbers = #tpu.dot_dimension_numbers<[1], [0], [0], [1], [0, 0, 1, 1], [], []>, transpose_lhs_hint = false} : vector<2000x128xf32>, vector<128x128xf32>, vector<2000x128xf32> -> vector<2000x128xf32>
    %get3A_19 = arith.constant 0 : index
    %get3A_20 = arith.constant 0 : index
    %get3A_21 = vector.load %arg5[%get3A_19, %get3A_20] : memref<2000x128xf32, #tpu.memory_space<vmem>>, vector<2000x128xf32>
    %get3A_22 = arith.constant 0 : index
    %get3A_23 = arith.constant 0 : index
    %get3A_24 = vector.load %arg7[%get3A_22, %get3A_23] : memref<128x128xf32, #tpu.memory_space<vmem>>, vector<128x128xf32>
    %dot_general3A_25 = arith.constant dense<0.000000e+00> : vector<2000x128xf32>
    %dot_general3A_26 = tpu.matmul %get3A_21, %get3A_24, %dot_general3A_25 {dimension_numbers = #tpu.dot_dimension_numbers<[1], [0], [0], [1], [0, 0, 1, 1], [], []>, transpose_lhs_hint = false} : vector<2000x128xf32>, vector<128x128xf32>, vector<2000x128xf32> -> vector<2000x128xf32>
    %add3A_27 = arith.addf %dot_general3A_18, %dot_general3A_26 : vector<2000x128xf32>
    %get3A_28 = arith.constant 0 : index
    %get3A_29 = arith.constant 0 : index
    %get3A_30 = vector.load %arg8[%get3A_28, %get3A_29] : memref<1x128xf32, #tpu.memory_space<vmem>>, vector<1x128xf32>
    %add3A_31 = vector.broadcast %get3A_30 : vector<1x128xf32> to vector<2000x128xf32>
    %add3A_32 = arith.addf %add3A_27, %add3A_31 : vector<2000x128xf32>
    %swap3A = arith.constant 0 : index
    %swap3A_33 = arith.constant 0 : index
    %swap3A_34 = vector.load %arg9[%swap3A, %swap3A_33] : memref<2000x128xf32, #tpu.memory_space<vmem>>, vector<2000x128xf32>
    tpu.vector_store %arg9[%swap3A, %swap3A_33], %add3A_32 {strides = array<i32>} : memref<2000x128xf32, #tpu.memory_space<vmem>>, vector<2000x128xf32>,
    return
  }
  func.func @transform_0(%arg0: i32) -> (i32, i32) {
    %c0_i32 = arith.constant 0 : i32
    %c0_i32_0 = arith.constant 0 : i32
    return %arg0, %c0_i32 : i32, i32
  }
  func.func @transform_1(%arg0: i32) -> (i32, i32) {
    %c0_i32 = arith.constant 0 : i32
    %c0_i32_0 = arith.constant 0 : i32
    return %arg0, %c0_i32 : i32, i32
  }
  func.func @transform_2(%arg0: i32) -> (i32, i32) {
    %c0_i32 = arith.constant 0 : i32
    %c0_i32_0 = arith.constant 0 : i32
    return %arg0, %c0_i32 : i32, i32
  }
  func.func @transform_3(%arg0: i32) -> (i32, i32) {
    %c0_i32 = arith.constant 0 : i32
    %c0_i32_0 = arith.constant 0 : i32
    return %arg0, %c0_i32 : i32, i32
  }
  func.func @transform_4(%arg0: i32) -> (i32, i32) {
    %c0_i32 = arith.constant 0 : i32
    %c0_i32_0 = arith.constant 0 : i32
    return %arg0, %c0_i32 : i32, i32
  }
  func.func @transform_5(%arg0: i32) -> (i32, i32) {
    %c0_i32 = arith.constant 0 : i32
    %c0_i32_0 = arith.constant 0 : i32
    %c0_i32_1 = arith.constant 0 : i32
    return %c0_i32, %c0_i32_0 : i32, i32
  }
  func.func @transform_6(%arg0: i32) -> (i32, i32) {
    %c0_i32 = arith.constant 0 : i32
    %c0_i32_0 = arith.constant 0 : i32
    %c0_i32_1 = arith.constant 0 : i32
    return %c0_i32, %c0_i32_0 : i32, i32
  }
  func.func @transform_7(%arg0: i32) -> (i32, i32) {
    %c0_i32 = arith.constant 0 : i32
    %c0_i32_0 = arith.constant 0 : i32
    %c0_i32_1 = arith.constant 0 : i32
    return %c0_i32, %c0_i32_0 : i32, i32
  }
  func.func @transform_8(%arg0: i32) -> (i32, i32) {
    %c0_i32 = arith.constant 0 : i32
    %c0_i32_0 = arith.constant 0 : i32
    return %arg0, %c0_i32 : i32, i32
  }
}

</mosaic_0001>

<sc_bundles>
// kernel: kernel.6.cloned.1.call-start
scs
__scs_entry_jumppad:
0x0: {  	(pc) =	sbr.rel $0x88, $3  }
0x1: {  	(tag) =	ssettag $0x0;
	lr =	simm.s32 $0x1  }
0x2: {  	[smem:$0x3F99] =	sst lr;
	_ =	strace $0xD0000000  }
0x3: {  	_ = 	snop  }
0x4: {  	_ = 	snop  }
0x5: {  	_ = 	snop  }
0x6: {  	_ = 	snop  }
0x7: {  	_ = 	snop  }
__scs_overlays_trampoline_lowered:
0x8: {  	[smem:$0x3FA8] =	sst s0  }
0x9: {  	[smem:$0x3FA9] =	sst s1  }
0xa: {  	[smem:$0x3FAA] =	sst s2  }
0xb: {  	[smem:$0x3FAB] =	sst s3  }
0xc: {  	[smem:$0x3FAC] =	sst s4  }
0xd: {  	[smem:$0x3FAD] =	sst s5  }
0xe: {  	[smem:$0x3FAE] =	sst s6  }
0xf: {  	[smem:$0x3FAF] =	sst s7  }
0x10: {  	[smem:$0x3FB0] =	sst s8  }
0x11: {  	[smem:$0x3FB1] =	sst s9;
	s0 =	simm.s32 @!p0 $0x0  }
0x12: {  	s1 =	sld [smem:$0x3F97];
	s0 =	simm.s32 @p0 $0x1  }
0x13: {  	[smem:$0x3FB2] =	sst s0;
	s0 =	simm.s32 @!p1 $0x0  }
0x14: {  	s2 =	sld [smem:$0x3F96];
	s0 =	simm.s32 @p1 $0x1  }
0x15: {  	[smem:$0x3FB3] =	sst s0;
	s0 =	simm.s32 @!p2 $0x0  }
0x16: {  	s3 =	sld [smem:$0x3FDB];
	s0 =	simm.s32 @p2 $0x1  }
0x17: {  	s4 =	simm.s32 $0x1BF5;
	[smem:$0x3FB5] =	sst s0  }
0x18: {  	s0 =	sld [smem:$0x3F98];
	_ =	swait.ge [sflag:s4], $0x0  }
0x19: {  	s7 =	sld [smem:$0x3F99]  }
0x1a: {  	s8 =	sadd.s32 $0xFFFFE003, lr  }
0x1b: {  	s9 =	sadd.s32 $0xFFFFFEF7, lr;
	s5 =	simm.s32 $0xFFFFFFFF;
	p2 =	slt.u32 s8, $0xFFFFF086  }
0x1c: {  	p1 =	slt.u32 s9, $0xF7A;
	s5 =	simm.s32 @!p2 $0x0  }
0x1d: {  	s5 =	simm.s32 @p1 $0x1;
	p0 =	seq.s32 s7, s2  }
0x1e: {  	s7 =	smul.u32 @!p0 $0xF7A, s2;
	p2 =	seq.s32 @!p0 s5, $0x0  }
0x1f: {  	s9 =	smul.u32 $0xF7A, s1;
	s8 =	simm.s32 @!p0 $0x1BF5;
	p2 =	por !p2, p0  }
0x20: {  	[sflag:s8] =	ssyncset.s32 @!p0 $0xFFFFF086;
	s6 =	sadd.s32 @!p0 s3, s7;
	s7 =	simm.s32 @!p0 $0x108  }
0x21: {  	s3 =	sadd.s32 s3, s9;
	s6 =	sadd.s32 @!p0 $0x88, s6;
	s7 =	simm.s32 @p2 $0x1082  }
0x22: {  	[simem:s7], [sflag:s8] =	dma.local @!p0 [hbm:s6], $0xF7A  }
0x23: {  	s9 =	sor.u32 $0xD0000000, s2;
	s6 =	simm.s32 $0x108;
	_ =	swait.ge @!p0 [sflag:s8], $0x0  }
0x24: {  	s3 =	sadd.s32 $0x88, s3;
	s6 =	simm.s32 @!p1 $0x1082;
	[sflag:s4] =	ssyncset.s32 $0xFFFFF086  }
0x25: {  	[simem:s6], [sflag:s4] =	dma.local [hbm:s3], $0xF7A  }
0x26: {  	[smem:$0x3F99] =	sst s1;
	(tag) =	ssettag s2;
	_ =	strace s9  }
0x27: {  	s1 =	sld [smem:$0x3FA9]  }
0x28: {  	s2 =	sld [smem:$0x3FAA]  }
0x29: {  	s4 =	sld [smem:$0x3FAC]  }
0x2a: {  	p0 =	seq.s32 s5, $0x0;
	s5 =	sld [smem:$0x3FAD]  }
0x2b: {  	s6 =	sld [smem:$0x3FAE]  }
0x2c: {  	s7 =	sld [smem:$0x3FAF]  }
0x2d: {  	s3 =	simm.s32 $0x108;
	s8 =	sld [smem:$0x3FB0]  }
0x2e: {  	s3 =	simm.s32 @!p0 $0x1082;
	s9 =	sld [smem:$0x3FB1]  }
0x2f: {  	lr =	sadd.s32 s0, s3;
	s0 =	sld [smem:$0x3FA8]  }
0x30: {  	s3 =	sld [smem:$0x3FAB]  }
0x31: {  	[smem:$0x3FB4] =	sst s10  }
0x32: {  	s10 =	sld [smem:$0x3FB2];
	_ =	sdelay $0x3  }
0x33: {  	p0 =	seq.s32 s10, $0x1;
	s10 =	sld [smem:$0x3FB4];
	_ =	sdelay $0x3  }
0x34: {  	[smem:$0x3FB4] =	sst s10  }
0x35: {  	s10 =	sld [smem:$0x3FB3];
	_ =	sdelay $0x3  }
0x36: {  	p1 =	seq.s32 s10, $0x1;
	s10 =	sld [smem:$0x3FB4];
	_ =	sdelay $0x3  }
0x37: {  	[smem:$0x3FB4] =	sst s10  }
0x38: {  	s10 =	sld [smem:$0x3FB5]  }
0x39: {  	_ = 	snop;
	(pc) =	sbr.ind lr, $3  }
0x3a: {  	_ = 	snop  }
0x3b: {  	_ = 	snop  }
0x3c: {  	p2 =	seq.s32 s10, $0x1;
	s10 =	sld [smem:$0x3FB4]  }
0x3d: {  	_ =	shalt  }
0x3e: {  	_ =	shalt  }
0x3f: {  	_ =	shalt  }
0x40: {  	_ =	shalt  }
0x41: {  	_ =	shalt  }
0x42: {  	_ =	shalt  }
0x43: {  	_ =	shalt  }
0x44: {  	_ =	shalt  }
0x45: {  	_ =	shalt  }
0x46: {  	_ =	shalt  }
0x47: {  	_ =	shalt  }
0x48: {  	_ =	shalt  }
0x49: {  	_ =	shalt  }
0x4a: {  	_ =	shalt  }
0x4b: {  	_ =	shalt  }
0x4c: {  	_ =	shalt  }
0x4d: {  	_ =	shalt  }
0x4e: {  	_ =	shalt  }
0x4f: {  	_ =	shalt  }
0x50: {  	_ =	shalt  }
0x51: {  	_ =	shalt  }
0x52: {  	_ =	shalt  }
0x53: {  	_ =	shalt  }
0x54: {  	_ =	shalt  }
0x55: {  	_ =	shalt  }
0x56: {  	_ =	shalt  }
0x57: {  	_ =	shalt  }
0x58: {  	_ =	shalt  }
0x59: {  	_ =	shalt  }
0x5a: {  	_ =	shalt  }
0x5b: {  	_ =	shalt  }
0x5c: {  	_ =	shalt  }
0x5d: {  	_ =	shalt  }
0x5e: {  	_ =	shalt  }
0x5f: {  	_ =	shalt  }
0x60: {  	_ =	shalt  }
0x61: {  	_ =	shalt  }
0x62: {  	_ =	shalt  }
0x63: {  	_ =	shalt  }
0x64: {  	_ =	shalt  }
0x65: {  	_ =	shalt  }
0x66: {  	_ =	shalt  }
0x67: {  	_ =	shalt  }
0x68: {  	_ =	shalt  }
0x69: {  	_ =	shalt  }
0x6a: {  	_ =	shalt  }
0x6b: {  	_ =	shalt  }
0x6c: {  	_ =	shalt  }
0x6d: {  	_ =	shalt  }
0x6e: {  	_ =	shalt  }
0x6f: {  	_ =	shalt  }
0x70: {  	_ =	shalt  }
0x71: {  	_ =	shalt  }
0x72: {  	_ =	shalt  }
0x73: {  	_ =	shalt  }
0x74: {  	_ =	shalt  }
0x75: {  	_ =	shalt  }
0x76: {  	_ =	shalt  }
0x77: {  	_ =	shalt  }
0x78: {  	_ =	shalt  }
0x79: {  	_ =	shalt  }
0x7a: {  	_ =	shalt  }
0x7b: {  	_ =	shalt  }
0x7c: {  	_ =	shalt  }
0x7d: {  	_ =	shalt  }
0x7e: {  	_ =	shalt  }
0x7f: {  	_ =	shalt  }
0x80: {  	_ =	shalt  }
0x81: {  	_ =	shalt  }
0x82: {  	_ =	shalt  }
0x83: {  	_ =	shalt  }
0x84: {  	_ =	shalt  }
0x85: {  	_ =	shalt  }
0x86: {  	_ =	shalt  }
0x87: {  	_ =	shalt  }
.Lfunc_end0:
.L_simem_size_0:
called_computation_lowered:
.L_overlay_start_0:
0x88: {  	s2 =	sld [smem:$0x3FD9]  }
0x89: {  	s3 =	sld [smem:$0x3FFE];
	_ =	sdelay $0x1  }
0x8a: {  	s1 =	srdreg.scid  }
0x8b: {  	s0 =	sand.u32 $0x1, s1  }
0x8c: {  	s17 =	sshll.u32 s0, $0xA;
	s2 =	sadd.s32 s3, s2  }
0x8d: {  	s2 =	sadd.s32 s2, s17  }
0x8e: {  	[smem:$0x3FC0] =	sst s2  }
0x8f: {  	_ = 	snop  }
0x90: {  	s2 =	sld [smem:$0x3FC9]  }
0x91: {  	s18 =	sld [smem:$0x3FD0];
	(tm) =	ssettm $0x1  }
0x92: {  	s4 =	sld [smem:$0x3FFB];
	_ =	sdelay $0x3  }
0x93: {  	_ =	strace s4  }
0x94: {  	s4 =	sld [smem:$0x3FFC];
	_ =	sdelay $0x3  }
0x95: {  	_ =	strace s4  }
0x96: {  	s4 =	sld [smem:$0x3FFD];
	_ =	sdelay $0x3  }
0x97: {  	_ =	strace s4  }
0x98: {  	_ =	strace $0x8FFFFFFF  }
0x99: {  	s19 =	sld [smem:$0x3FDB];
	_ =	sdelay $0x1  }
0x9a: {  	s5 =	simm.s32 $_scs_section_size  }
0x9b: {  	s6 =	simm.s32 $_size__tile_overlayer_lowered;
	s7 =	simm.s32 $_tile_overlayer_lowered  }
0x9c: {  	s22 =	simm.s32 $0x1BFF;
	s21 =	sshll.u32 s7, $0x1;
	s4 =	sadd.s32 s5, s19  }
0x9d: {  	s8 =	simm.s32 $0x0;
	s20 =	sshll.u32 s6, $0x1;
	s6 =	sadd.s32 s21, s4  }
0x9e: {  	[timem:s8], [sflag:s22] =	dma.local [hbm:s6], s20  }
0x9f: {  	_ =	swait.ge [sflag:s22], s20  }
0xa0: {  	s5 =	ssub.s32 $0x0, s20;
	[sflag:s22] =	ssyncset.done $0x0  }
0xa1: {  	[sflag:s22] =	ssyncadd.s32 s5;
	_ =	sdelay $0x1  }
0xa2: {  	s23 =	simm.s32 $0x1B8B  }
0xa3: {  	_ =	swait.ge [sflag:s23], $0x1  }
0xa4: {  	[sflag:s23] =	ssyncset.done $0x0  }
0xa5: {  	s25 =	simm.s32 $0x1B8E;
	s24 =	sld [smem:$0x3FFE];
	[sflag:s23] =	ssyncadd.s32 $0xFFFFFFFF  }
0xa6: {  	s26 =	simm.s32 $execute0_lowered;
	[smem:$0x3FD2] =	sst s25  }
0xa7: {  	s6 =	sshll.u32 s26, $0x1;
	_ =	strace $0x80000046;
	[dreg:$0x1] =	wrdreg $0xFFFFFFFF  }
0xa8: {  	s28 =	simm.s32 $_size_execute0_lowered;
	s4 =	sadd.s32 s4, s6;
	[dreg:$0x0] =	wrdreg $0x0  }
0xa9: {  	s6 =	sshll.u32 s28, $0x1;
	[dreg:$0x2] =	wrdreg s4  }
0xaa: {  	[dreg:$0x3] =	wrdreg s6  }
0xab: {  	[dreg:$0x4] =	wrdreg $0xC0  }
0xac: {  	_ =	task [dreg:s8], $0x5FFFF  }
0xad: {  	[dreg:$0x1] =	wrdreg $0xFFFFFFFF  }
0xae: {  	[dreg:$0x0] =	wrdreg $0x60  }
0xaf: {  	[dreg:$0x2] =	wrdreg s24  }
0xb0: {  	[dreg:$0x3] =	wrdreg s2  }
0xb1: {  	[dreg:$0x4] =	wrdreg s18  }
0xb2: {  	[dreg:$0x5] =	wrdreg $0x81000  }
0xb3: {  	[dreg:$0x6] =	wrdreg $0x1C1800  }
0xb4: {  	[dreg:$0x7] =	wrdreg $0x9  }
0xb5: {  	_ =	task.clear_ibuf [dreg:s8], $0x8FFFF;
	_ =	strace $0x90000046  }
0xb6: {  	s29 =	simm.s32 $0x9;
	_ =	strace $0x80000048  }
0xb7: {  	_ =	swait.ge [sflag:s29], $0x1  }
0xb8: {  	[sflag:s29] =	ssyncadd.s32 $0xFFFFFFFF  }
0xb9: {  	_ =	strace $0x90000048  }
0xba: {  	_ =	sfence  }
0xbb: {  	s30 =	sld [smem:$0x0];
	_ =	sdelay $0x2  }
0xbc: {  	s31 =	sshll.u32 s1, $0xD;
	s1 =	sshrl.u32 s1, $0x2  }
0xbd: {  	s3 =	sand.u32 $0x4000, s31;
	s1 =	sadd.s32 s1, s30  }
0xbe: {  	s0 =	sor.u32 s3, s0;
	s1 =	sshll.u32 s1, $0x11  }
0xbf: {  	s0 =	sor.u32 s1, s0  }
0xc0: {  	s0 =	sadd.s32 $0x8F2B, s0  }
0xc1: {  	[sflag:s0] =	ssyncadd.remote.s32 $0x1  }
0xc2: {  	_ =	sfence.sel $0xFFFF  }
0xc3: {  	[dreg:$0x0] =	wrdreg $0xFFFFFFFF;
	(pc) =	sbr.abs _section_cstart, $3  }
0xc4: {  	[dreg:$0x1] =	wrdreg $0xFFFFFFFF  }
0xc5: {  	_ =	task.clear_ibuf [dreg:s8], $0x2FFFF;
	_ =	strace $0x9FFFFFFF  }
0xc6: {  	(tm) =	ssettm $0x7FFFFFFF  }
0xc7: {  	_ =	shalt  }
tec
execute0_lowered:
.L_overlay_start_1:
0x0: {  	(tag) =	ssettag $0x1  }
0x1: {  	s2 =	rddreg [dreg:$0x0]  }
0x2: {  	s1 =	rddreg [dreg:$0x1]  }
0x3: {  	s0 =	srdreg.scid;
	s4 =	rddreg [dreg:$0x3]  }
0x4: {  	s28 =	simm.s32 $0x1;
	s29 =	simm.s32 $0x2800;
	s30 =	simm.s32 $0x1C100  }
0x5: {  	s31 =	simm.s32 $0x2;
	s3 =	sand.u32 $0x1, s0;
	s0 =	stileid.u32  }
0x6: {  	s12 =	simm.s32 $0x6;
	s13 =	simm.s32 $0x0;
	s8 =	smul.u32 $0x2800, s0  }
0x7: {  	s5 =	sshll.u32 s3, $0x4;
	s9 =	smul.u32 $0xA00, s0;
	s16 =	ssub.s32 $0x2, s3  }
0x8: {  	s11 =	smul.u32 $0x50000, s0;
	p0 =	seq.s32 s3, $0x1;
	p1 =	seq.s32 s0, $0x0  }
0x9: {  	s26 =	sor.u32 s3, s0;
	p2 =	sne.s32 s3, $0x0;
	s3 =	simm.s32 $0x3  }
0xa: {  	s6 =	sor.u32 s0, s5;
	s5 =	rddreg [dreg:$0x4];
	s17 =	sshrl.u32 s16, $0x1  }
0xb: {  	p1 =	por !p1, !p0;
	p3 =	sne.s32 s26, $0x0;
	s26 =	simm.s32 $0x5100  }
0xc: {  	s7 =	smul.u32 $0x2710, s6;
	s6 =	simm.s32 $0x0;
	s10 =	sadd.s32 s8, s2  }
0xd: {  	s9 =	sshrl.u32 s9, $0x2;
	s11 =	sshrl.u32 s11, $0x2;
	p1 =	por !p1, !p1  }
0xe: {  	[smem:$0x7FF] =	sst s6;
	s8 =	sadd.s32 s9, s5;
	s25 =	sadd.s32 $0x17800, s10  }
0xf: {  	_ =	strace $0x80000047;
	s18 =	sadd.s32 $0x80, s8;
	[dreg:$0xf] =	wrdreg s25  }
0x10: {  	s9 =	sadd.s32 s11, s4;
	s19 =	sadd.s32 $0x100, s8;
	[dreg:$0x7] =	wrdreg s18  }
0x11: {  	s11 =	simm.s32 $0x5;
	s20 =	sadd.s32 $0x180, s8;
	[dreg:$0x8] =	wrdreg s19  }
0x12: {  	s7 =	sshrl.u32 s7, $0x3;
	s21 =	sadd.s32 $0x200, s8;
	[dreg:$0x9] =	wrdreg s20  }
0x13: {  	s7 =	sadd.s32 s7, s2;
	s2 =	sadd.s32 $0x17200, s2;
	[dreg:$0xa] =	wrdreg s21  }
0x14: {  	s25 =	simm.s32 $0x2900;
	[dreg:$0x6] =	wrdreg s2;
	s22 =	sadd.s32 $0x3800, s7  }
0x15: {  	s19 =	sadd.s32 $0x3F800, s10;
	s23 =	sadd.s32 $0xD440, s7;
	[dreg:$0xb] =	wrdreg s22  }
.Ltmp0:
0x16: {  	s24 =	sadd.s32 $0x3A80, s7;
	[dreg:$0xc] =	wrdreg s23;
	(pc) =	sbr.rel .LBB2_1-.Ltmp0, $4  }
0x17: {  	s21 =	simm.s32 $0x7900;
	s7 =	sadd.s32 $0xD6C0, s7;
	[dreg:$0xd] =	wrdreg s24  }
0x18: {  	s10 =	simm.s32 $0xF0;
	s2 =	ssub.s32 s16, s17;
	[dreg:$0xe] =	wrdreg s7  }
0x19: {  	s20 =	smax.u32 s2, $0x1;
	s22 =	simm.s32 $0x7;
	s23 =	simm.s32 $0x1400  }
0x1a: {  	v0 =	vimm.f32 $0.0e+00;
	v1 =	vimm.f32 $1.000000000e+00;
	s24 =	simm.s32 $0x50;
	s2 =	simm.s32 $0x2880;
	s7 =	simm.s32 $0x4  }
.LBB2_10:
0x1b: {  	_ =	swait.ge [sflag:s11], $0x50  }
0x1c: {  	[sflag:s11] =	ssyncset.done $0x0  }
0x1d: {  	[sflag:s11] =	ssyncadd.s32 $0xFFFFFFB0  }
0x1e: {  	v2 =	vld [tilespmem:$0x26C0]  }
0x1f: {  	v3 =	vld [tilespmem:$0x26D0]  }
0x20: {  	v4 =	vld [tilespmem:$0x26E0]  }
0x21: {  	v5 =	vld [tilespmem:$0x26F0]  }
0x22: {  	v6 =	vld [tilespmem:$0x2700]  }
0x23: {  	[tilespmem:$0x2800] =	vst v2  }
0x24: {  	[tilespmem:$0x2810] =	vst v3  }
0x25: {  	[tilespmem:$0x2820] =	vst v4  }
0x26: {  	[tilespmem:$0x2830] =	vst v5  }
0x27: {  	[tilespmem:$0x2840] =	vst v6  }
0x28: {  	_ =	swait.ge [sflag:s28], $0x2800  }
0x29: {  	[sflag:s28] =	ssyncset.done $0x0  }
0x2a: {  	[sflag:s28] =	ssyncadd.s32 $0xFFFFD800  }
0x2b: {  	[spmem:s4] =	stream.indirect.scatter.add.f32 [tilespmem:s25], [sflag:$0x3], $0x80, s29, s24, $0xb8;
	[tilespmem:$0x1C400] =	vst v63  }
0x2c: {  	_ = 	snop  }
0x2d: {  	[spmem:s5] =	stream.indirect.scatter.add.f32 [tilespmem:s30], [sflag:$0x7], $0x1, s29, s24, $0xb8;
	[tilespmem:$0x1C400] =	vst v63  }
0x2e: {  	_ =	swait.ge [sflag:s22], $0x50  }
0x2f: {  	[sflag:s22] =	ssyncset.done $0x0  }
0x30: {  	[sflag:s22] =	ssyncadd.s32 $0xFFFFFFB0  }
0x31: {  	_ =	swait.ge [sflag:s12], $0x50  }
0x32: {  	[sflag:s12] =	ssyncset.done $0x0  }
0x33: {  	[sflag:s12] =	ssyncadd.s32 $0xFFFFFFB0  }
0x34: {  	_ =	swait.ge [sflag:s3], $0x2800  }
0x35: {  	[sflag:s3] =	ssyncset.done $0x0  }
0x36: {  	[sflag:s3] =	ssyncadd.s32 $0xFFFFD800  }
0x37: {  	s14 =	sshll.u32 @!p2 s0, $0x6;
	[bflag:$0x0] =	sbarrier.arrive $0xFFFF  }
0x38: {  	s15 =	sshrl.u32 @!p2 s9, $0x3;
	s14 =	sor.u32 @!p2 $0x1C07, s14;
	s16 =	rddreg [dreg:$0xf]  }
0x39: {  	[hbm:s16], [sflag:s14] =	dma.local @!p2 [spmem:s15], $0x2800  }
0x3a: {  	s14 =	simm.s32 @!p2 $0x7  }
0x3b: {  	_ =	swait.ge @!p2 [sflag:s14], $0x2800  }
0x3c: {  	s15 =	sshll.u32 @p0 s0, $0x6;
	[sflag:s14] =	ssyncset.done @!p2 $0x0  }
0x3d: {  	[sflag:s14] =	ssyncadd.s32 @!p2 $0xFFFFD800;
	s14 =	sor.u32 @p0 $0x1C07, s15;
	s15 =	sshrl.u32 @p0 s9, $0x3  }
0x3e: {  	[hbm:s19], [sflag:s14] =	dma.local @p0 [spmem:s15], $0x2800  }
0x3f: {  	s14 =	simm.s32 @p0 $0x7  }
0x40: {  	_ =	swait.ge @p0 [sflag:s14], $0x2800  }
0x41: {  	[sflag:s14] =	ssyncset.done @p0 $0x0  }
0x42: {  	s15 =	sshll.u32 @!p3 s0, $0x6;
	[sflag:s14] =	ssyncadd.s32 @p0 $0xFFFFD800  }
0x43: {  	s14 =	sor.u32 @!p3 $0x1C07, s15;
	s15 =	sshrl.u32 @!p3 s5, $0x3;
	s16 =	rddreg [dreg:$0x2]  }
0x44: {  	[hbm:s16], [sflag:s14] =	dma.local @!p3 [spmem:s15], $0x500  }
0x45: {  	s14 =	simm.s32 @!p3 $0x7  }
0x46: {  	s13 =	sadd.s32 $0x1, s13;
	_ =	swait.ge @!p3 [sflag:s14], $0x500  }
0x47: {  	p4 =	sne.s32 s13, s20;
	s15 =	simm.s32 @p1 $0x1C07;
	[sflag:s14] =	ssyncset.done @!p3 $0x0  }
0x48: {  	s16 =	rddreg [dreg:$0x6];
	[sflag:s14] =	ssyncadd.s32 @!p3 $0xFFFFFB00;
	s14 =	sshrl.u32 @p1 s5, $0x3  }
0x49: {  	[hbm:s16], [sflag:s15] =	dma.local @p1 [spmem:s14], $0x500  }
.Ltmp1:
0x4a: {  	_ = 	snop;
	(pc) =	sbr.rel @!p4 .LBB2_11-.Ltmp1, $4  }
0x4b: {  	s14 =	simm.s32 @p1 $0x7  }
0x4c: {  	_ =	swait.ge @p1 [sflag:s14], $0x500  }
0x4d: {  	[sflag:s14] =	ssyncset.done @p1 $0x0  }
0x4e: {  	[sflag:s14] =	ssyncadd.s32 @p1 $0xFFFFFB00  }
.LBB2_1:
0x4f: {  	s14 =	simm.s32 $0x0;
	s15 =	simm.s32 $0x200  }
.LBB2_2:
0x50: {  	p4 =	sne.s32 s15, $0x1E00;
	[tilespmem:s14+$0x7970] =	vst v0  }
0x51: {  	[tilespmem:s14+$0x7900] =	vst v0  }
0x52: {  	[tilespmem:s14+$0x7910] =	vst v0  }
.Ltmp2:
0x53: {  	[tilespmem:s14+$0x7920] =	vst v0;
	(pc) =	sbr.rel @p4 .LBB2_2-.Ltmp2, $4  }
0x54: {  	[tilespmem:s14+$0x7930] =	vst v0  }
0x55: {  	[tilespmem:s14+$0x7940] =	vst v0  }
0x56: {  	[tilespmem:s14+$0x7950] =	vst v0  }
0x57: {  	[tilespmem:s14+$0x7960] =	vst v0;
	s14 =	sshra.s32 s15, $0x2;
	s15 =	sadd.s32 $0x200, s15  }
0x58: {  	[tilespmem:s14+$0x7970] =	vst v0  }
0x59: {  	[tilespmem:s14+$0x7900] =	vst v0  }
0x5a: {  	[tilespmem:s14+$0x7910] =	vst v0  }
0x5b: {  	[tilespmem:s14+$0x7920] =	vst v0  }
0x5c: {  	[tilespmem:s14+$0x7930] =	vst v0  }
0x5d: {  	[tilespmem:s14+$0x7940] =	vst v0  }
0x5e: {  	[tilespmem:s14+$0x7950] =	vst v0  }
0x5f: {  	[tilespmem:s14+$0x7960] =	vst v0;
	s18 =	sadd.s32 $0x0, s9  }
0x60: {  	[spmem:s18] =	stream.linear.scatter [tilespmem:s21], [sflag:$0x7], $0x800, $0x38;
	[tilespmem:$0x1C400] =	vst v63  }
0x61: {  	s14 =	simm.s32 $0x2000;
	_ =	swait.ge [sflag:s22], $0x800  }
.LBB2_4:
0x62: {  	s15 =	sshra.s32 s14, $0x2;
	[sflag:s22] =	ssyncset.done $0x0;
	p4 =	sne.s32 s14, $0x4E000  }
.Ltmp3:
0x63: {  	s15 =	sadd.s32 s15, s9;
	[sflag:s22] =	ssyncadd.s32 $0xFFFFF800;
	(pc) =	sbr.rel @p4 .LBB2_4-.Ltmp3, $3  }
0x64: {  	[spmem:s15] =	stream.linear.scatter [tilespmem:s21], [sflag:$0x7], $0x800, $0x38;
	[tilespmem:$0x1C400] =	vst v63  }
0x65: {  	s14 =	sadd.s32 $0x2000, s14;
	_ =	sdelay $0x1  }
0x66: {  	_ =	swait.ge [sflag:s22], $0x800  }
0x67: {  	[sflag:s22] =	ssyncset.done $0x0  }
0x68: {  	[sflag:s22] =	ssyncadd.s32 $0xFFFFF800  }
0x69: {  	[tilespmem:$0x1C100] =	vst v1  }
0x6a: {  	[tilespmem:$0x1C110] =	vst v1  }
0x6b: {  	[tilespmem:$0x1C120] =	vst v1  }
0x6c: {  	[tilespmem:$0x1C130] =	vst v1  }
0x6d: {  	[tilespmem:$0x1C140] =	vst v1  }
0x6e: {  	[spmem:s8] =	stream.linear.scatter [tilespmem:s21], [sflag:$0x7], $0x80, $0x38;
	[tilespmem:$0x1C400] =	vst v63  }
0x6f: {  	_ =	swait.ge [sflag:s22], $0x80  }
0x70: {  	[sflag:s22] =	ssyncset.done $0x0  }
0x71: {  	s14 =	rddreg [dreg:$0x7];
	[sflag:s22] =	ssyncadd.s32 $0xFFFFFF80  }
0x72: {  	[spmem:s14] =	stream.linear.scatter [tilespmem:s21], [sflag:$0x7], $0x80, $0x38;
	[tilespmem:$0x1C400] =	vst v63  }
0x73: {  	_ =	swait.ge [sflag:s22], $0x80  }
0x74: {  	[sflag:s22] =	ssyncset.done $0x0  }
0x75: {  	s16 =	rddreg [dreg:$0x8];
	[sflag:s22] =	ssyncadd.s32 $0xFFFFFF80  }
0x76: {  	[spmem:s16] =	stream.linear.scatter [tilespmem:s21], [sflag:$0x7], $0x80, $0x38;
	[tilespmem:$0x1C400] =	vst v63  }
0x77: {  	_ =	swait.ge [sflag:s22], $0x80  }
0x78: {  	[sflag:s22] =	ssyncset.done $0x0  }
0x79: {  	s17 =	rddreg [dreg:$0x9];
	[sflag:s22] =	ssyncadd.s32 $0xFFFFFF80  }
0x7a: {  	[spmem:s17] =	stream.linear.scatter [tilespmem:s21], [sflag:$0x7], $0x80, $0x38;
	[tilespmem:$0x1C400] =	vst v63  }
0x7b: {  	_ =	swait.ge [sflag:s22], $0x80  }
0x7c: {  	[sflag:s22] =	ssyncset.done $0x0  }
0x7d: {  	s18 =	rddreg [dreg:$0xa];
	[sflag:s22] =	ssyncadd.s32 $0xFFFFFF80  }
0x7e: {  	[spmem:s18] =	stream.linear.scatter [tilespmem:s21], [sflag:$0x7], $0x80, $0x38;
	[tilespmem:$0x1C400] =	vst v63  }
0x7f: {  	_ =	swait.ge [sflag:s22], $0x80  }
0x80: {  	[sflag:s22] =	ssyncset.done $0x0  }
0x81: {  	[sflag:s22] =	ssyncadd.s32 $0xFFFFFF80  }
0x82: {  	[bflag:$0x0] =	sbarrier.arrive $0xFFFF  }
0x83: {  	s15 =	rddreg [dreg:$0xb]  }
0x84: {  	[tilespmem:s6], [sflag:$0x7] =	stream.linear.gather [hbm4b:s15+s6], $0x1400, $0x38;
	[tilespmem:$0x1C400] =	vst v63  }
0x85: {  	_ =	swait.ge [sflag:s22], $0x1400  }
0x86: {  	[sflag:s22] =	ssyncset.done $0x0  }
0x87: {  	s16 =	rddreg [dreg:$0xc];
	[sflag:s22] =	ssyncadd.s32 $0xFFFFEC00  }
0x88: {  	[tilespmem:s23], [sflag:$0x7] =	stream.linear.gather [hbm4b:s16+s6], $0x1400, $0x38;
	[tilespmem:$0x1C400] =	vst v63  }
0x89: {  	_ =	swait.ge [sflag:s22], $0x1400  }
0x8a: {  	[sflag:s22] =	ssyncset.done $0x0  }
0x8b: {  	[sflag:s22] =	ssyncadd.s32 $0xFFFFEC00  }
0x8c: {  	[tilespmem:s25], [sflag:$0x1] =	stream.indirect.gather [hbm4b:s1+s24], $0x80, s6, s24, $0xb8;
	[tilespmem:$0x1C400] =	vst v63  }
0x8d: {  	_ = 	snop  }
0x8e: {  	[tilespmem:s26], [sflag:$0x2] =	stream.indirect.gather [hbm4b:s1+s24], $0x80, s24, s24, $0xb8;
	[tilespmem:$0x1C400] =	vst v63  }
0x8f: {  	v2 =	vld [tilespmem:$0x1400]  }
0x90: {  	v3 =	vld [tilespmem:$0x1410]  }
0x91: {  	v4 =	vld [tilespmem:$0x1420]  }
0x92: {  	v5 =	vld [tilespmem:$0x1430]  }
0x93: {  	v6 =	vld [tilespmem:$0x1440]  }
0x94: {  	[tilespmem:$0x2800] =	vst v2  }
0x95: {  	[tilespmem:$0x2810] =	vst v3  }
0x96: {  	[tilespmem:$0x2820] =	vst v4  }
0x97: {  	[tilespmem:$0x2830] =	vst v5  }
0x98: {  	[tilespmem:$0x2840] =	vst v6  }
0x99: {  	_ =	swait.ge [sflag:s28], $0x2800  }
0x9a: {  	[sflag:s28] =	ssyncset.done $0x0  }
0x9b: {  	[sflag:s28] =	ssyncadd.s32 $0xFFFFD800  }
0x9c: {  	[spmem:s4] =	stream.indirect.scatter.add.f32 [tilespmem:s25], [sflag:$0x3], $0x80, s29, s24, $0xb8;
	[tilespmem:$0x1C400] =	vst v63  }
0x9d: {  	_ = 	snop  }
0x9e: {  	[spmem:s5] =	stream.indirect.scatter.add.f32 [tilespmem:s30], [sflag:$0x5], $0x1, s29, s24, $0xb8;
	[tilespmem:$0x1C400] =	vst v63  }
0x9f: {  	v2 =	vld [tilespmem:$0x1450]  }
0xa0: {  	v3 =	vld [tilespmem:$0x1460]  }
0xa1: {  	v61 =	vld [tilespmem:$0x1470]  }
0xa2: {  	v62 =	vld [tilespmem:$0x1480]  }
0xa3: {  	v63 =	vld [tilespmem:$0x1490]  }
0xa4: {  	[tilespmem:$0x2880] =	vst v2  }
0xa5: {  	[tilespmem:$0x2890] =	vst v3  }
0xa6: {  	[tilespmem:$0x28A0] =	vst v61  }
0xa7: {  	[tilespmem:$0x28B0] =	vst v62  }
0xa8: {  	[tilespmem:$0x28C0] =	vst v63  }
0xa9: {  	_ =	swait.ge [sflag:s31], $0x2800  }
0xaa: {  	[sflag:s31] =	ssyncset.done $0x0  }
0xab: {  	[sflag:s31] =	ssyncadd.s32 $0xFFFFD800  }
0xac: {  	_ =	swait.ge [sflag:s3], $0x2800  }
0xad: {  	[sflag:s3] =	ssyncset.done $0x0  }
0xae: {  	s17 =	simm.s32 $0xA0;
	[sflag:s3] =	ssyncadd.s32 $0xFFFFD800  }
0xaf: {  	[tilespmem:s25], [sflag:$0x1] =	stream.indirect.gather [hbm4b:s1+s24], $0x80, s17, s24, $0xb8;
	[tilespmem:$0x1C400] =	vst v63  }
0xb0: {  	_ = 	snop  }
0xb1: {  	[spmem:s4] =	stream.indirect.scatter.add.f32 [tilespmem:s26], [sflag:$0x4], $0x80, s2, s24, $0xb8;
	[tilespmem:$0x1C400] =	vst v63  }
0xb2: {  	_ = 	snop  }
0xb3: {  	[spmem:s5] =	stream.indirect.scatter.add.f32 [tilespmem:s30], [sflag:$0x6], $0x1, s2, s24, $0xb8;
	[tilespmem:$0x1C400] =	vst v63  }
0xb4: {  	_ =	swait.ge [sflag:s7], $0x2800  }
0xb5: {  	[sflag:s7] =	ssyncset.done $0x0  }
0xb6: {  	[sflag:s7] =	ssyncadd.s32 $0xFFFFD800  }
0xb7: {  	[tilespmem:s26], [sflag:$0x2] =	stream.indirect.gather [hbm4b:s1+s24], $0x80, s10, s24, $0xb8;
	[tilespmem:$0x1C400] =	vst v63  }
0xb8: {  	_ =	swait.ge [sflag:s11], $0x50  }
0xb9: {  	[sflag:s11] =	ssyncset.done $0x0  }
0xba: {  	s15 =	simm.s32 $0x14A0;
	[sflag:s11] =	ssyncadd.s32 $0xFFFFFFB0  }
0xbb: {  	v2 =	vld [tilespmem:s15+$0x0];
	_ =	sdelay $0x4  }
0xbc: {  	[tilespmem:$0x2800] =	vst v2  }
0xbd: {  	v2 =	vld [tilespmem:s15+$0x10];
	_ =	sdelay $0x4  }
0xbe: {  	[tilespmem:$0x2810] =	vst v2  }
0xbf: {  	v2 =	vld [tilespmem:s15+$0x20];
	_ =	sdelay $0x4  }
0xc0: {  	[tilespmem:$0x2820] =	vst v2  }
0xc1: {  	v2 =	vld [tilespmem:s15+$0x30];
	_ =	sdelay $0x4  }
0xc2: {  	[tilespmem:$0x2830] =	vst v2  }
0xc3: {  	v2 =	vld [tilespmem:s15+$0x40];
	_ =	sdelay $0x4  }
0xc4: {  	[tilespmem:$0x2840] =	vst v2  }
0xc5: {  	_ =	swait.ge [sflag:s28], $0x2800  }
0xc6: {  	[sflag:s28] =	ssyncset.done $0x0  }
0xc7: {  	[sflag:s28] =	ssyncadd.s32 $0xFFFFD800  }
0xc8: {  	[spmem:s4] =	stream.indirect.scatter.add.f32 [tilespmem:s25], [sflag:$0x3], $0x80, s29, s24, $0xb8;
	[tilespmem:$0x1C400] =	vst v63  }
0xc9: {  	_ = 	snop  }
0xca: {  	[spmem:s5] =	stream.indirect.scatter.add.f32 [tilespmem:s30], [sflag:$0x5], $0x1, s29, s24, $0xb8;
	[tilespmem:$0x1C400] =	vst v63  }
0xcb: {  	_ =	swait.ge [sflag:s12], $0x50  }
0xcc: {  	[sflag:s12] =	ssyncset.done $0x0  }
0xcd: {  	[sflag:s12] =	ssyncadd.s32 $0xFFFFFFB0  }
0xce: {  	v2 =	vld [tilespmem:s15+$0x50];
	_ =	sdelay $0x4  }
0xcf: {  	[tilespmem:$0x2880] =	vst v2  }
0xd0: {  	v2 =	vld [tilespmem:s15+$0x60];
	_ =	sdelay $0x4  }
0xd1: {  	[tilespmem:$0x2890] =	vst v2  }
0xd2: {  	v2 =	vld [tilespmem:s15+$0x70];
	_ =	sdelay $0x4  }
0xd3: {  	s14 =	sand.u32 $0x1FE0, s17;
	[tilespmem:$0x28A0] =	vst v2  }
0xd4: {  	v2 =	vld [tilespmem:s14+$0x1480];
	_ =	sdelay $0x4  }
0xd5: {  	[tilespmem:$0x28B0] =	vst v2  }
0xd6: {  	v2 =	vld [tilespmem:s15+$0x90];
	_ =	sdelay $0x4  }
0xd7: {  	[tilespmem:$0x28C0] =	vst v2  }
0xd8: {  	_ =	swait.ge [sflag:s31], $0x2800  }
0xd9: {  	[sflag:s31] =	ssyncset.done $0x0  }
0xda: {  	[sflag:s31] =	ssyncadd.s32 $0xFFFFD800  }
0xdb: {  	_ =	swait.ge [sflag:s3], $0x2800  }
0xdc: {  	[sflag:s3] =	ssyncset.done $0x0  }
0xdd: {  	s18 =	simm.s32 $0x140;
	[sflag:s3] =	ssyncadd.s32 $0xFFFFD800  }
0xde: {  	[tilespmem:s25], [sflag:$0x1] =	stream.indirect.gather [hbm4b:s1+s24], $0x80, s18, s24, $0xb8;
	[tilespmem:$0x1C400] =	vst v63  }
0xdf: {  	_ = 	snop  }
0xe0: {  	[spmem:s4] =	stream.indirect.scatter.add.f32 [tilespmem:s26], [sflag:$0x4], $0x80, s2, s24, $0xb8;
	[tilespmem:$0x1C400] =	vst v63  }
0xe1: {  	_ = 	snop  }
0xe2: {  	[spmem:s5] =	stream.indirect.scatter.add.f32 [tilespmem:s30], [sflag:$0x6], $0x1, s2, s24, $0xb8;
	[tilespmem:$0x1C400] =	vst v63  }
0xe3: {  	_ =	swait.ge [sflag:s7], $0x2800  }
0xe4: {  	s16 =	simm.s32 $0x1E0;
	s17 =	simm.s32 $0x190;
	[sflag:s7] =	ssyncset.done $0x0  }
0xe5: {  	s14 =	simm.s32 $0x140;
	s15 =	simm.s32 $0x1540;
	[sflag:s7] =	ssyncadd.s32 $0xFFFFD800  }
.LBB2_6:
0xe6: {  	[tilespmem:s26], [sflag:$0x2] =	stream.indirect.gather [hbm4b:s1+s24], $0x80, s17, s24, $0xb8;
	[tilespmem:$0x1C400] =	vst v63  }
0xe7: {  	s17 =	smov.u32 s14  }
0xe8: {  	p4 =	sne.s32 s14, $0x12C0;
	s14 =	sadd.s32 $0xA0, s14;
	_ =	swait.ge [sflag:s11], $0x50  }
0xe9: {  	[sflag:s11] =	ssyncset.done $0x0  }
0xea: {  	[sflag:s11] =	ssyncadd.s32 $0xFFFFFFB0  }
0xeb: {  	v2 =	vld [tilespmem:s15+$0x0];
	_ =	sdelay $0x4  }
0xec: {  	[tilespmem:$0x2800] =	vst v2  }
0xed: {  	v2 =	vld [tilespmem:s15+$0x10];
	_ =	sdelay $0x4  }
0xee: {  	[tilespmem:$0x2810] =	vst v2  }
0xef: {  	v2 =	vld [tilespmem:s15+$0x20];
	_ =	sdelay $0x4  }
0xf0: {  	[tilespmem:$0x2820] =	vst v2  }
0xf1: {  	v2 =	vld [tilespmem:s15+$0x30];
	_ =	sdelay $0x4  }
0xf2: {  	[tilespmem:$0x2830] =	vst v2  }
0xf3: {  	v2 =	vld [tilespmem:s15+$0x40];
	_ =	sdelay $0x4  }
0xf4: {  	[tilespmem:$0x2840] =	vst v2  }
0xf5: {  	_ =	swait.ge [sflag:s28], $0x2800  }
0xf6: {  	[sflag:s28] =	ssyncset.done $0x0  }
0xf7: {  	[sflag:s28] =	ssyncadd.s32 $0xFFFFD800  }
0xf8: {  	[spmem:s4] =	stream.indirect.scatter.add.f32 [tilespmem:s25], [sflag:$0x3], $0x80, s29, s24, $0xb8;
	[tilespmem:$0x1C400] =	vst v63  }
0xf9: {  	_ = 	snop  }
0xfa: {  	[spmem:s5] =	stream.indirect.scatter.add.f32 [tilespmem:s30], [sflag:$0x5], $0x1, s29, s24, $0xb8;
	[tilespmem:$0x1C400] =	vst v63  }
0xfb: {  	_ =	swait.ge [sflag:s12], $0x50  }
0xfc: {  	[sflag:s12] =	ssyncset.done $0x0  }
0xfd: {  	[sflag:s12] =	ssyncadd.s32 $0xFFFFFFB0  }
0xfe: {  	v2 =	vld [tilespmem:s15+$0x50];
	_ =	sdelay $0x4  }
0xff: {  	[tilespmem:$0x2880] =	vst v2  }
0x100: {  	v2 =	vld [tilespmem:s15+$0x60];
	_ =	sdelay $0x4  }
0x101: {  	[tilespmem:$0x2890] =	vst v2  }
0x102: {  	v2 =	vld [tilespmem:s15+$0x70];
	_ =	sdelay $0x4  }
0x103: {  	s17 =	sand.u32 $0x1FE0, s17;
	[tilespmem:$0x28A0] =	vst v2  }
0x104: {  	v2 =	vld [tilespmem:s17+$0x1480];
	_ =	sdelay $0x4  }
0x105: {  	[tilespmem:$0x28B0] =	vst v2  }
0x106: {  	v2 =	vld [tilespmem:s15+$0x90];
	_ =	sdelay $0x4  }
0x107: {  	[tilespmem:$0x28C0] =	vst v2  }
0x108: {  	_ =	swait.ge [sflag:s31], $0x2800  }
0x109: {  	[sflag:s31] =	ssyncset.done $0x0  }
0x10a: {  	[sflag:s31] =	ssyncadd.s32 $0xFFFFD800  }
0x10b: {  	_ =	swait.ge [sflag:s3], $0x2800  }
0x10c: {  	[sflag:s3] =	ssyncset.done $0x0  }
0x10d: {  	[sflag:s3] =	ssyncadd.s32 $0xFFFFD800  }
0x10e: {  	[tilespmem:s25], [sflag:$0x1] =	stream.indirect.gather [hbm4b:s1+s24], $0x80, s16, s24, $0xb8;
	[tilespmem:$0x1C400] =	vst v63  }
0x10f: {  	_ = 	snop  }
0x110: {  	[spmem:s4] =	stream.indirect.scatter.add.f32 [tilespmem:s26], [sflag:$0x4], $0x80, s2, s24, $0xb8;
	[tilespmem:$0x1C400] =	vst v63  }
.Ltmp4:
0x111: {  	(pc) =	sbr.rel @p4 .LBB2_6-.Ltmp4, $4  }
0x112: {  	[spmem:s5] =	stream.indirect.scatter.add.f32 [tilespmem:s30], [sflag:$0x6], $0x1, s2, s24, $0xb8;
	[tilespmem:$0x1C400] =	vst v63  }
0x113: {  	_ =	swait.ge [sflag:s7], $0x2800  }
0x114: {  	s15 =	sadd.s32 $0xA0, s15;
	[sflag:s7] =	ssyncset.done $0x0  }
0x115: {  	s17 =	sadd.s32 $0x50, s16;
	s16 =	sadd.s32 $0xA0, s16;
	[sflag:s7] =	ssyncadd.s32 $0xFFFFD800  }
0x116: {  	[tilespmem:s26], [sflag:$0x2] =	stream.indirect.gather [hbm4b:s1+s24], $0x80, s17, s24, $0xb8;
	[tilespmem:$0x1C400] =	vst v63  }
0x117: {  	_ =	swait.ge [sflag:s11], $0x50  }
0x118: {  	[sflag:s11] =	ssyncset.done $0x0  }
0x119: {  	[sflag:s11] =	ssyncadd.s32 $0xFFFFFFB0  }
0x11a: {  	v2 =	vld [tilespmem:$0x2760]  }
0x11b: {  	v3 =	vld [tilespmem:$0x2770]  }
0x11c: {  	v4 =	vld [tilespmem:$0x2780]  }
0x11d: {  	v5 =	vld [tilespmem:$0x2790]  }
0x11e: {  	v6 =	vld [tilespmem:$0x27A0]  }
0x11f: {  	[tilespmem:$0x2800] =	vst v2  }
0x120: {  	[tilespmem:$0x2810] =	vst v3  }
0x121: {  	[tilespmem:$0x2820] =	vst v4  }
0x122: {  	[tilespmem:$0x2830] =	vst v5  }
0x123: {  	[tilespmem:$0x2840] =	vst v6  }
0x124: {  	_ =	swait.ge [sflag:s28], $0x2800  }
0x125: {  	[sflag:s28] =	ssyncset.done $0x0  }
0x126: {  	[sflag:s28] =	ssyncadd.s32 $0xFFFFD800  }
0x127: {  	[spmem:s4] =	stream.indirect.scatter.add.f32 [tilespmem:s25], [sflag:$0x3], $0x80, s29, s24, $0xb8;
	[tilespmem:$0x1C400] =	vst v63  }
0x128: {  	_ = 	snop  }
0x129: {  	[spmem:s5] =	stream.indirect.scatter.add.f32 [tilespmem:s30], [sflag:$0x7], $0x1, s29, s24, $0xb8;
	[tilespmem:$0x1C400] =	vst v63  }
0x12a: {  	_ =	swait.ge [sflag:s22], $0x50  }
0x12b: {  	[sflag:s22] =	ssyncset.done $0x0  }
0x12c: {  	[sflag:s22] =	ssyncadd.s32 $0xFFFFFFB0  }
0x12d: {  	_ =	swait.ge [sflag:s12], $0x50  }
0x12e: {  	[sflag:s12] =	ssyncset.done $0x0  }
0x12f: {  	[sflag:s12] =	ssyncadd.s32 $0xFFFFFFB0  }
0x130: {  	v2 =	vld [tilespmem:$0x27B0]  }
0x131: {  	v3 =	vld [tilespmem:$0x27C0]  }
0x132: {  	v55 =	vld [tilespmem:$0x27D0]  }
0x133: {  	v56 =	vld [tilespmem:$0x27E0]  }
0x134: {  	v57 =	vld [tilespmem:$0x27F0]  }
0x135: {  	[tilespmem:$0x2880] =	vst v2  }
0x136: {  	[tilespmem:$0x2890] =	vst v3  }
0x137: {  	[tilespmem:$0x28A0] =	vst v55  }
0x138: {  	[tilespmem:$0x28B0] =	vst v56  }
0x139: {  	s14 =	simm.s32 $0x2;
	[tilespmem:$0x28C0] =	vst v57  }
0x13a: {  	_ =	swait.ge [sflag:s14], $0x2800  }
0x13b: {  	[sflag:s14] =	ssyncset.done $0x0  }
0x13c: {  	[sflag:s14] =	ssyncadd.s32 $0xFFFFD800  }
0x13d: {  	_ =	swait.ge [sflag:s3], $0x2800  }
0x13e: {  	[sflag:s3] =	ssyncset.done $0x0  }
0x13f: {  	[sflag:s3] =	ssyncadd.s32 $0xFFFFD800  }
0x140: {  	[spmem:s4] =	stream.indirect.scatter.add.f32 [tilespmem:s26], [sflag:$0x4], $0x80, s2, s24, $0xb8;
	[tilespmem:$0x1C400] =	vst v63  }
0x141: {  	_ = 	snop  }
0x142: {  	[spmem:s5] =	stream.indirect.scatter.add.f32 [tilespmem:s30], [sflag:$0x7], $0x1, s2, s24, $0xb8;
	[tilespmem:$0x1C400] =	vst v63  }
0x143: {  	_ =	swait.ge [sflag:s22], $0x50  }
0x144: {  	[sflag:s22] =	ssyncset.done $0x0  }
0x145: {  	[sflag:s22] =	ssyncadd.s32 $0xFFFFFFB0  }
0x146: {  	_ =	swait.ge [sflag:s7], $0x2800  }
0x147: {  	[sflag:s7] =	ssyncset.done $0x0  }
0x148: {  	s15 =	rddreg [dreg:$0xd];
	[sflag:s7] =	ssyncadd.s32 $0xFFFFD800  }
0x149: {  	[tilespmem:s6], [sflag:$0x7] =	stream.linear.gather [hbm4b:s15+s6], $0x1310, $0x38;
	[tilespmem:$0x1C400] =	vst v63  }
0x14a: {  	_ =	swait.ge [sflag:s22], $0x1310  }
0x14b: {  	[sflag:s22] =	ssyncset.done $0x0  }
0x14c: {  	s18 =	rddreg [dreg:$0xe];
	[sflag:s22] =	ssyncadd.s32 $0xFFFFECF0  }
0x14d: {  	[tilespmem:s23], [sflag:$0x7] =	stream.linear.gather [hbm4b:s18+s6], $0x1310, $0x38;
	[tilespmem:$0x1C400] =	vst v63  }
0x14e: {  	_ =	swait.ge [sflag:s22], $0x1310  }
0x14f: {  	[sflag:s22] =	ssyncset.done $0x0  }
0x150: {  	[sflag:s22] =	ssyncadd.s32 $0xFFFFECF0  }
0x151: {  	[tilespmem:s25], [sflag:$0x1] =	stream.indirect.gather [hbm4b:s1+s24], $0x80, s6, s24, $0xb8;
	[tilespmem:$0x1C400] =	vst v63  }
0x152: {  	_ = 	snop  }
0x153: {  	[tilespmem:s26], [sflag:$0x2] =	stream.indirect.gather [hbm4b:s1+s24], $0x80, s24, s24, $0xb8;
	[tilespmem:$0x1C400] =	vst v63  }
0x154: {  	v2 =	vld [tilespmem:$0x1400]  }
0x155: {  	v3 =	vld [tilespmem:$0x1410]  }
0x156: {  	v58 =	vld [tilespmem:$0x1420]  }
0x157: {  	v59 =	vld [tilespmem:$0x1430]  }
0x158: {  	v60 =	vld [tilespmem:$0x1440]  }
0x159: {  	[tilespmem:$0x2800] =	vst v2  }
0x15a: {  	[tilespmem:$0x2810] =	vst v3  }
0x15b: {  	[tilespmem:$0x2820] =	vst v58  }
0x15c: {  	[tilespmem:$0x2830] =	vst v59  }
0x15d: {  	[tilespmem:$0x2840] =	vst v60  }
0x15e: {  	_ =	swait.ge [sflag:s28], $0x2800  }
0x15f: {  	[sflag:s28] =	ssyncset.done $0x0  }
0x160: {  	[sflag:s28] =	ssyncadd.s32 $0xFFFFD800  }
0x161: {  	[spmem:s4] =	stream.indirect.scatter.add.f32 [tilespmem:s25], [sflag:$0x3], $0x80, s29, s24, $0xb8;
	[tilespmem:$0x1C400] =	vst v63  }
0x162: {  	_ = 	snop  }
0x163: {  	[spmem:s5] =	stream.indirect.scatter.add.f32 [tilespmem:s30], [sflag:$0x5], $0x1, s29, s24, $0xb8;
	[tilespmem:$0x1C400] =	vst v63  }
0x164: {  	v2 =	vld [tilespmem:$0x1450]  }
0x165: {  	v3 =	vld [tilespmem:$0x1460]  }
0x166: {  	v61 =	vld [tilespmem:$0x1470]  }
0x167: {  	v62 =	vld [tilespmem:$0x1480]  }
0x168: {  	v63 =	vld [tilespmem:$0x1490]  }
0x169: {  	[tilespmem:$0x2880] =	vst v2  }
0x16a: {  	[tilespmem:$0x2890] =	vst v3  }
0x16b: {  	[tilespmem:$0x28A0] =	vst v61  }
0x16c: {  	[tilespmem:$0x28B0] =	vst v62  }
0x16d: {  	[tilespmem:$0x28C0] =	vst v63  }
0x16e: {  	_ =	swait.ge [sflag:s14], $0x2800  }
0x16f: {  	[sflag:s14] =	ssyncset.done $0x0  }
0x170: {  	[sflag:s14] =	ssyncadd.s32 $0xFFFFD800  }
0x171: {  	_ =	swait.ge [sflag:s3], $0x2800  }
0x172: {  	[sflag:s3] =	ssyncset.done $0x0  }
0x173: {  	s15 =	simm.s32 $0xA0;
	[sflag:s3] =	ssyncadd.s32 $0xFFFFD800  }
0x174: {  	[tilespmem:s25], [sflag:$0x1] =	stream.indirect.gather [hbm4b:s1+s24], $0x80, s15, s24, $0xb8;
	[tilespmem:$0x1C400] =	vst v63  }
0x175: {  	_ = 	snop  }
0x176: {  	[spmem:s4] =	stream.indirect.scatter.add.f32 [tilespmem:s26], [sflag:$0x4], $0x80, s2, s24, $0xb8;
	[tilespmem:$0x1C400] =	vst v63  }
0x177: {  	_ = 	snop  }
0x178: {  	[spmem:s5] =	stream.indirect.scatter.add.f32 [tilespmem:s30], [sflag:$0x6], $0x1, s2, s24, $0xb8;
	[tilespmem:$0x1C400] =	vst v63  }
0x179: {  	_ =	swait.ge [sflag:s7], $0x2800  }
0x17a: {  	[sflag:s7] =	ssyncset.done $0x0  }
0x17b: {  	s16 =	simm.s32 $0x140;
	s17 =	simm.s32 $0x14A0;
	[sflag:s7] =	ssyncadd.s32 $0xFFFFD800  }
0x17c: {  	[tilespmem:s26], [sflag:$0x2] =	stream.indirect.gather [hbm4b:s1+s24], $0x80, s10, s24, $0xb8;
	[tilespmem:$0x1C400] =	vst v63  }
.LBB2_8:
0x17d: {  	_ =	swait.ge [sflag:s11], $0x50  }
0x17e: {  	[sflag:s11] =	ssyncset.done $0x0  }
0x17f: {  	[sflag:s11] =	ssyncadd.s32 $0xFFFFFFB0  }
0x180: {  	v2 =	vld [tilespmem:s17+$0x0];
	_ =	sdelay $0x4  }
0x181: {  	[tilespmem:$0x2800] =	vst v2  }
0x182: {  	v2 =	vld [tilespmem:s17+$0x10];
	_ =	sdelay $0x4  }
0x183: {  	[tilespmem:$0x2810] =	vst v2  }
0x184: {  	v2 =	vld [tilespmem:s17+$0x20];
	_ =	sdelay $0x4  }
0x185: {  	[tilespmem:$0x2820] =	vst v2  }
0x186: {  	v2 =	vld [tilespmem:s17+$0x30];
	_ =	sdelay $0x4  }
0x187: {  	[tilespmem:$0x2830] =	vst v2  }
0x188: {  	v2 =	vld [tilespmem:s17+$0x40];
	_ =	sdelay $0x4  }
0x189: {  	[tilespmem:$0x2840] =	vst v2  }
0x18a: {  	_ =	swait.ge [sflag:s28], $0x2800  }
0x18b: {  	[sflag:s28] =	ssyncset.done $0x0  }
0x18c: {  	[sflag:s28] =	ssyncadd.s32 $0xFFFFD800  }
0x18d: {  	[spmem:s4] =	stream.indirect.scatter.add.f32 [tilespmem:s25], [sflag:$0x3], $0x80, s29, s24, $0xb8;
	[tilespmem:$0x1C400] =	vst v63  }
0x18e: {  	_ = 	snop  }
0x18f: {  	[spmem:s5] =	stream.indirect.scatter.add.f32 [tilespmem:s30], [sflag:$0x5], $0x1, s29, s24, $0xb8;
	[tilespmem:$0x1C400] =	vst v63  }
0x190: {  	_ =	swait.ge [sflag:s12], $0x50  }
0x191: {  	[sflag:s12] =	ssyncset.done $0x0  }
0x192: {  	[sflag:s12] =	ssyncadd.s32 $0xFFFFFFB0  }
0x193: {  	v2 =	vld [tilespmem:s17+$0x50];
	_ =	sdelay $0x4  }
0x194: {  	[tilespmem:$0x2880] =	vst v2  }
0x195: {  	v2 =	vld [tilespmem:s17+$0x60];
	_ =	sdelay $0x4  }
0x196: {  	[tilespmem:$0x2890] =	vst v2  }
0x197: {  	v2 =	vld [tilespmem:s17+$0x70];
	_ =	sdelay $0x4  }
0x198: {  	s18 =	sand.u32 $0x1FE0, s15;
	[tilespmem:$0x28A0] =	vst v2  }
0x199: {  	v2 =	vld [tilespmem:s18+$0x1480];
	_ =	sdelay $0x4  }
0x19a: {  	[tilespmem:$0x28B0] =	vst v2  }
0x19b: {  	v2 =	vld [tilespmem:s17+$0x90];
	_ =	sdelay $0x4  }
0x19c: {  	[tilespmem:$0x28C0] =	vst v2  }
0x19d: {  	_ =	swait.ge [sflag:s31], $0x2800  }
0x19e: {  	[sflag:s31] =	ssyncset.done $0x0  }
0x19f: {  	[sflag:s31] =	ssyncadd.s32 $0xFFFFD800  }
0x1a0: {  	_ =	swait.ge [sflag:s3], $0x2800  }
0x1a1: {  	[sflag:s3] =	ssyncset.done $0x0  }
0x1a2: {  	[sflag:s3] =	ssyncadd.s32 $0xFFFFD800  }
0x1a3: {  	[tilespmem:s25], [sflag:$0x1] =	stream.indirect.gather [hbm4b:s1+s24], $0x80, s16, s24, $0xb8;
	[tilespmem:$0x1C400] =	vst v63  }
0x1a4: {  	p4 =	seq.s32 s14, $0x3A  }
0x1a5: {  	[spmem:s4] =	stream.indirect.scatter.add.f32 [tilespmem:s26], [sflag:$0x4], $0x80, s2, s24, $0xb8;
	[tilespmem:$0x1C400] =	vst v63  }
.Ltmp5:
0x1a6: {  	_ = 	snop;
	(pc) =	sbr.rel @p4 .LBB2_10-.Ltmp5, $4  }
0x1a7: {  	[spmem:s5] =	stream.indirect.scatter.add.f32 [tilespmem:s30], [sflag:$0x6], $0x1, s2, s24, $0xb8;
	[tilespmem:$0x1C400] =	vst v63  }
0x1a8: {  	_ =	swait.ge [sflag:s7], $0x2800  }
0x1a9: {  	[sflag:s7] =	ssyncset.done $0x0  }
0x1aa: {  	[sflag:s7] =	ssyncadd.s32 $0xFFFFD800  }
0x1ab: {  	s18 =	smin.u32 s14, $0x39  }
0x1ac: {  	s18 =	smul.u32 $0x140, s18  }
.Ltmp6:
0x1ad: {  	_ = 	snop;
	(pc) =	sbr.rel .LBB2_8-.Ltmp6, $4  }
0x1ae: {  	_ = 	snop  }
0x1af: {  	s14 =	sadd.s32 $0x2, s14;
	s15 =	sadd.s32 $0xA0, s15;
	s18 =	sshrl.u32 s18, $0x2  }
0x1b0: {  	s16 =	sadd.s32 $0xA0, s16;
	s17 =	sadd.s32 $0xA0, s17;
	s18 =	sadd.s32 $0xF0, s18  }
0x1b1: {  	[tilespmem:s26], [sflag:$0x2] =	stream.indirect.gather [hbm4b:s1+s24], $0x80, s18, s24, $0xb8;
	[tilespmem:$0x1C400] =	vst v63  }
.LBB2_11:
0x1b2: {  	_ =	sfence.sel $0x180000  }
0x1b3: {  	[bflag:$0x0] =	sbarrier.arrive $0xFFFF  }
0x1b4: {  	_ =	strace $0x90000047  }
0x1b5: {  	[bflag:$0x2] =	sbarrier.arrive $0xFFFF  }
0x1b6: {  	p0 =	sne.s32 s0, $0x0;
	s0 =	rddreg [dreg:$0x5]  }
0x1b7: {  	s0 =	sadd.s32 @!p0 $0x100000, s0  }
0x1b8: {  	[sflag:s0] =	ssyncadd.tile.s32 @!p0 $0x1;
	_ =	shalt  }
.Lfunc_end2:
_tile_overlayer_lowered:
.L_overlay_start_2:
0x1b9: {  	(tag) =	ssettag $0x2  }
0x1ba: {  	s0 =	rddreg [dreg:$0x0];
	s2 =	stileid.u32  }
0x1bb: {  	s1 =	rddreg [dreg:$0x1];
	p0 =	sne.s32 s2, $0x0  }
0x1bc: {  	s3 =	rddreg [dreg:$0x2];
	[bflag:$0x3] =	sbarrier.arrive $0xFFFF;
	s2 =	simm.s32 @!p0 $0x1C07  }
0x1bd: {  	[timem:s3], [sflag:s2] =	dma.local @!p0 [hbm:s0], s1  }
0x1be: {  	s0 =	simm.s32 @!p0 $0x7  }
0x1bf: {  	_ =	swait.ge @!p0 [sflag:s0], s1  }
0x1c0: {  	s1 =	ssub.s32 @!p0 $0x0, s1;
	[sflag:s0] =	ssyncset.done @!p0 $0x0  }
0x1c1: {  	[sflag:s0] =	ssyncadd.s32 @!p0 s1  }
0x1c2: {  	[bflag:$0x3] =	sbarrier.arrive $0xFFFF  }
0x1c3: {  	_ =	shalt  }

// kernel: kernel.9.cloned.1.call-start
scs
__scs_entry_jumppad:
0x0: {  	(pc) =	sbr.rel $0x88, $3  }
0x1: {  	(tag) =	ssettag $0x0;
	lr =	simm.s32 $0x1  }
0x2: {  	[smem:$0x3F99] =	sst lr;
	_ =	strace $0xD0000000  }
0x3: {  	_ = 	snop  }
0x4: {  	_ = 	snop  }
0x5: {  	_ = 	snop  }
0x6: {  	_ = 	snop  }
0x7: {  	_ = 	snop  }
__scs_overlays_trampoline_lowered:
0x8: {  	[smem:$0x3FA8] =	sst s0  }
0x9: {  	[smem:$0x3FA9] =	sst s1  }
0xa: {  	[smem:$0x3FAA] =	sst s2  }
0xb: {  	[smem:$0x3FAB] =	sst s3  }
0xc: {  	[smem:$0x3FAC] =	sst s4  }
0xd: {  	[smem:$0x3FAD] =	sst s5  }
0xe: {  	[smem:$0x3FAE] =	sst s6  }
0xf: {  	[smem:$0x3FAF] =	sst s7  }
0x10: {  	[smem:$0x3FB0] =	sst s8  }
0x11: {  	[smem:$0x3FB1] =	sst s9;
	s0 =	simm.s32 @!p0 $0x0  }
0x12: {  	s1 =	sld [smem:$0x3F97];
	s0 =	simm.s32 @p0 $0x1  }
0x13: {  	[smem:$0x3FB2] =	sst s0;
	s0 =	simm.s32 @!p1 $0x0  }
0x14: {  	s2 =	sld [smem:$0x3F96];
	s0 =	simm.s32 @p1 $0x1  }
0x15: {  	[smem:$0x3FB3] =	sst s0;
	s0 =	simm.s32 @!p2 $0x0  }
0x16: {  	s3 =	sld [smem:$0x3FDB];
	s0 =	simm.s32 @p2 $0x1  }
0x17: {  	s4 =	simm.s32 $0x1BF5;
	[smem:$0x3FB5] =	sst s0  }
0x18: {  	s0 =	sld [smem:$0x3F98];
	_ =	swait.ge [sflag:s4], $0x0  }
0x19: {  	s7 =	sld [smem:$0x3F99]  }
0x1a: {  	s8 =	sadd.s32 $0xFFFFE003, lr  }
0x1b: {  	s9 =	sadd.s32 $0xFFFFFEF7, lr;
	s5 =	simm.s32 $0xFFFFFFFF;
	p2 =	slt.u32 s8, $0xFFFFF086  }
0x1c: {  	p1 =	slt.u32 s9, $0xF7A;
	s5 =	simm.s32 @!p2 $0x0  }
0x1d: {  	s5 =	simm.s32 @p1 $0x1;
	p0 =	seq.s32 s7, s2  }
0x1e: {  	s7 =	smul.u32 @!p0 $0xF7A, s2;
	p2 =	seq.s32 @!p0 s5, $0x0  }
0x1f: {  	s9 =	smul.u32 $0xF7A, s1;
	s8 =	simm.s32 @!p0 $0x1BF5;
	p2 =	por !p2, p0  }
0x20: {  	[sflag:s8] =	ssyncset.s32 @!p0 $0xFFFFF086;
	s6 =	sadd.s32 @!p0 s3, s7;
	s7 =	simm.s32 @!p0 $0x108  }
0x21: {  	s3 =	sadd.s32 s3, s9;
	s6 =	sadd.s32 @!p0 $0x88, s6;
	s7 =	simm.s32 @p2 $0x1082  }
0x22: {  	[simem:s7], [sflag:s8] =	dma.local @!p0 [hbm:s6], $0xF7A  }
0x23: {  	s9 =	sor.u32 $0xD0000000, s2;
	s6 =	simm.s32 $0x108;
	_ =	swait.ge @!p0 [sflag:s8], $0x0  }
0x24: {  	s3 =	sadd.s32 $0x88, s3;
	s6 =	simm.s32 @!p1 $0x1082;
	[sflag:s4] =	ssyncset.s32 $0xFFFFF086  }
0x25: {  	[simem:s6], [sflag:s4] =	dma.local [hbm:s3], $0xF7A  }
0x26: {  	[smem:$0x3F99] =	sst s1;
	(tag) =	ssettag s2;
	_ =	strace s9  }
0x27: {  	s1 =	sld [smem:$0x3FA9]  }
0x28: {  	s2 =	sld [smem:$0x3FAA]  }
0x29: {  	s4 =	sld [smem:$0x3FAC]  }
0x2a: {  	p0 =	seq.s32 s5, $0x0;
	s5 =	sld [smem:$0x3FAD]  }
0x2b: {  	s6 =	sld [smem:$0x3FAE]  }
0x2c: {  	s7 =	sld [smem:$0x3FAF]  }
0x2d: {  	s3 =	simm.s32 $0x108;
	s8 =	sld [smem:$0x3FB0]  }
0x2e: {  	s3 =	simm.s32 @!p0 $0x1082;
	s9 =	sld [smem:$0x3FB1]  }
0x2f: {  	lr =	sadd.s32 s0, s3;
	s0 =	sld [smem:$0x3FA8]  }
0x30: {  	s3 =	sld [smem:$0x3FAB]  }
0x31: {  	[smem:$0x3FB4] =	sst s10  }
0x32: {  	s10 =	sld [smem:$0x3FB2];
	_ =	sdelay $0x3  }
0x33: {  	p0 =	seq.s32 s10, $0x1;
	s10 =	sld [smem:$0x3FB4];
	_ =	sdelay $0x3  }
0x34: {  	[smem:$0x3FB4] =	sst s10  }
0x35: {  	s10 =	sld [smem:$0x3FB3];
	_ =	sdelay $0x3  }
0x36: {  	p1 =	seq.s32 s10, $0x1;
	s10 =	sld [smem:$0x3FB4];
	_ =	sdelay $0x3  }
0x37: {  	[smem:$0x3FB4] =	sst s10  }
0x38: {  	s10 =	sld [smem:$0x3FB5]  }
0x39: {  	_ = 	snop;
	(pc) =	sbr.ind lr, $3  }
0x3a: {  	_ = 	snop  }
0x3b: {  	_ = 	snop  }
0x3c: {  	p2 =	seq.s32 s10, $0x1;
	s10 =	sld [smem:$0x3FB4]  }
0x3d: {  	_ =	shalt  }
0x3e: {  	_ =	shalt  }
0x3f: {  	_ =	shalt  }
0x40: {  	_ =	shalt  }
0x41: {  	_ =	shalt  }
0x42: {  	_ =	shalt  }
0x43: {  	_ =	shalt  }
0x44: {  	_ =	shalt  }
0x45: {  	_ =	shalt  }
0x46: {  	_ =	shalt  }
0x47: {  	_ =	shalt  }
0x48: {  	_ =	shalt  }
0x49: {  	_ =	shalt  }
0x4a: {  	_ =	shalt  }
0x4b: {  	_ =	shalt  }
0x4c: {  	_ =	shalt  }
0x4d: {  	_ =	shalt  }
0x4e: {  	_ =	shalt  }
0x4f: {  	_ =	shalt  }
0x50: {  	_ =	shalt  }
0x51: {  	_ =	shalt  }
0x52: {  	_ =	shalt  }
0x53: {  	_ =	shalt  }
0x54: {  	_ =	shalt  }
0x55: {  	_ =	shalt  }
0x56: {  	_ =	shalt  }
0x57: {  	_ =	shalt  }
0x58: {  	_ =	shalt  }
0x59: {  	_ =	shalt  }
0x5a: {  	_ =	shalt  }
0x5b: {  	_ =	shalt  }
0x5c: {  	_ =	shalt  }
0x5d: {  	_ =	shalt  }
0x5e: {  	_ =	shalt  }
0x5f: {  	_ =	shalt  }
0x60: {  	_ =	shalt  }
0x61: {  	_ =	shalt  }
0x62: {  	_ =	shalt  }
0x63: {  	_ =	shalt  }
0x64: {  	_ =	shalt  }
0x65: {  	_ =	shalt  }
0x66: {  	_ =	shalt  }
0x67: {  	_ =	shalt  }
0x68: {  	_ =	shalt  }
0x69: {  	_ =	shalt  }
0x6a: {  	_ =	shalt  }
0x6b: {  	_ =	shalt  }
0x6c: {  	_ =	shalt  }
0x6d: {  	_ =	shalt  }
0x6e: {  	_ =	shalt  }
0x6f: {  	_ =	shalt  }
0x70: {  	_ =	shalt  }
0x71: {  	_ =	shalt  }
0x72: {  	_ =	shalt  }
0x73: {  	_ =	shalt  }
0x74: {  	_ =	shalt  }
0x75: {  	_ =	shalt  }
0x76: {  	_ =	shalt  }
0x77: {  	_ =	shalt  }
0x78: {  	_ =	shalt  }
0x79: {  	_ =	shalt  }
0x7a: {  	_ =	shalt  }
0x7b: {  	_ =	shalt  }
0x7c: {  	_ =	shalt  }
0x7d: {  	_ =	shalt  }
0x7e: {  	_ =	shalt  }
0x7f: {  	_ =	shalt  }
0x80: {  	_ =	shalt  }
0x81: {  	_ =	shalt  }
0x82: {  	_ =	shalt  }
0x83: {  	_ =	shalt  }
0x84: {  	_ =	shalt  }
0x85: {  	_ =	shalt  }
0x86: {  	_ =	shalt  }
0x87: {  	_ =	shalt  }
.Lfunc_end0:
.L_simem_size_0:
called_computation.1_lowered:
.L_overlay_start_0:
0x88: {  	s2 =	sld [smem:$0x3FD9]  }
0x89: {  	s3 =	sld [smem:$0x3FFE];
	_ =	sdelay $0x1  }
0x8a: {  	s1 =	srdreg.scid  }
0x8b: {  	s0 =	sand.u32 $0x1, s1  }
0x8c: {  	s17 =	sshll.u32 s0, $0xA;
	s2 =	sadd.s32 s3, s2  }
0x8d: {  	s2 =	sadd.s32 s2, s17  }
0x8e: {  	[smem:$0x3FC0] =	sst s2  }
0x8f: {  	_ = 	snop  }
0x90: {  	s2 =	sld [smem:$0x3FD0];
	(tm) =	ssettm $0x1  }
0x91: {  	s18 =	sld [smem:$0x3FFB];
	_ =	sdelay $0x3  }
0x92: {  	_ =	strace s18  }
0x93: {  	s3 =	sld [smem:$0x3FFC];
	_ =	sdelay $0x3  }
0x94: {  	_ =	strace s3  }
0x95: {  	s3 =	sld [smem:$0x3FFD];
	_ =	sdelay $0x3  }
0x96: {  	_ =	strace s3  }
0x97: {  	_ =	strace $0x8FFFFFFF  }
0x98: {  	s19 =	sld [smem:$0x3FDB];
	_ =	sdelay $0x1  }
0x99: {  	s4 =	simm.s32 $_scs_section_size  }
0x9a: {  	s5 =	simm.s32 $_size__tile_overlayer_lowered;
	s6 =	simm.s32 $_tile_overlayer_lowered  }
0x9b: {  	s22 =	simm.s32 $0x1BFF;
	s21 =	sshll.u32 s6, $0x1;
	s3 =	sadd.s32 s4, s19  }
0x9c: {  	s7 =	simm.s32 $0x0;
	s20 =	sshll.u32 s5, $0x1;
	s5 =	sadd.s32 s21, s3  }
0x9d: {  	[timem:s7], [sflag:s22] =	dma.local [hbm:s5], s20  }
0x9e: {  	_ =	swait.ge [sflag:s22], s20  }
0x9f: {  	s4 =	ssub.s32 $0x0, s20;
	[sflag:s22] =	ssyncset.done $0x0  }
0xa0: {  	[sflag:s22] =	ssyncadd.s32 s4;
	_ =	sdelay $0x1  }
0xa1: {  	s23 =	simm.s32 $0x1B8B  }
0xa2: {  	_ =	swait.ge [sflag:s23], $0x1  }
0xa3: {  	[sflag:s23] =	ssyncset.done $0x0  }
0xa4: {  	s25 =	simm.s32 $0x1B8E;
	s24 =	sld [smem:$0x3FFE];
	[sflag:s23] =	ssyncadd.s32 $0xFFFFFFFF  }
0xa5: {  	s26 =	simm.s32 $execute0_lowered;
	[smem:$0x3FD2] =	sst s25  }
0xa6: {  	s5 =	sshll.u32 s26, $0x1;
	_ =	strace $0x80000049;
	[dreg:$0x1] =	wrdreg $0xFFFFFFFF  }
0xa7: {  	s28 =	simm.s32 $_size_execute0_lowered;
	s3 =	sadd.s32 s3, s5;
	[dreg:$0x0] =	wrdreg $0x0  }
0xa8: {  	s5 =	sshll.u32 s28, $0x1;
	[dreg:$0x2] =	wrdreg s3  }
0xa9: {  	[dreg:$0x3] =	wrdreg s5  }
0xaa: {  	[dreg:$0x4] =	wrdreg $0xC0  }
0xab: {  	_ =	task [dreg:s7], $0x5FFFF  }
0xac: {  	[dreg:$0x1] =	wrdreg $0xFFFFFFFF  }
0xad: {  	[dreg:$0x0] =	wrdreg $0x60  }
0xae: {  	[dreg:$0x2] =	wrdreg s24  }
0xaf: {  	[dreg:$0x3] =	wrdreg s2  }
0xb0: {  	[dreg:$0x4] =	wrdreg $0x81000  }
0xb1: {  	[dreg:$0x5] =	wrdreg $0x9  }
0xb2: {  	_ =	task.clear_ibuf [dreg:s7], $0x6FFFF;
	_ =	strace $0x90000049  }
0xb3: {  	s29 =	simm.s32 $0x9;
	_ =	strace $0x8000004B  }
0xb4: {  	_ =	swait.ge [sflag:s29], $0x1  }
0xb5: {  	[sflag:s29] =	ssyncadd.s32 $0xFFFFFFFF  }
0xb6: {  	_ =	strace $0x9000004B  }
0xb7: {  	_ =	sfence  }
0xb8: {  	s30 =	sld [smem:$0x0];
	_ =	sdelay $0x2  }
0xb9: {  	s31 =	sshll.u32 s1, $0xD;
	s1 =	sshrl.u32 s1, $0x2  }
0xba: {  	s3 =	sand.u32 $0x4000, s31;
	s1 =	sadd.s32 s1, s30  }
0xbb: {  	s0 =	sor.u32 s3, s0;
	s1 =	sshll.u32 s1, $0x11  }
0xbc: {  	s0 =	sor.u32 s1, s0  }
0xbd: {  	s0 =	sadd.s32 $0x8F2B, s0  }
0xbe: {  	[sflag:s0] =	ssyncadd.remote.s32 $0x1  }
0xbf: {  	_ =	sfence.sel $0xFFFF  }
0xc0: {  	[dreg:$0x0] =	wrdreg $0xFFFFFFFF;
	(pc) =	sbr.abs _section_cstart, $3  }
0xc1: {  	[dreg:$0x1] =	wrdreg $0xFFFFFFFF  }
0xc2: {  	_ =	task.clear_ibuf [dreg:s7], $0x2FFFF;
	_ =	strace $0x9FFFFFFF  }
0xc3: {  	(tm) =	ssettm $0x7FFFFFFF  }
tec
execute0_lowered:
.L_overlay_start_1:
0x0: {  	(tag) =	ssettag $0x1  }
0x1: {  	s10 =	rddreg [dreg:$0x0]  }
0x2: {  	s0 =	srdreg.scid;
	s2 =	rddreg [dreg:$0x1]  }
0x3: {  	s3 =	rddreg [dreg:$0x2];
	s4 =	simm.s32 $0x0;
	s13 =	simm.s32 $0x3F200  }
0x4: {  	s15 =	simm.s32 $0x50;
	s16 =	simm.s32 $0x2900;
	s17 =	simm.s32 $0x5100  }
0x5: {  	s18 =	simm.s32 $0x1;
	s19 =	simm.s32 $0x2800;
	s20 =	simm.s32 $0x2  }
0x6: {  	s21 =	simm.s32 $0x3;
	s22 =	simm.s32 $0x2880;
	s23 =	simm.s32 $0x4  }
0x7: {  	s24 =	simm.s32 $0x12C0;
	s7 =	sand.u32 $0x1, s0;
	s0 =	stileid.u32  }
0x8: {  	[smem:$0x7FF] =	sst s4;
	s1 =	sshll.u32 s7, $0x4;
	s6 =	smul.u32 $0x50000, s0  }
0x9: {  	s8 =	ssub.s32 $0x2, s7;
	s14 =	smul.u32 $0x2800, s0;
	s5 =	sor.u32 s0, s1  }
0xa: {  	p0 =	seq.s32 s7, $0x1;
	s1 =	rddreg [dreg:$0x3];
	s5 =	smul.u32 $0x2710, s5  }
0xb: {  	_ =	strace $0x8000004A;
	s9 =	sshrl.u32 s8, $0x1;
	s13 =	simm.s32 @!p0 $0x17200  }
0xc: {  	s6 =	sshrl.u32 s6, $0x2;
	s12 =	ssub.s32 s8, s9;
	s5 =	sshrl.u32 s5, $0x3  }
0xd: {  	s31 =	sadd.s32 s13, s10;
	s13 =	simm.s32 $0x5;
	s11 =	sadd.s32 s5, s10  }
0xe: {  	s5 =	sadd.s32 s6, s3;
	s10 =	smax.u32 s12, $0x1;
	s12 =	simm.s32 $0x7900  }
0xf: {  	s6 =	sadd.s32 $0x3800, s11;
	s7 =	sadd.s32 $0xD440, s11;
	s8 =	sadd.s32 $0x3A80, s11  }
0x10: {  	v0 =	vimm.f32 $0.0e+00;
	s9 =	sadd.s32 $0xD6C0, s11;
	s11 =	sadd.s32 s31, s14;
	s14 =	simm.s32 $0x1400  }
.LBB2_1:
0x11: {  	s25 =	simm.s32 $0x0;
	s26 =	simm.s32 $0x200  }
.LBB2_2:
0x12: {  	p0 =	sne.s32 s26, $0x1E00;
	[tilespmem:s25+$0x7970] =	vst v0  }
0x13: {  	[tilespmem:s25+$0x7900] =	vst v0  }
0x14: {  	[tilespmem:s25+$0x7910] =	vst v0  }
.Ltmp0:
0x15: {  	[tilespmem:s25+$0x7920] =	vst v0;
	(pc) =	sbr.rel @p0 .LBB2_2-.Ltmp0, $4  }
0x16: {  	[tilespmem:s25+$0x7930] =	vst v0  }
0x17: {  	[tilespmem:s25+$0x7940] =	vst v0  }
0x18: {  	[tilespmem:s25+$0x7950] =	vst v0  }
0x19: {  	[tilespmem:s25+$0x7960] =	vst v0;
	s25 =	sshra.s32 s26, $0x2;
	s26 =	sadd.s32 $0x200, s26  }
0x1a: {  	[tilespmem:s25+$0x7970] =	vst v0  }
0x1b: {  	[tilespmem:s25+$0x7900] =	vst v0  }
0x1c: {  	[tilespmem:s25+$0x7910] =	vst v0  }
0x1d: {  	[tilespmem:s25+$0x7920] =	vst v0  }
0x1e: {  	[tilespmem:s25+$0x7930] =	vst v0  }
0x1f: {  	[tilespmem:s25+$0x7940] =	vst v0  }
0x20: {  	[tilespmem:s25+$0x7950] =	vst v0  }
0x21: {  	[tilespmem:s25+$0x7960] =	vst v0;
	s31 =	sadd.s32 $0x0, s5  }
0x22: {  	[spmem:s31] =	stream.linear.scatter [tilespmem:s12], [sflag:$0x5], $0x800, $0x38;
	[tilespmem:$0x1C100] =	vst v63  }
0x23: {  	s25 =	simm.s32 $0x2000;
	_ =	swait.ge [sflag:s13], $0x800  }
.LBB2_4:
0x24: {  	s26 =	sshra.s32 s25, $0x2;
	[sflag:s13] =	ssyncset.done $0x0;
	p0 =	sne.s32 s25, $0x4E000  }
.Ltmp1:
0x25: {  	s26 =	sadd.s32 s26, s5;
	[sflag:s13] =	ssyncadd.s32 $0xFFFFF800;
	(pc) =	sbr.rel @p0 .LBB2_4-.Ltmp1, $3  }
0x26: {  	[spmem:s26] =	stream.linear.scatter [tilespmem:s12], [sflag:$0x5], $0x800, $0x38;
	[tilespmem:$0x1C100] =	vst v63  }
0x27: {  	s25 =	sadd.s32 $0x2000, s25;
	_ =	sdelay $0x1  }
0x28: {  	_ =	swait.ge [sflag:s13], $0x800  }
0x29: {  	[sflag:s13] =	ssyncset.done $0x0  }
0x2a: {  	[sflag:s13] =	ssyncadd.s32 $0xFFFFF800  }
0x2b: {  	s25 =	simm.s32 $0x0;
	[bflag:$0x0] =	sbarrier.arrive $0xFFFF  }
0x2c: {  	[tilespmem:s25], [sflag:$0x5] =	stream.linear.gather [hbm4b:s6+s25], $0x1400, $0x38;
	[tilespmem:$0x1C100] =	vst v63  }
0x2d: {  	_ =	swait.ge [sflag:s13], $0x1400  }
0x2e: {  	[sflag:s13] =	ssyncset.done $0x0  }
0x2f: {  	[sflag:s13] =	ssyncadd.s32 $0xFFFFEC00  }
0x30: {  	[tilespmem:s14], [sflag:$0x5] =	stream.linear.gather [hbm4b:s7+s25], $0x1400, $0x38;
	[tilespmem:$0x1C100] =	vst v63  }
0x31: {  	_ =	swait.ge [sflag:s13], $0x1400  }
0x32: {  	[sflag:s13] =	ssyncset.done $0x0  }
0x33: {  	[sflag:s13] =	ssyncadd.s32 $0xFFFFEC00  }
0x34: {  	[tilespmem:s16], [sflag:$0x1] =	stream.indirect.gather [hbm4b:s2+s15], $0x80, s25, s15, $0xb8;
	[tilespmem:$0x1C100] =	vst v63  }
0x35: {  	s26 =	simm.s32 $0x1450  }
0x36: {  	[tilespmem:s17], [sflag:$0x2] =	stream.indirect.gather [hbm4b:s2+s15], $0x80, s15, s15, $0xb8;
	[tilespmem:$0x1C100] =	vst v63  }
0x37: {  	v1 =	vld [tilespmem:s26+$0xFFFFFFB0];
	_ =	sdelay $0x4  }
0x38: {  	[tilespmem:$0x2800] =	vst v1  }
0x39: {  	v1 =	vld [tilespmem:s26+$0xFFFFFFC0];
	_ =	sdelay $0x4  }
0x3a: {  	[tilespmem:$0x2810] =	vst v1  }
0x3b: {  	v1 =	vld [tilespmem:s26+$0xFFFFFFD0];
	_ =	sdelay $0x4  }
0x3c: {  	[tilespmem:$0x2820] =	vst v1  }
0x3d: {  	v1 =	vld [tilespmem:s26+$0xFFFFFFE0];
	_ =	sdelay $0x4  }
0x3e: {  	[tilespmem:$0x2830] =	vst v1  }
0x3f: {  	v1 =	vld [tilespmem:s26+$0xFFFFFFF0];
	_ =	sdelay $0x4  }
0x40: {  	[tilespmem:$0x2840] =	vst v1  }
0x41: {  	_ =	swait.ge [sflag:s18], $0x2800  }
0x42: {  	[sflag:s18] =	ssyncset.done $0x0  }
0x43: {  	[sflag:s18] =	ssyncadd.s32 $0xFFFFD800  }
0x44: {  	[spmem:s3] =	stream.indirect.scatter.add.f32 [tilespmem:s16], [sflag:$0x3], $0x80, s19, s15, $0xb8;
	[tilespmem:$0x1C100] =	vst v63  }
0x45: {  	v1 =	vld [tilespmem:s26+$0x0];
	_ =	sdelay $0x4  }
0x46: {  	[tilespmem:$0x2880] =	vst v1  }
0x47: {  	v1 =	vld [tilespmem:s26+$0x10];
	_ =	sdelay $0x4  }
0x48: {  	[tilespmem:$0x2890] =	vst v1  }
0x49: {  	v1 =	vld [tilespmem:s26+$0x20];
	_ =	sdelay $0x4  }
0x4a: {  	s25 =	sand.u32 $0x1FE0, s25;
	[tilespmem:$0x28A0] =	vst v1  }
0x4b: {  	v1 =	vld [tilespmem:s25+$0x1480];
	_ =	sdelay $0x4  }
0x4c: {  	[tilespmem:$0x28B0] =	vst v1  }
0x4d: {  	v1 =	vld [tilespmem:s26+$0x40];
	_ =	sdelay $0x4  }
0x4e: {  	[tilespmem:$0x28C0] =	vst v1  }
0x4f: {  	_ =	swait.ge [sflag:s20], $0x2800  }
0x50: {  	[sflag:s20] =	ssyncset.done $0x0  }
0x51: {  	[sflag:s20] =	ssyncadd.s32 $0xFFFFD800  }
0x52: {  	_ =	swait.ge [sflag:s21], $0x2800  }
0x53: {  	[sflag:s21] =	ssyncset.done $0x0  }
0x54: {  	s31 =	simm.s32 $0xA0;
	[sflag:s21] =	ssyncadd.s32 $0xFFFFD800  }
0x55: {  	[tilespmem:s16], [sflag:$0x1] =	stream.indirect.gather [hbm4b:s2+s15], $0x80, s31, s15, $0xb8;
	[tilespmem:$0x1C100] =	vst v63  }
0x56: {  	_ = 	snop  }
0x57: {  	[spmem:s3] =	stream.indirect.scatter.add.f32 [tilespmem:s17], [sflag:$0x4], $0x80, s22, s15, $0xb8;
	[tilespmem:$0x1C100] =	vst v63  }
0x58: {  	_ =	swait.ge [sflag:s23], $0x2800  }
0x59: {  	s29 =	simm.s32 $0xF0;
	s28 =	simm.s32 $0x140;
	[sflag:s23] =	ssyncset.done $0x0  }
0x5a: {  	s25 =	simm.s32 $0xA0;
	s26 =	simm.s32 $0x14F0;
	[sflag:s23] =	ssyncadd.s32 $0xFFFFD800  }
.LBB2_6:
0x5b: {  	[tilespmem:s17], [sflag:$0x2] =	stream.indirect.gather [hbm4b:s2+s15], $0x80, s29, s15, $0xb8;
	[tilespmem:$0x1C100] =	vst v63  }
0x5c: {  	p0 =	sne.s32 s25, $0x12C0;
	s29 =	smov.u32 s25;
	s25 =	sadd.s32 $0xA0, s25;
	v1 =	vld [tilespmem:s26+$0xFFFFFFB0]  }
0x5d: {  	_ =	sdelay $0x3  }
0x5e: {  	[tilespmem:$0x2800] =	vst v1  }
0x5f: {  	v1 =	vld [tilespmem:s26+$0xFFFFFFC0];
	_ =	sdelay $0x4  }
0x60: {  	[tilespmem:$0x2810] =	vst v1  }
0x61: {  	v1 =	vld [tilespmem:s26+$0xFFFFFFD0];
	_ =	sdelay $0x4  }
0x62: {  	[tilespmem:$0x2820] =	vst v1  }
0x63: {  	v1 =	vld [tilespmem:s26+$0xFFFFFFE0];
	_ =	sdelay $0x4  }
0x64: {  	[tilespmem:$0x2830] =	vst v1  }
0x65: {  	v1 =	vld [tilespmem:s26+$0xFFFFFFF0];
	_ =	sdelay $0x4  }
0x66: {  	[tilespmem:$0x2840] =	vst v1  }
0x67: {  	_ =	swait.ge [sflag:s18], $0x2800  }
0x68: {  	[sflag:s18] =	ssyncset.done $0x0  }
0x69: {  	[sflag:s18] =	ssyncadd.s32 $0xFFFFD800  }
0x6a: {  	[spmem:s3] =	stream.indirect.scatter.add.f32 [tilespmem:s16], [sflag:$0x3], $0x80, s19, s15, $0xb8;
	[tilespmem:$0x1C100] =	vst v63  }
0x6b: {  	v1 =	vld [tilespmem:s26+$0x0];
	_ =	sdelay $0x4  }
0x6c: {  	[tilespmem:$0x2880] =	vst v1  }
0x6d: {  	v1 =	vld [tilespmem:s26+$0x10];
	_ =	sdelay $0x4  }
0x6e: {  	[tilespmem:$0x2890] =	vst v1  }
0x6f: {  	v1 =	vld [tilespmem:s26+$0x20];
	_ =	sdelay $0x4  }
0x70: {  	s29 =	sand.u32 $0x1FE0, s29;
	[tilespmem:$0x28A0] =	vst v1  }
0x71: {  	v1 =	vld [tilespmem:s29+$0x1480];
	_ =	sdelay $0x4  }
0x72: {  	[tilespmem:$0x28B0] =	vst v1  }
0x73: {  	v1 =	vld [tilespmem:s26+$0x40];
	_ =	sdelay $0x4  }
0x74: {  	[tilespmem:$0x28C0] =	vst v1  }
0x75: {  	_ =	swait.ge [sflag:s20], $0x2800  }
0x76: {  	[sflag:s20] =	ssyncset.done $0x0  }
0x77: {  	[sflag:s20] =	ssyncadd.s32 $0xFFFFD800  }
0x78: {  	_ =	swait.ge [sflag:s21], $0x2800  }
0x79: {  	[sflag:s21] =	ssyncset.done $0x0  }
0x7a: {  	[sflag:s21] =	ssyncadd.s32 $0xFFFFD800  }
0x7b: {  	[tilespmem:s16], [sflag:$0x1] =	stream.indirect.gather [hbm4b:s2+s15], $0x80, s28, s15, $0xb8;
	[tilespmem:$0x1C100] =	vst v63  }
.Ltmp2:
0x7c: {  	(pc) =	sbr.rel @p0 .LBB2_6-.Ltmp2, $4  }
0x7d: {  	[spmem:s3] =	stream.indirect.scatter.add.f32 [tilespmem:s17], [sflag:$0x4], $0x80, s22, s15, $0xb8;
	[tilespmem:$0x1C100] =	vst v63  }
0x7e: {  	_ =	swait.ge [sflag:s23], $0x2800  }
0x7f: {  	s26 =	sadd.s32 $0xA0, s26;
	[sflag:s23] =	ssyncset.done $0x0  }
0x80: {  	s29 =	sadd.s32 $0x50, s28;
	s28 =	sadd.s32 $0xA0, s28;
	[sflag:s23] =	ssyncadd.s32 $0xFFFFD800  }
0x81: {  	[tilespmem:s17], [sflag:$0x2] =	stream.indirect.gather [hbm4b:s2+s15], $0x80, s29, s15, $0xb8;
	[tilespmem:$0x1C100] =	vst v63  }
0x82: {  	v1 =	vld [tilespmem:$0x2760]  }
0x83: {  	v2 =	vld [tilespmem:$0x2770]  }
0x84: {  	v3 =	vld [tilespmem:$0x2780]  }
0x85: {  	v4 =	vld [tilespmem:$0x2790]  }
0x86: {  	v5 =	vld [tilespmem:$0x27A0]  }
0x87: {  	[tilespmem:$0x2800] =	vst v1  }
0x88: {  	[tilespmem:$0x2810] =	vst v2  }
0x89: {  	[tilespmem:$0x2820] =	vst v3  }
0x8a: {  	[tilespmem:$0x2830] =	vst v4  }
0x8b: {  	[tilespmem:$0x2840] =	vst v5  }
0x8c: {  	_ =	swait.ge [sflag:s18], $0x2800  }
0x8d: {  	[sflag:s18] =	ssyncset.done $0x0  }
0x8e: {  	[sflag:s18] =	ssyncadd.s32 $0xFFFFD800  }
0x8f: {  	[spmem:s3] =	stream.indirect.scatter.add.f32 [tilespmem:s16], [sflag:$0x3], $0x80, s19, s15, $0xb8;
	[tilespmem:$0x1C100] =	vst v63  }
0x90: {  	v1 =	vld [tilespmem:$0x27B0]  }
0x91: {  	v2 =	vld [tilespmem:$0x27C0]  }
0x92: {  	v3 =	vld [tilespmem:$0x27D0]  }
0x93: {  	v62 =	vld [tilespmem:$0x27E0]  }
0x94: {  	v63 =	vld [tilespmem:$0x27F0]  }
0x95: {  	[tilespmem:$0x2880] =	vst v1  }
0x96: {  	[tilespmem:$0x2890] =	vst v2  }
0x97: {  	[tilespmem:$0x28A0] =	vst v3  }
0x98: {  	[tilespmem:$0x28B0] =	vst v62  }
0x99: {  	[tilespmem:$0x28C0] =	vst v63  }
0x9a: {  	_ =	swait.ge [sflag:s20], $0x2800  }
0x9b: {  	[sflag:s20] =	ssyncset.done $0x0  }
0x9c: {  	[sflag:s20] =	ssyncadd.s32 $0xFFFFD800  }
0x9d: {  	_ =	swait.ge [sflag:s21], $0x2800  }
0x9e: {  	[sflag:s21] =	ssyncset.done $0x0  }
0x9f: {  	[sflag:s21] =	ssyncadd.s32 $0xFFFFD800  }
0xa0: {  	[spmem:s3] =	stream.indirect.scatter.add.f32 [tilespmem:s17], [sflag:$0x4], $0x80, s22, s15, $0xb8;
	[tilespmem:$0x1C100] =	vst v63  }
0xa1: {  	_ =	swait.ge [sflag:s23], $0x2800  }
0xa2: {  	[sflag:s23] =	ssyncset.done $0x0  }
0xa3: {  	s25 =	simm.s32 $0x0;
	[sflag:s23] =	ssyncadd.s32 $0xFFFFD800  }
0xa4: {  	[tilespmem:s25], [sflag:$0x5] =	stream.linear.gather [hbm4b:s8+s25], $0x1310, $0x38;
	[tilespmem:$0x1C100] =	vst v63  }
0xa5: {  	_ =	swait.ge [sflag:s13], $0x1310  }
0xa6: {  	[sflag:s13] =	ssyncset.done $0x0  }
0xa7: {  	[sflag:s13] =	ssyncadd.s32 $0xFFFFECF0  }
0xa8: {  	[tilespmem:s14], [sflag:$0x5] =	stream.linear.gather [hbm4b:s9+s25], $0x1310, $0x38;
	[tilespmem:$0x1C100] =	vst v63  }
0xa9: {  	_ =	swait.ge [sflag:s13], $0x1310  }
0xaa: {  	[sflag:s13] =	ssyncset.done $0x0  }
0xab: {  	[sflag:s13] =	ssyncadd.s32 $0xFFFFECF0  }
0xac: {  	[tilespmem:s16], [sflag:$0x1] =	stream.indirect.gather [hbm4b:s2+s15], $0x80, s25, s15, $0xb8;
	[tilespmem:$0x1C100] =	vst v63  }
0xad: {  	s26 =	simm.s32 $0x1450  }
0xae: {  	[tilespmem:s17], [sflag:$0x2] =	stream.indirect.gather [hbm4b:s2+s15], $0x80, s15, s15, $0xb8;
	[tilespmem:$0x1C100] =	vst v63  }
0xaf: {  	v1 =	vld [tilespmem:s26+$0xFFFFFFB0];
	_ =	sdelay $0x4  }
0xb0: {  	[tilespmem:$0x2800] =	vst v1  }
0xb1: {  	v1 =	vld [tilespmem:s26+$0xFFFFFFC0];
	_ =	sdelay $0x4  }
0xb2: {  	[tilespmem:$0x2810] =	vst v1  }
0xb3: {  	v1 =	vld [tilespmem:s26+$0xFFFFFFD0];
	_ =	sdelay $0x4  }
0xb4: {  	[tilespmem:$0x2820] =	vst v1  }
0xb5: {  	v1 =	vld [tilespmem:s26+$0xFFFFFFE0];
	_ =	sdelay $0x4  }
0xb6: {  	[tilespmem:$0x2830] =	vst v1  }
0xb7: {  	v1 =	vld [tilespmem:s26+$0xFFFFFFF0];
	_ =	sdelay $0x4  }
0xb8: {  	[tilespmem:$0x2840] =	vst v1  }
0xb9: {  	_ =	swait.ge [sflag:s18], $0x2800  }
0xba: {  	[sflag:s18] =	ssyncset.done $0x0  }
0xbb: {  	[sflag:s18] =	ssyncadd.s32 $0xFFFFD800  }
0xbc: {  	[spmem:s3] =	stream.indirect.scatter.add.f32 [tilespmem:s16], [sflag:$0x3], $0x80, s19, s15, $0xb8;
	[tilespmem:$0x1C100] =	vst v63  }
0xbd: {  	v1 =	vld [tilespmem:s26+$0x0];
	_ =	sdelay $0x4  }
0xbe: {  	[tilespmem:$0x2880] =	vst v1  }
0xbf: {  	v1 =	vld [tilespmem:s26+$0x10];
	_ =	sdelay $0x4  }
0xc0: {  	[tilespmem:$0x2890] =	vst v1  }
0xc1: {  	v1 =	vld [tilespmem:s26+$0x20];
	_ =	sdelay $0x4  }
0xc2: {  	s25 =	sand.u32 $0x1FE0, s25;
	[tilespmem:$0x28A0] =	vst v1  }
0xc3: {  	v1 =	vld [tilespmem:s25+$0x1480];
	_ =	sdelay $0x4  }
0xc4: {  	[tilespmem:$0x28B0] =	vst v1  }
0xc5: {  	v1 =	vld [tilespmem:s26+$0x40];
	_ =	sdelay $0x4  }
0xc6: {  	[tilespmem:$0x28C0] =	vst v1  }
0xc7: {  	_ =	swait.ge [sflag:s20], $0x2800  }
0xc8: {  	[sflag:s20] =	ssyncset.done $0x0  }
0xc9: {  	[sflag:s20] =	ssyncadd.s32 $0xFFFFD800  }
0xca: {  	_ =	swait.ge [sflag:s21], $0x2800  }
0xcb: {  	[sflag:s21] =	ssyncset.done $0x0  }
0xcc: {  	s31 =	simm.s32 $0xA0;
	[sflag:s21] =	ssyncadd.s32 $0xFFFFD800  }
0xcd: {  	[tilespmem:s16], [sflag:$0x1] =	stream.indirect.gather [hbm4b:s2+s15], $0x80, s31, s15, $0xb8;
	[tilespmem:$0x1C100] =	vst v63  }
0xce: {  	_ = 	snop  }
0xcf: {  	[spmem:s3] =	stream.indirect.scatter.add.f32 [tilespmem:s17], [sflag:$0x4], $0x80, s22, s15, $0xb8;
	[tilespmem:$0x1C100] =	vst v63  }
0xd0: {  	_ =	swait.ge [sflag:s23], $0x2800  }
0xd1: {  	s29 =	simm.s32 $0xF0;
	s28 =	simm.s32 $0x140;
	[sflag:s23] =	ssyncset.done $0x0  }
0xd2: {  	s25 =	simm.s32 $0xA0;
	s26 =	simm.s32 $0x14F0;
	[sflag:s23] =	ssyncadd.s32 $0xFFFFD800  }
.LBB2_8:
0xd3: {  	[tilespmem:s17], [sflag:$0x2] =	stream.indirect.gather [hbm4b:s2+s15], $0x80, s29, s15, $0xb8;
	[tilespmem:$0x1C100] =	vst v63  }
0xd4: {  	p0 =	sne.s32 s25, $0x1180;
	s29 =	smov.u32 s25;
	s25 =	sadd.s32 $0xA0, s25;
	v1 =	vld [tilespmem:s26+$0xFFFFFFB0]  }
0xd5: {  	_ =	sdelay $0x3  }
0xd6: {  	[tilespmem:$0x2800] =	vst v1  }
0xd7: {  	v1 =	vld [tilespmem:s26+$0xFFFFFFC0];
	_ =	sdelay $0x4  }
0xd8: {  	[tilespmem:$0x2810] =	vst v1  }
0xd9: {  	v1 =	vld [tilespmem:s26+$0xFFFFFFD0];
	_ =	sdelay $0x4  }
0xda: {  	[tilespmem:$0x2820] =	vst v1  }
0xdb: {  	v1 =	vld [tilespmem:s26+$0xFFFFFFE0];
	_ =	sdelay $0x4  }
0xdc: {  	[tilespmem:$0x2830] =	vst v1  }
0xdd: {  	v1 =	vld [tilespmem:s26+$0xFFFFFFF0];
	_ =	sdelay $0x4  }
0xde: {  	[tilespmem:$0x2840] =	vst v1  }
0xdf: {  	_ =	swait.ge [sflag:s18], $0x2800  }
0xe0: {  	[sflag:s18] =	ssyncset.done $0x0  }
0xe1: {  	[sflag:s18] =	ssyncadd.s32 $0xFFFFD800  }
0xe2: {  	[spmem:s3] =	stream.indirect.scatter.add.f32 [tilespmem:s16], [sflag:$0x3], $0x80, s19, s15, $0xb8;
	[tilespmem:$0x1C100] =	vst v63  }
0xe3: {  	v1 =	vld [tilespmem:s26+$0x0];
	_ =	sdelay $0x4  }
0xe4: {  	[tilespmem:$0x2880] =	vst v1  }
0xe5: {  	v1 =	vld [tilespmem:s26+$0x10];
	_ =	sdelay $0x4  }
0xe6: {  	[tilespmem:$0x2890] =	vst v1  }
0xe7: {  	v1 =	vld [tilespmem:s26+$0x20];
	_ =	sdelay $0x4  }
0xe8: {  	s29 =	sand.u32 $0x1FE0, s29;
	[tilespmem:$0x28A0] =	vst v1  }
0xe9: {  	v1 =	vld [tilespmem:s29+$0x1480];
	_ =	sdelay $0x4  }
0xea: {  	[tilespmem:$0x28B0] =	vst v1  }
0xeb: {  	v1 =	vld [tilespmem:s26+$0x40];
	_ =	sdelay $0x4  }
0xec: {  	[tilespmem:$0x28C0] =	vst v1  }
0xed: {  	_ =	swait.ge [sflag:s20], $0x2800  }
0xee: {  	[sflag:s20] =	ssyncset.done $0x0  }
0xef: {  	[sflag:s20] =	ssyncadd.s32 $0xFFFFD800  }
0xf0: {  	_ =	swait.ge [sflag:s21], $0x2800  }
0xf1: {  	[sflag:s21] =	ssyncset.done $0x0  }
0xf2: {  	[sflag:s21] =	ssyncadd.s32 $0xFFFFD800  }
0xf3: {  	[tilespmem:s16], [sflag:$0x1] =	stream.indirect.gather [hbm4b:s2+s15], $0x80, s28, s15, $0xb8;
	[tilespmem:$0x1C100] =	vst v63  }
.Ltmp3:
0xf4: {  	(pc) =	sbr.rel @p0 .LBB2_8-.Ltmp3, $4  }
0xf5: {  	[spmem:s3] =	stream.indirect.scatter.add.f32 [tilespmem:s17], [sflag:$0x4], $0x80, s22, s15, $0xb8;
	[tilespmem:$0x1C100] =	vst v63  }
0xf6: {  	_ =	swait.ge [sflag:s23], $0x2800  }
0xf7: {  	s26 =	sadd.s32 $0xA0, s26;
	[sflag:s23] =	ssyncset.done $0x0  }
0xf8: {  	s29 =	sadd.s32 $0x50, s28;
	s28 =	sadd.s32 $0xA0, s28;
	[sflag:s23] =	ssyncadd.s32 $0xFFFFD800  }
0xf9: {  	[tilespmem:s17], [sflag:$0x2] =	stream.indirect.gather [hbm4b:s2+s15], $0x80, s29, s15, $0xb8;
	[tilespmem:$0x1C100] =	vst v63  }
0xfa: {  	v1 =	vld [tilespmem:$0x2620]  }
0xfb: {  	v2 =	vld [tilespmem:$0x2630]  }
0xfc: {  	v3 =	vld [tilespmem:$0x2640]  }
0xfd: {  	v4 =	vld [tilespmem:$0x2650]  }
0xfe: {  	v5 =	vld [tilespmem:$0x2660]  }
0xff: {  	[tilespmem:$0x2800] =	vst v1  }
0x100: {  	[tilespmem:$0x2810] =	vst v2  }
0x101: {  	[tilespmem:$0x2820] =	vst v3  }
0x102: {  	[tilespmem:$0x2830] =	vst v4  }
0x103: {  	[tilespmem:$0x2840] =	vst v5  }
0x104: {  	_ =	swait.ge [sflag:s18], $0x2800  }
0x105: {  	[sflag:s18] =	ssyncset.done $0x0  }
0x106: {  	[sflag:s18] =	ssyncadd.s32 $0xFFFFD800  }
0x107: {  	[spmem:s3] =	stream.indirect.scatter.add.f32 [tilespmem:s16], [sflag:$0x3], $0x80, s19, s15, $0xb8;
	[tilespmem:$0x1C100] =	vst v63  }
0x108: {  	v1 =	vld [tilespmem:$0x2670]  }
0x109: {  	v2 =	vld [tilespmem:$0x2680]  }
0x10a: {  	v3 =	vld [tilespmem:$0x2690]  }
0x10b: {  	v60 =	vld [tilespmem:$0x26A0]  }
0x10c: {  	v61 =	vld [tilespmem:$0x26B0]  }
0x10d: {  	[tilespmem:$0x2880] =	vst v1  }
0x10e: {  	[tilespmem:$0x2890] =	vst v2  }
0x10f: {  	[tilespmem:$0x28A0] =	vst v3  }
0x110: {  	[tilespmem:$0x28B0] =	vst v60  }
0x111: {  	[tilespmem:$0x28C0] =	vst v61  }
0x112: {  	_ =	swait.ge [sflag:s20], $0x2800  }
0x113: {  	[sflag:s20] =	ssyncset.done $0x0  }
0x114: {  	[sflag:s20] =	ssyncadd.s32 $0xFFFFD800  }
0x115: {  	_ =	swait.ge [sflag:s21], $0x2800  }
0x116: {  	[sflag:s21] =	ssyncset.done $0x0  }
0x117: {  	[sflag:s21] =	ssyncadd.s32 $0xFFFFD800  }
0x118: {  	[tilespmem:s16], [sflag:$0x1] =	stream.indirect.gather [hbm4b:s2+s15], $0x80, s24, s15, $0xb8;
	[tilespmem:$0x1C100] =	vst v63  }
0x119: {  	_ = 	snop  }
0x11a: {  	[spmem:s3] =	stream.indirect.scatter.add.f32 [tilespmem:s17], [sflag:$0x4], $0x80, s22, s15, $0xb8;
	[tilespmem:$0x1C100] =	vst v63  }
0x11b: {  	_ =	swait.ge [sflag:s23], $0x2800  }
0x11c: {  	[sflag:s23] =	ssyncset.done $0x0  }
0x11d: {  	[sflag:s23] =	ssyncadd.s32 $0xFFFFD800  }
0x11e: {  	v1 =	vld [tilespmem:$0x26C0]  }
0x11f: {  	v2 =	vld [tilespmem:$0x26D0]  }
0x120: {  	v3 =	vld [tilespmem:$0x26E0]  }
0x121: {  	v62 =	vld [tilespmem:$0x26F0]  }
0x122: {  	v63 =	vld [tilespmem:$0x2700]  }
0x123: {  	[tilespmem:$0x2800] =	vst v1  }
0x124: {  	[tilespmem:$0x2810] =	vst v2  }
0x125: {  	[tilespmem:$0x2820] =	vst v3  }
0x126: {  	[tilespmem:$0x2830] =	vst v62  }
0x127: {  	[tilespmem:$0x2840] =	vst v63  }
0x128: {  	_ =	swait.ge [sflag:s18], $0x2800  }
0x129: {  	[sflag:s18] =	ssyncset.done $0x0  }
0x12a: {  	[sflag:s18] =	ssyncadd.s32 $0xFFFFD800  }
0x12b: {  	[spmem:s3] =	stream.indirect.scatter.add.f32 [tilespmem:s16], [sflag:$0x3], $0x80, s19, s15, $0xb8;
	[tilespmem:$0x1C100] =	vst v63  }
0x12c: {  	_ =	swait.ge [sflag:s21], $0x2800  }
0x12d: {  	s25 =	sshll.u32 s0, $0x6;
	s4 =	sadd.s32 $0x1, s4;
	[sflag:s21] =	ssyncset.done $0x0  }
0x12e: {  	s26 =	sshrl.u32 s5, $0x3;
	p0 =	sne.s32 s4, s10;
	[sflag:s21] =	ssyncadd.s32 $0xFFFFD800  }
.Ltmp4:
0x12f: {  	s25 =	sor.u32 $0x1C05, s25;
	[bflag:$0x0] =	sbarrier.arrive $0xFFFF;
	(pc) =	sbr.rel @p0 .LBB2_1-.Ltmp4, $4  }
0x130: {  	[hbm:s11], [sflag:s25] =	dma.local [spmem:s26], $0x2800  }
0x131: {  	_ =	swait.ge [sflag:s13], $0x2800  }
0x132: {  	[sflag:s13] =	ssyncset.done $0x0  }
0x133: {  	[sflag:s13] =	ssyncadd.s32 $0xFFFFD800  }
0x134: {  	_ =	sfence.sel $0x180000  }
0x135: {  	[bflag:$0x0] =	sbarrier.arrive $0xFFFF  }
0x136: {  	p0 =	sne.s32 s0, $0x0;
	_ =	strace $0x9000004A  }
0x137: {  	s0 =	sadd.s32 @!p0 $0x100000, s1;
	[bflag:$0x2] =	sbarrier.arrive $0xFFFF  }
0x138: {  	[sflag:s0] =	ssyncadd.tile.s32 @!p0 $0x1;
	_ =	shalt  }
.Lfunc_end2:
_tile_overlayer_lowered:
.L_overlay_start_2:
0x139: {  	(tag) =	ssettag $0x2  }
0x13a: {  	s0 =	rddreg [dreg:$0x0];
	s2 =	stileid.u32  }
0x13b: {  	s1 =	rddreg [dreg:$0x1];
	p0 =	sne.s32 s2, $0x0  }
0x13c: {  	s3 =	rddreg [dreg:$0x2];
	[bflag:$0x3] =	sbarrier.arrive $0xFFFF;
	s2 =	simm.s32 @!p0 $0x1C05  }
0x13d: {  	[timem:s3], [sflag:s2] =	dma.local @!p0 [hbm:s0], s1  }
0x13e: {  	s0 =	simm.s32 @!p0 $0x5  }
0x13f: {  	_ =	swait.ge @!p0 [sflag:s0], s1  }
0x140: {  	s1 =	ssub.s32 @!p0 $0x0, s1;
	[sflag:s0] =	ssyncset.done @!p0 $0x0  }
0x141: {  	[sflag:s0] =	ssyncadd.s32 @!p0 s1  }
0x142: {  	[bflag:$0x3] =	sbarrier.arrive $0xFFFF  }
0x143: {  	_ =	shalt  }

</sc_bundles>
